<compile_context>
chip_gen: v7x
topology: tpu7x:2x2x1
jax: 0.10.2.dev20260603
libtpu: 0.0.44.dev20260713+nightly
codegen_flags: <defaults>
</compile_context>

<pallas_src>
import functools

import jax
import jax.numpy as jnp
from jax import lax
from jax.experimental import pallas as pl
from jax.experimental.pallas import tpu as pltpu
from jax.experimental.pallas import tpu_sc as plsc

V = 1000000
B = 16384
D = 64
K = 5
R = K + 2
NC = 2
NS = 16
NW = NC * NS
BPW = B // NW
C = 64
NCH = BPW // C
L = 16


def _sc_body(pos_v_hbm, pos_u_hbm, negu_hbm, vtab_hbm, utab_hbm,
             spos_hbm, sneg_hbm,
             idxv, idxu, idxn, rows, sp, sn, sem):
    wid = lax.axis_index("s") * NC + lax.axis_index("c")
    base = wid * BPW

    def chunk_body(ch, _carry):
        cb = base + ch * C
        pltpu.sync_copy(pos_v_hbm.at[pl.ds(cb, C)], idxv)
        pltpu.sync_copy(pos_u_hbm.at[pl.ds(cb, C)], idxu)
        pltpu.sync_copy(negu_hbm.at[pl.ds(cb * K, C * K)], idxn)

        def issue(g, _):
            gb = g * L
            vecv = idxv[pl.ds(gb, L)]
            vecu = idxu[pl.ds(gb, L)]
            vecn = [idxn[pl.ds(gb * K + k * L, L)] for k in range(K)]
            for i in range(L):
                rb = (gb + i) * R
                pltpu.async_copy(vtab_hbm.at[pl.ds(vecv[i], 1)],
                                 rows.at[pl.ds(rb, 1)], sem)
                pltpu.async_copy(utab_hbm.at[pl.ds(vecu[i], 1)],
                                 rows.at[pl.ds(rb + 1, 1)], sem)
                ii = i * K
                for k in range(K):
                    jn = vecn[(ii + k) // L][(ii + k) % L]
                    pltpu.async_copy(utab_hbm.at[pl.ds(jn, 1)],
                                     rows.at[pl.ds(rb + 2 + k, 1)], sem)
            return 0

        lax.fori_loop(0, C // L, issue, 0)
        pltpu.make_async_copy(vtab_hbm.at[pl.ds(0, C * R)], rows, sem).wait()

        def compute_b(b, _):
            rb = b * R
            pv = jnp.zeros((L,), jnp.float32)
            nv = jnp.zeros((L,), jnp.float32)
            for j in range(D // L):
                s = pl.ds(j * L, L)
                vj = rows[rb, s]
                pv = pv + vj * rows[rb + 1, s]
                nsum = rows[rb + 2, s]
                for k in range(1, K):
                    nsum = nsum + rows[rb + 2 + k, s]
                nv = nv + vj * nsum
            sp[pl.ds((ch * C + b) * L, L)] = pv
            sn[pl.ds((ch * C + b) * L, L)] = nv
            return 0

        lax.fori_loop(0, C, compute_b, 0)
        return 0

    lax.fori_loop(0, NCH, chunk_body, 0)

    pltpu.sync_copy(sp, spos_hbm.at[pl.ds(base * L, BPW * L)])
    pltpu.sync_copy(sn, sneg_hbm.at[pl.ds(base * L, BPW * L)])


_sc_dots = functools.partial(
    pl.kernel,
    out_type=(jax.ShapeDtypeStruct((B * L,), jnp.float32),
              jax.ShapeDtypeStruct((B * L,), jnp.float32)),
    mesh=plsc.VectorSubcoreMesh(core_axis_name="c", subcore_axis_name="s",
                                num_cores=NC),
    scratch_types=[
        pltpu.VMEM((C,), jnp.int32),
        pltpu.VMEM((C,), jnp.int32),
        pltpu.VMEM((C * K,), jnp.int32),
        pltpu.VMEM((C * R, D), jnp.float32),
        pltpu.VMEM((BPW * L,), jnp.float32),
        pltpu.VMEM((BPW * L,), jnp.float32),
        pltpu.SemaphoreType.DMA,
    ],
)(_sc_body)


def _tc_loss_body(sp_ref, sn_ref, out_ref):
    sp = jnp.sum(sp_ref[...].reshape(B // 8, 8, L), axis=2)
    sn = jnp.sum(sn_ref[...].reshape(B // 8, 8, L), axis=2)

    def logsig(x):
        return jnp.minimum(x, 0.0) - jnp.log1p(jnp.exp(-jnp.abs(x)))

    out_ref[0, 0] = -(jnp.sum(logsig(sp)) + jnp.sum(logsig(-sn)))


_tc_loss = pl.pallas_call(
    _tc_loss_body,
    out_shape=jax.ShapeDtypeStruct((1, 1), jnp.float32),
    out_specs=pl.BlockSpec(memory_space=pltpu.SMEM),
)


def kernel(pos_v, pos_u, neg_u, v_table, u_table):
    pos_v = pos_v.astype(jnp.int32)
    pos_u = pos_u.astype(jnp.int32)
    neg_flat = neg_u.astype(jnp.int32).reshape(-1)
    sp, sn = _sc_dots(pos_v, pos_u, neg_flat, v_table, u_table)
    loss = _tc_loss(sp.reshape(B // 8, 128), sn.reshape(B // 8, 128))
    return loss[0, 0]

# --- scband reference (transcript-rebuilt; emitter-appended) ---
"""Pipeline reference for scband-skip-gram-model-40707700032522 (READ-ONLY COPY).

The authoritative reference and input builder live on the scoring server;
editing this copy changes nothing except your own understanding.
"""

import jax, jax.numpy as jnp
import numpy as np

V = 1000000
D = 64
B = 16384
K = 5

def setup_inputs(seed: int = 0) -> dict:
    key = jax.random.key(seed)
    k1, k2, k3, k4, k5 = jax.random.split(key, 5)
    pos_v = jax.random.randint(k1, (B,), 0, V, dtype=jnp.int64) if jax.config.jax_enable_x64 else jax.random.randint(k1, (B,), 0, V, dtype=jnp.int32)
    pos_u = jax.random.randint(k2, (B,), 0, V, dtype=pos_v.dtype)
    neg_u = jax.random.randint(k3, (B, K), 0, V, dtype=pos_v.dtype)
    initrange = 0.5 / D
    v_table = jax.random.normal(k4, (V, D), dtype=jnp.float32) * initrange
    u_table = jax.random.normal(k5, (V, D), dtype=jnp.float32) * initrange
    return {"pos_v": pos_v, "pos_u": pos_u, "neg_u": neg_u, "v_table": v_table, "u_table": u_table}

def reference(pos_v, pos_u, neg_u, v_table, u_table):
    # emb_v = self.v_embeddings(pos_v)
    emb_v = jnp.take(v_table, pos_v, axis=0)            # [B, D]
    # emb_u = self.u_embeddings(pos_u)
    emb_u = jnp.take(u_table, pos_u, axis=0)            # [B, D]
    # emb_neg_u = self.u_embeddings(neg_u)
    emb_neg_u = jnp.take(u_table, neg_u, axis=0)        # [B, K, D]
    # positive scores
    scores = jnp.sum(emb_v * emb_u, axis=1)             # [B]
    scores = jax.nn.log_sigmoid(scores)
    # negative scores: bmm(emb_neg_u, emb_v.unsqueeze(2)).squeeze() -> [B, K]
    neg_scores = jnp.einsum('bkd,bd->bk', emb_neg_u, emb_v)
    neg_scores = jnp.sum(neg_scores, axis=1)            # [B]
    neg_scores = jax.nn.log_sigmoid(-neg_scores)
    return -1.0 * (jnp.sum(scores) + jnp.sum(neg_scores))

if __name__ == "__main__":
    import jax
    _d = setup_inputs()
    print(jax.jit(kernel)(*tuple(_d.values())))

</pallas_src>

<mosaic_0001>
#map = affine_map<(d0, d1) -> (0)>
#map1 = affine_map<(d0, d1) -> (0, 0)>
module attributes {stable_mosaic.version = 14 : i64} {
  func.func @_sc_body(%arg0: i32, %arg1: i32, %arg2: memref<16384xi32, #tpu.memory_space<hbm>>, %arg3: memref<16384xi32, #tpu.memory_space<hbm>>, %arg4: memref<81920xi32, #tpu.memory_space<hbm>>, %arg5: memref<1000000x64xf32, #tpu.memory_space<hbm>>, %arg6: memref<1000000x64xf32, #tpu.memory_space<hbm>>, %arg7: memref<262144xf32, #tpu.memory_space<hbm>>, %arg8: memref<262144xf32, #tpu.memory_space<hbm>>, %arg9: memref<64xi32, #tpu.memory_space<vmem>>, %arg10: memref<64xi32, #tpu.memory_space<vmem>>, %arg11: memref<320xi32, #tpu.memory_space<vmem>>, %arg12: memref<448x64xf32, #tpu.memory_space<vmem>>, %arg13: memref<8192xf32, #tpu.memory_space<vmem>>, %arg14: memref<8192xf32, #tpu.memory_space<vmem>>, %arg15: memref<!tpu.dma_semaphore, #tpu.memory_space<semaphore_mem>>) attributes {dimension_semantics = [#tpu.dimension_semantics<core_parallel>, #tpu.dimension_semantics<subcore_parallel>], iteration_bounds = array<i64: 2, 16>, scalar_prefetch = 0 : i64, scratch_operands = 7 : i64, tpu.core_type = #tpu.core_type<sc_vector_subcore>, window_params = [{transform_indices = #map}, {transform_indices = #map}, {transform_indices = #map}, {transform_indices = #map1}, {transform_indices = #map1}, {transform_indices = #map}, {transform_indices = #map}]} {
    %mul3A = arith.constant 2 : i32
    %mul3A_0 = arith.muli %arg1, %mul3A : i32
    %add3A = arith.addi %mul3A_0, %arg0 : i32
    %mul3A_1 = arith.constant 512 : i32
    %mul3A_2 = arith.muli %add3A, %mul3A_1 : i32
    %scan3A = arith.constant 0 : i32
    %scan3A_3 = arith.constant 0 : i32
    %scan3A_4 = arith.constant 8 : i32
    %scan3A_5 = arith.addi %scan3A_3, %scan3A_4 : i32
    %scan3A_6 = arith.constant 1 : i32
    %scan3A_7 = scf.for %scan3A_13 = %scan3A_3 to %scan3A_5 step %scan3A_6 iter_args(%scan3A_14 = %scan3A) -> (i32)  : i32 {
      %mul3A_15 = arith.constant 64 : i32
      %mul3A_16 = arith.muli %scan3A_13, %mul3A_15 : i32
      %add3A_17 = arith.addi %mul3A_2, %mul3A_16 : i32
      "tpu.region"() ({
        %run_scoped3A = tpu.sem_alloc : memref<!tpu.dma_semaphore, #tpu.memory_space<semaphore_mem>>
        %dma_start3A = tpu.memref_slice %arg2[%add3A_17] : memref<16384xi32, #tpu.memory_space<hbm>> -> memref<64xi32, #tpu.memory_space<hbm>>
        %dma_start3A_40 = tpu.memref_slice %arg2[%add3A_17] : memref<16384xi32, #tpu.memory_space<hbm>> -> memref<64xi32, #tpu.memory_space<hbm>>
        tpu.enqueue_dma source(%dma_start3A_40 : memref<64xi32, #tpu.memory_space<hbm>>) target(%arg9 : memref<64xi32, #tpu.memory_space<vmem>>) target_semaphore(%run_scoped3A : memref<!tpu.dma_semaphore, #tpu.memory_space<semaphore_mem>>)
        %dma_wait3A_41 = tpu.memref_slice %arg2[%add3A_17] : memref<16384xi32, #tpu.memory_space<hbm>> -> memref<64xi32, #tpu.memory_space<hbm>>
        %dma_wait3A_42 = tpu.memref_slice %arg2[%add3A_17] : memref<16384xi32, #tpu.memory_space<hbm>> -> memref<64xi32, #tpu.memory_space<hbm>>
        tpu.wait_dma2 semaphore(%run_scoped3A : memref<!tpu.dma_semaphore, #tpu.memory_space<semaphore_mem>>) src(%dma_wait3A_42 : memref<64xi32, #tpu.memory_space<hbm>>) dst(%arg9 : memref<64xi32, #tpu.memory_space<vmem>>)
        tpu.yield
      }) : () -> ()
      "tpu.region"() ({
        %run_scoped3A = tpu.sem_alloc : memref<!tpu.dma_semaphore, #tpu.memory_space<semaphore_mem>>
        %dma_start3A = tpu.memref_slice %arg3[%add3A_17] : memref<16384xi32, #tpu.memory_space<hbm>> -> memref<64xi32, #tpu.memory_space<hbm>>
        %dma_start3A_40 = tpu.memref_slice %arg3[%add3A_17] : memref<16384xi32, #tpu.memory_space<hbm>> -> memref<64xi32, #tpu.memory_space<hbm>>
        tpu.enqueue_dma source(%dma_start3A_40 : memref<64xi32, #tpu.memory_space<hbm>>) target(%arg10 : memref<64xi32, #tpu.memory_space<vmem>>) target_semaphore(%run_scoped3A : memref<!tpu.dma_semaphore, #tpu.memory_space<semaphore_mem>>)
        %dma_wait3A_41 = tpu.memref_slice %arg3[%add3A_17] : memref<16384xi32, #tpu.memory_space<hbm>> -> memref<64xi32, #tpu.memory_space<hbm>>
        %dma_wait3A_42 = tpu.memref_slice %arg3[%add3A_17] : memref<16384xi32, #tpu.memory_space<hbm>> -> memref<64xi32, #tpu.memory_space<hbm>>
        tpu.wait_dma2 semaphore(%run_scoped3A : memref<!tpu.dma_semaphore, #tpu.memory_space<semaphore_mem>>) src(%dma_wait3A_42 : memref<64xi32, #tpu.memory_space<hbm>>) dst(%arg10 : memref<64xi32, #tpu.memory_space<vmem>>)
        tpu.yield
      }) : () -> ()
      %mul3A_18 = arith.constant 5 : i32
      %mul3A_19 = arith.muli %add3A_17, %mul3A_18 : i32
      "tpu.region"() ({
        %run_scoped3A = tpu.sem_alloc : memref<!tpu.dma_semaphore, #tpu.memory_space<semaphore_mem>>
        %dma_start3A = tpu.memref_slice %arg4[%mul3A_19] : memref<81920xi32, #tpu.memory_space<hbm>> -> memref<320xi32, #tpu.memory_space<hbm>>
        %dma_start3A_40 = tpu.memref_slice %arg4[%mul3A_19] : memref<81920xi32, #tpu.memory_space<hbm>> -> memref<320xi32, #tpu.memory_space<hbm>>
        tpu.enqueue_dma source(%dma_start3A_40 : memref<320xi32, #tpu.memory_space<hbm>>) target(%arg11 : memref<320xi32, #tpu.memory_space<vmem>>) target_semaphore(%run_scoped3A : memref<!tpu.dma_semaphore, #tpu.memory_space<semaphore_mem>>)
        %dma_wait3A_41 = tpu.memref_slice %arg4[%mul3A_19] : memref<81920xi32, #tpu.memory_space<hbm>> -> memref<320xi32, #tpu.memory_space<hbm>>
        %dma_wait3A_42 = tpu.memref_slice %arg4[%mul3A_19] : memref<81920xi32, #tpu.memory_space<hbm>> -> memref<320xi32, #tpu.memory_space<hbm>>
        tpu.wait_dma2 semaphore(%run_scoped3A : memref<!tpu.dma_semaphore, #tpu.memory_space<semaphore_mem>>) src(%dma_wait3A_42 : memref<320xi32, #tpu.memory_space<hbm>>) dst(%arg11 : memref<320xi32, #tpu.memory_space<vmem>>)
        tpu.yield
      }) : () -> ()
      %scan3A_20 = arith.constant 0 : i32
      %scan3A_21 = arith.constant 0 : i32
      %scan3A_22 = arith.constant 4 : i32
      %scan3A_23 = arith.addi %scan3A_21, %scan3A_22 : i32
      %scan3A_24 = arith.constant 1 : i32
      %scan3A_25 = scf.for %scan3A_40 = %scan3A_21 to %scan3A_23 step %scan3A_24 iter_args(%scan3A_41 = %scan3A_20) -> (i32)  : i32 {
        %mul3A_42 = arith.constant 16 : i32
        %mul3A_43 = arith.muli %scan3A_40, %mul3A_42 : i32
        %get3A = arith.index_cast %mul3A_43 : i32 to index
        %get3A_44 = tpu.vector_load %arg9[%get3A] {strides = array<i32>} : memref<64xi32, #tpu.memory_space<vmem>>, vector<16xi32>,
        %get3A_45 = vector.shape_cast %get3A_44 : vector<16xi32> to vector<16xi32>
        %get3A_46 = arith.index_cast %mul3A_43 : i32 to index
        %get3A_47 = tpu.vector_load %arg10[%get3A_46] {strides = array<i32>} : memref<64xi32, #tpu.memory_space<vmem>>, vector<16xi32>,
        %get3A_48 = vector.shape_cast %get3A_47 : vector<16xi32> to vector<16xi32>
        %mul3A_49 = arith.constant 5 : i32
        %mul3A_50 = arith.muli %mul3A_43, %mul3A_49 : i32
        %add3A_51 = arith.constant 0 : i32
        %add3A_52 = arith.addi %mul3A_50, %add3A_51 : i32
        %get3A_53 = arith.index_cast %add3A_52 : i32 to index
        %get3A_54 = tpu.vector_load %arg11[%get3A_53] {strides = array<i32>} : memref<320xi32, #tpu.memory_space<vmem>>, vector<16xi32>,
        %get3A_55 = vector.shape_cast %get3A_54 : vector<16xi32> to vector<16xi32>
        %mul3A_56 = arith.constant 5 : i32
        %mul3A_57 = arith.muli %mul3A_43, %mul3A_56 : i32
        %add3A_58 = arith.constant 16 : i32
        %add3A_59 = arith.addi %mul3A_57, %add3A_58 : i32
        %get3A_60 = arith.index_cast %add3A_59 : i32 to index
        %get3A_61 = tpu.vector_load %arg11[%get3A_60] {strides = array<i32>} : memref<320xi32, #tpu.memory_space<vmem>>, vector<16xi32>,
        %get3A_62 = vector.shape_cast %get3A_61 : vector<16xi32> to vector<16xi32>
        %mul3A_63 = arith.constant 5 : i32
        %mul3A_64 = arith.muli %mul3A_43, %mul3A_63 : i32
        %add3A_65 = arith.constant 32 : i32
        %add3A_66 = arith.addi %mul3A_64, %add3A_65 : i32
        %get3A_67 = arith.index_cast %add3A_66 : i32 to index
        %get3A_68 = tpu.vector_load %arg11[%get3A_67] {strides = array<i32>} : memref<320xi32, #tpu.memory_space<vmem>>, vector<16xi32>,
        %get3A_69 = vector.shape_cast %get3A_68 : vector<16xi32> to vector<16xi32>
        %mul3A_70 = arith.constant 5 : i32
        %mul3A_71 = arith.muli %mul3A_43, %mul3A_70 : i32
        %add3A_72 = arith.constant 48 : i32
        %add3A_73 = arith.addi %mul3A_71, %add3A_72 : i32
        %get3A_74 = arith.index_cast %add3A_73 : i32 to index
        %get3A_75 = tpu.vector_load %arg11[%get3A_74] {strides = array<i32>} : memref<320xi32, #tpu.memory_space<vmem>>, vector<16xi32>,
        %get3A_76 = vector.shape_cast %get3A_75 : vector<16xi32> to vector<16xi32>
        %mul3A_77 = arith.constant 5 : i32
        %mul3A_78 = arith.muli %mul3A_43, %mul3A_77 : i32
        %add3A_79 = arith.constant 64 : i32
        %add3A_80 = arith.addi %mul3A_78, %add3A_79 : i32
        %get3A_81 = arith.index_cast %add3A_80 : i32 to index
        %get3A_82 = tpu.vector_load %arg11[%get3A_81] {strides = array<i32>} : memref<320xi32, #tpu.memory_space<vmem>>, vector<16xi32>,
        %get3A_83 = vector.shape_cast %get3A_82 : vector<16xi32> to vector<16xi32>
        %add3A_84 = arith.constant 0 : i32
        %add3A_85 = arith.addi %mul3A_43, %add3A_84 : i32
        %mul3A_86 = arith.constant 7 : i32
        %mul3A_87 = arith.muli %add3A_85, %mul3A_86 : i32
        %slice3A = vector.extract_strided_slice %get3A_45 {offsets = [0], sizes = [1], strides = [1]} : vector<16xi32> to vector<1xi32>
        %squeeze3A = vector.extract %slice3A[0] : i32 from vector<1xi32>
        %dma_start3A = arith.constant 0 : i32
        %dma_start3A_88 = tpu.memref_slice %arg12[%mul3A_87, %dma_start3A] : memref<448x64xf32, #tpu.memory_space<vmem>> -> memref<1x64xf32, #tpu.memory_space<vmem>>
        %dma_start3A_89 = arith.constant 0 : i32
        %dma_start3A_90 = tpu.memref_slice %arg5[%squeeze3A, %dma_start3A_89] : memref<1000000x64xf32, #tpu.memory_space<hbm>> -> memref<1x64xf32, #tpu.memory_space<hbm>>
        %dma_start3A_91 = arith.constant 0 : i32
        %dma_start3A_92 = tpu.memref_slice %arg12[%mul3A_87, %dma_start3A_91] : memref<448x64xf32, #tpu.memory_space<vmem>> -> memref<1x64xf32, #tpu.memory_space<vmem>>
        %dma_start3A_93 = arith.constant 0 : i32
        %dma_start3A_94 = tpu.memref_slice %arg5[%squeeze3A, %dma_start3A_93] : memref<1000000x64xf32, #tpu.memory_space<hbm>> -> memref<1x64xf32, #tpu.memory_space<hbm>>
        tpu.enqueue_dma source(%dma_start3A_94 : memref<1x64xf32, #tpu.memory_space<hbm>>) target(%dma_start3A_92 : memref<1x64xf32, #tpu.memory_space<vmem>>) target_semaphore(%arg15 : memref<!tpu.dma_semaphore, #tpu.memory_space<semaphore_mem>>)
        %slice3A_95 = vector.extract_strided_slice %get3A_48 {offsets = [0], sizes = [1], strides = [1]} : vector<16xi32> to vector<1xi32>
        %squeeze3A_96 = vector.extract %slice3A_95[0] : i32 from vector<1xi32>
        %add3A_97 = arith.constant 1 : i32
        %add3A_98 = arith.addi %mul3A_87, %add3A_97 : i32
        %dma_start3A_99 = arith.constant 0 : i32
        %dma_start3A_100 = tpu.memref_slice %arg12[%add3A_98, %dma_start3A_99] : memref<448x64xf32, #tpu.memory_space<vmem>> -> memref<1x64xf32, #tpu.memory_space<vmem>>
        %dma_start3A_101 = arith.constant 0 : i32
        %dma_start3A_102 = tpu.memref_slice %arg6[%squeeze3A_96, %dma_start3A_101] : memref<1000000x64xf32, #tpu.memory_space<hbm>> -> memref<1x64xf32, #tpu.memory_space<hbm>>
        %dma_start3A_103 = arith.constant 0 : i32
        %dma_start3A_104 = tpu.memref_slice %arg12[%add3A_98, %dma_start3A_103] : memref<448x64xf32, #tpu.memory_space<vmem>> -> memref<1x64xf32, #tpu.memory_space<vmem>>
        %dma_start3A_105 = arith.constant 0 : i32
        %dma_start3A_106 = tpu.memref_slice %arg6[%squeeze3A_96, %dma_start3A_105] : memref<1000000x64xf32, #tpu.memory_space<hbm>> -> memref<1x64xf32, #tpu.memory_space<hbm>>
        tpu.enqueue_dma source(%dma_start3A_106 : memref<1x64xf32, #tpu.memory_space<hbm>>) target(%dma_start3A_104 : memref<1x64xf32, #tpu.memory_space<vmem>>) target_semaphore(%arg15 : memref<!tpu.dma_semaphore, #tpu.memory_space<semaphore_mem>>)
        %slice3A_107 = vector.extract_strided_slice %get3A_55 {offsets = [0], sizes = [1], strides = [1]} : vector<16xi32> to vector<1xi32>
        %squeeze3A_108 = vector.extract %slice3A_107[0] : i32 from vector<1xi32>
        %add3A_109 = arith.constant 2 : i32
        %add3A_110 = arith.addi %mul3A_87, %add3A_109 : i32
        %add3A_111 = arith.constant 0 : i32
        %add3A_112 = arith.addi %add3A_110, %add3A_111 : i32
        %dma_start3A_113 = arith.constant 0 : i32
        %dma_start3A_114 = tpu.memref_slice %arg12[%add3A_112, %dma_start3A_113] : memref<448x64xf32, #tpu.memory_space<vmem>> -> memref<1x64xf32, #tpu.memory_space<vmem>>
        %dma_start3A_115 = arith.constant 0 : i32
        %dma_start3A_116 = tpu.memref_slice %arg6[%squeeze3A_108, %dma_start3A_115] : memref<1000000x64xf32, #tpu.memory_space<hbm>> -> memref<1x64xf32, #tpu.memory_space<hbm>>
        %dma_start3A_117 = arith.constant 0 : i32
        %dma_start3A_118 = tpu.memref_slice %arg12[%add3A_112, %dma_start3A_117] : memref<448x64xf32, #tpu.memory_space<vmem>> -> memref<1x64xf32, #tpu.memory_space<vmem>>
        %dma_start3A_119 = arith.constant 0 : i32
        %dma_start3A_120 = tpu.memref_slice %arg6[%squeeze3A_108, %dma_start3A_119] : memref<1000000x64xf32, #tpu.memory_space<hbm>> -> memref<1x64xf32, #tpu.memory_space<hbm>>
        tpu.enqueue_dma source(%dma_start3A_120 : memref<1x64xf32, #tpu.memory_space<hbm>>) target(%dma_start3A_118 : memref<1x64xf32, #tpu.memory_space<vmem>>) target_semaphore(%arg15 : memref<!tpu.dma_semaphore, #tpu.memory_space<semaphore_mem>>)
        %slice3A_121 = vector.extract_strided_slice %get3A_55 {offsets = [1], sizes = [1], strides = [1]} : vector<16xi32> to vector<1xi32>
        %squeeze3A_122 = vector.extract %slice3A_121[0] : i32 from vector<1xi32>
        %add3A_123 = arith.constant 2 : i32
        %add3A_124 = arith.addi %mul3A_87, %add3A_123 : i32
        %add3A_125 = arith.constant 1 : i32
        %add3A_126 = arith.addi %add3A_124, %add3A_125 : i32
        %dma_start3A_127 = arith.constant 0 : i32
        %dma_start3A_128 = tpu.memref_slice %arg12[%add3A_126, %dma_start3A_127] : memref<448x64xf32, #tpu.memory_space<vmem>> -> memref<1x64xf32, #tpu.memory_space<vmem>>
        %dma_start3A_129 = arith.constant 0 : i32
        %dma_start3A_130 = tpu.memref_slice %arg6[%squeeze3A_122, %dma_start3A_129] : memref<1000000x64xf32, #tpu.memory_space<hbm>> -> memref<1x64xf32, #tpu.memory_space<hbm>>
        %dma_start3A_131 = arith.constant 0 : i32
        %dma_start3A_132 = tpu.memref_slice %arg12[%add3A_126, %dma_start3A_131] : memref<448x64xf32, #tpu.memory_space<vmem>> -> memref<1x64xf32, #tpu.memory_space<vmem>>
        %dma_start3A_133 = arith.constant 0 : i32
        %dma_start3A_134 = tpu.memref_slice %arg6[%squeeze3A_122, %dma_start3A_133] : memref<1000000x64xf32, #tpu.memory_space<hbm>> -> memref<1x64xf32, #tpu.memory_space<hbm>>
        tpu.enqueue_dma source(%dma_start3A_134 : memref<1x64xf32, #tpu.memory_space<hbm>>) target(%dma_start3A_132 : memref<1x64xf32, #tpu.memory_space<vmem>>) target_semaphore(%arg15 : memref<!tpu.dma_semaphore, #tpu.memory_space<semaphore_mem>>)
        %slice3A_135 = vector.extract_strided_slice %get3A_55 {offsets = [2], sizes = [1], strides = [1]} : vector<16xi32> to vector<1xi32>
        %squeeze3A_136 = vector.extract %slice3A_135[0] : i32 from vector<1xi32>
        %add3A_137 = arith.constant 2 : i32
        %add3A_138 = arith.addi %mul3A_87, %add3A_137 : i32
        %add3A_139 = arith.constant 2 : i32
        %add3A_140 = arith.addi %add3A_138, %add3A_139 : i32
        %dma_start3A_141 = arith.constant 0 : i32
        %dma_start3A_142 = tpu.memref_slice %arg12[%add3A_140, %dma_start3A_141] : memref<448x64xf32, #tpu.memory_space<vmem>> -> memref<1x64xf32, #tpu.memory_space<vmem>>
        %dma_start3A_143 = arith.constant 0 : i32
        %dma_start3A_144 = tpu.memref_slice %arg6[%squeeze3A_136, %dma_start3A_143] : memref<1000000x64xf32, #tpu.memory_space<hbm>> -> memref<1x64xf32, #tpu.memory_space<hbm>>
        %dma_start3A_145 = arith.constant 0 : i32
        %dma_start3A_146 = tpu.memref_slice %arg12[%add3A_140, %dma_start3A_145] : memref<448x64xf32, #tpu.memory_space<vmem>> -> memref<1x64xf32, #tpu.memory_space<vmem>>
        %dma_start3A_147 = arith.constant 0 : i32
        %dma_start3A_148 = tpu.memref_slice %arg6[%squeeze3A_136, %dma_start3A_147] : memref<1000000x64xf32, #tpu.memory_space<hbm>> -> memref<1x64xf32, #tpu.memory_space<hbm>>
        tpu.enqueue_dma source(%dma_start3A_148 : memref<1x64xf32, #tpu.memory_space<hbm>>) target(%dma_start3A_146 : memref<1x64xf32, #tpu.memory_space<vmem>>) target_semaphore(%arg15 : memref<!tpu.dma_semaphore, #tpu.memory_space<semaphore_mem>>)
        %slice3A_149 = vector.extract_strided_slice %get3A_55 {offsets = [3], sizes = [1], strides = [1]} : vector<16xi32> to vector<1xi32>
        %squeeze3A_150 = vector.extract %slice3A_149[0] : i32 from vector<1xi32>
        %add3A_151 = arith.constant 2 : i32
        %add3A_152 = arith.addi %mul3A_87, %add3A_151 : i32
        %add3A_153 = arith.constant 3 : i32
        %add3A_154 = arith.addi %add3A_152, %add3A_153 : i32
        %dma_start3A_155 = arith.constant 0 : i32
        %dma_start3A_156 = tpu.memref_slice %arg12[%add3A_154, %dma_start3A_155] : memref<448x64xf32, #tpu.memory_space<vmem>> -> memref<1x64xf32, #tpu.memory_space<vmem>>
        %dma_start3A_157 = arith.constant 0 : i32
        %dma_start3A_158 = tpu.memref_slice %arg6[%squeeze3A_150, %dma_start3A_157] : memref<1000000x64xf32, #tpu.memory_space<hbm>> -> memref<1x64xf32, #tpu.memory_space<hbm>>
        %dma_start3A_159 = arith.constant 0 : i32
        %dma_start3A_160 = tpu.memref_slice %arg12[%add3A_154, %dma_start3A_159] : memref<448x64xf32, #tpu.memory_space<vmem>> -> memref<1x64xf32, #tpu.memory_space<vmem>>
        %dma_start3A_161 = arith.constant 0 : i32
        %dma_start3A_162 = tpu.memref_slice %arg6[%squeeze3A_150, %dma_start3A_161] : memref<1000000x64xf32, #tpu.memory_space<hbm>> -> memref<1x64xf32, #tpu.memory_space<hbm>>
        tpu.enqueue_dma source(%dma_start3A_162 : memref<1x64xf32, #tpu.memory_space<hbm>>) target(%dma_start3A_160 : memref<1x64xf32, #tpu.memory_space<vmem>>) target_semaphore(%arg15 : memref<!tpu.dma_semaphore, #tpu.memory_space<semaphore_mem>>)
        %slice3A_163 = vector.extract_strided_slice %get3A_55 {offsets = [4], sizes = [1], strides = [1]} : vector<16xi32> to vector<1xi32>
        %squeeze3A_164 = vector.extract %slice3A_163[0] : i32 from vector<1xi32>
        %add3A_165 = arith.constant 2 : i32
        %add3A_166 = arith.addi %mul3A_87, %add3A_165 : i32
        %add3A_167 = arith.constant 4 : i32
        %add3A_168 = arith.addi %add3A_166, %add3A_167 : i32
        %dma_start3A_169 = arith.constant 0 : i32
        %dma_start3A_170 = tpu.memref_slice %arg12[%add3A_168, %dma_start3A_169] : memref<448x64xf32, #tpu.memory_space<vmem>> -> memref<1x64xf32, #tpu.memory_space<vmem>>
        %dma_start3A_171 = arith.constant 0 : i32
        %dma_start3A_172 = tpu.memref_slice %arg6[%squeeze3A_164, %dma_start3A_171] : memref<1000000x64xf32, #tpu.memory_space<hbm>> -> memref<1x64xf32, #tpu.memory_space<hbm>>
        %dma_start3A_173 = arith.constant 0 : i32
        %dma_start3A_174 = tpu.memref_slice %arg12[%add3A_168, %dma_start3A_173] : memref<448x64xf32, #tpu.memory_space<vmem>> -> memref<1x64xf32, #tpu.memory_space<vmem>>
        %dma_start3A_175 = arith.constant 0 : i32
        %dma_start3A_176 = tpu.memref_slice %arg6[%squeeze3A_164, %dma_start3A_175] : memref<1000000x64xf32, #tpu.memory_space<hbm>> -> memref<1x64xf32, #tpu.memory_space<hbm>>
        tpu.enqueue_dma source(%dma_start3A_176 : memref<1x64xf32, #tpu.memory_space<hbm>>) target(%dma_start3A_174 : memref<1x64xf32, #tpu.memory_space<vmem>>) target_semaphore(%arg15 : memref<!tpu.dma_semaphore, #tpu.memory_space<semaphore_mem>>)
        %add3A_177 = arith.constant 1 : i32
        %add3A_178 = arith.addi %mul3A_43, %add3A_177 : i32
        %mul3A_179 = arith.constant 7 : i32
        %mul3A_180 = arith.muli %add3A_178, %mul3A_179 : i32
        %slice3A_181 = vector.extract_strided_slice %get3A_45 {offsets = [1], sizes = [1], strides = [1]} : vector<16xi32> to vector<1xi32>
        %squeeze3A_182 = vector.extract %slice3A_181[0] : i32 from vector<1xi32>
        %dma_start3A_183 = arith.constant 0 : i32
        %dma_start3A_184 = tpu.memref_slice %arg12[%mul3A_180, %dma_start3A_183] : memref<448x64xf32, #tpu.memory_space<vmem>> -> memref<1x64xf32, #tpu.memory_space<vmem>>
        %dma_start3A_185 = arith.constant 0 : i32
        %dma_start3A_186 = tpu.memref_slice %arg5[%squeeze3A_182, %dma_start3A_185] : memref<1000000x64xf32, #tpu.memory_space<hbm>> -> memref<1x64xf32, #tpu.memory_space<hbm>>
        %dma_start3A_187 = arith.constant 0 : i32
        %dma_start3A_188 = tpu.memref_slice %arg12[%mul3A_180, %dma_start3A_187] : memref<448x64xf32, #tpu.memory_space<vmem>> -> memref<1x64xf32, #tpu.memory_space<vmem>>
        %dma_start3A_189 = arith.constant 0 : i32
        %dma_start3A_190 = tpu.memref_slice %arg5[%squeeze3A_182, %dma_start3A_189] : memref<1000000x64xf32, #tpu.memory_space<hbm>> -> memref<1x64xf32, #tpu.memory_space<hbm>>
        tpu.enqueue_dma source(%dma_start3A_190 : memref<1x64xf32, #tpu.memory_space<hbm>>) target(%dma_start3A_188 : memref<1x64xf32, #tpu.memory_space<vmem>>) target_semaphore(%arg15 : memref<!tpu.dma_semaphore, #tpu.memory_space<semaphore_mem>>)
        %slice3A_191 = vector.extract_strided_slice %get3A_48 {offsets = [1], sizes = [1], strides = [1]} : vector<16xi32> to vector<1xi32>
        %squeeze3A_192 = vector.extract %slice3A_191[0] : i32 from vector<1xi32>
        %add3A_193 = arith.constant 1 : i32
        %add3A_194 = arith.addi %mul3A_180, %add3A_193 : i32
        %dma_start3A_195 = arith.constant 0 : i32
        %dma_start3A_196 = tpu.memref_slice %arg12[%add3A_194, %dma_start3A_195] : memref<448x64xf32, #tpu.memory_space<vmem>> -> memref<1x64xf32, #tpu.memory_space<vmem>>
        %dma_start3A_197 = arith.constant 0 : i32
        %dma_start3A_198 = tpu.memref_slice %arg6[%squeeze3A_192, %dma_start3A_197] : memref<1000000x64xf32, #tpu.memory_space<hbm>> -> memref<1x64xf32, #tpu.memory_space<hbm>>
        %dma_start3A_199 = arith.constant 0 : i32
        %dma_start3A_200 = tpu.memref_slice %arg12[%add3A_194, %dma_start3A_199] : memref<448x64xf32, #tpu.memory_space<vmem>> -> memref<1x64xf32, #tpu.memory_space<vmem>>
        %dma_start3A_201 = arith.constant 0 : i32
        %dma_start3A_202 = tpu.memref_slice %arg6[%squeeze3A_192, %dma_start3A_201] : memref<1000000x64xf32, #tpu.memory_space<hbm>> -> memref<1x64xf32, #tpu.memory_space<hbm>>
        tpu.enqueue_dma source(%dma_start3A_202 : memref<1x64xf32, #tpu.memory_space<hbm>>) target(%dma_start3A_200 : memref<1x64xf32, #tpu.memory_space<vmem>>) target_semaphore(%arg15 : memref<!tpu.dma_semaphore, #tpu.memory_space<semaphore_mem>>)
        %slice3A_203 = vector.extract_strided_slice %get3A_55 {offsets = [5], sizes = [1], strides = [1]} : vector<16xi32> to vector<1xi32>
        %squeeze3A_204 = vector.extract %slice3A_203[0] : i32 from vector<1xi32>
        %add3A_205 = arith.constant 2 : i32
        %add3A_206 = arith.addi %mul3A_180, %add3A_205 : i32
        %add3A_207 = arith.constant 0 : i32
        %add3A_208 = arith.addi %add3A_206, %add3A_207 : i32
        %dma_start3A_209 = arith.constant 0 : i32
        %dma_start3A_210 = tpu.memref_slice %arg12[%add3A_208, %dma_start3A_209] : memref<448x64xf32, #tpu.memory_space<vmem>> -> memref<1x64xf32, #tpu.memory_space<vmem>>
        %dma_start3A_211 = arith.constant 0 : i32
        %dma_start3A_212 = tpu.memref_slice %arg6[%squeeze3A_204, %dma_start3A_211] : memref<1000000x64xf32, #tpu.memory_space<hbm>> -> memref<1x64xf32, #tpu.memory_space<hbm>>
        %dma_start3A_213 = arith.constant 0 : i32
        %dma_start3A_214 = tpu.memref_slice %arg12[%add3A_208, %dma_start3A_213] : memref<448x64xf32, #tpu.memory_space<vmem>> -> memref<1x64xf32, #tpu.memory_space<vmem>>
        %dma_start3A_215 = arith.constant 0 : i32
        %dma_start3A_216 = tpu.memref_slice %arg6[%squeeze3A_204, %dma_start3A_215] : memref<1000000x64xf32, #tpu.memory_space<hbm>> -> memref<1x64xf32, #tpu.memory_space<hbm>>
        tpu.enqueue_dma source(%dma_start3A_216 : memref<1x64xf32, #tpu.memory_space<hbm>>) target(%dma_start3A_214 : memref<1x64xf32, #tpu.memory_space<vmem>>) target_semaphore(%arg15 : memref<!tpu.dma_semaphore, #tpu.memory_space<semaphore_mem>>)
        %slice3A_217 = vector.extract_strided_slice %get3A_55 {offsets = [6], sizes = [1], strides = [1]} : vector<16xi32> to vector<1xi32>
        %squeeze3A_218 = vector.extract %slice3A_217[0] : i32 from vector<1xi32>
        %add3A_219 = arith.constant 2 : i32
        %add3A_220 = arith.addi %mul3A_180, %add3A_219 : i32
        %add3A_221 = arith.constant 1 : i32
        %add3A_222 = arith.addi %add3A_220, %add3A_221 : i32
        %dma_start3A_223 = arith.constant 0 : i32
        %dma_start3A_224 = tpu.memref_slice %arg12[%add3A_222, %dma_start3A_223] : memref<448x64xf32, #tpu.memory_space<vmem>> -> memref<1x64xf32, #tpu.memory_space<vmem>>
        %dma_start3A_225 = arith.constant 0 : i32
        %dma_start3A_226 = tpu.memref_slice %arg6[%squeeze3A_218, %dma_start3A_225] : memref<1000000x64xf32, #tpu.memory_space<hbm>> -> memref<1x64xf32, #tpu.memory_space<hbm>>
        %dma_start3A_227 = arith.constant 0 : i32
        %dma_start3A_228 = tpu.memref_slice %arg12[%add3A_222, %dma_start3A_227] : memref<448x64xf32, #tpu.memory_space<vmem>> -> memref<1x64xf32, #tpu.memory_space<vmem>>
        %dma_start3A_229 = arith.constant 0 : i32
        %dma_start3A_230 = tpu.memref_slice %arg6[%squeeze3A_218, %dma_start3A_229] : memref<1000000x64xf32, #tpu.memory_space<hbm>> -> memref<1x64xf32, #tpu.memory_space<hbm>>
        tpu.enqueue_dma source(%dma_start3A_230 : memref<1x64xf32, #tpu.memory_space<hbm>>) target(%dma_start3A_228 : memref<1x64xf32, #tpu.memory_space<vmem>>) target_semaphore(%arg15 : memref<!tpu.dma_semaphore, #tpu.memory_space<semaphore_mem>>)
        %slice3A_231 = vector.extract_strided_slice %get3A_55 {offsets = [7], sizes = [1], strides = [1]} : vector<16xi32> to vector<1xi32>
        %squeeze3A_232 = vector.extract %slice3A_231[0] : i32 from vector<1xi32>
        %add3A_233 = arith.constant 2 : i32
        %add3A_234 = arith.addi %mul3A_180, %add3A_233 : i32
        %add3A_235 = arith.constant 2 : i32
        %add3A_236 = arith.addi %add3A_234, %add3A_235 : i32
        %dma_start3A_237 = arith.constant 0 : i32
        %dma_start3A_238 = tpu.memref_slice %arg12[%add3A_236, %dma_start3A_237] : memref<448x64xf32, #tpu.memory_space<vmem>> -> memref<1x64xf32, #tpu.memory_space<vmem>>
        %dma_start3A_239 = arith.constant 0 : i32
        %dma_start3A_240 = tpu.memref_slice %arg6[%squeeze3A_232, %dma_start3A_239] : memref<1000000x64xf32, #tpu.memory_space<hbm>> -> memref<1x64xf32, #tpu.memory_space<hbm>>
        %dma_start3A_241 = arith.constant 0 : i32
        %dma_start3A_242 = tpu.memref_slice %arg12[%add3A_236, %dma_start3A_241] : memref<448x64xf32, #tpu.memory_space<vmem>> -> memref<1x64xf32, #tpu.memory_space<vmem>>
        %dma_start3A_243 = arith.constant 0 : i32
        %dma_start3A_244 = tpu.memref_slice %arg6[%squeeze3A_232, %dma_start3A_243] : memref<1000000x64xf32, #tpu.memory_space<hbm>> -> memref<1x64xf32, #tpu.memory_space<hbm>>
        tpu.enqueue_dma source(%dma_start3A_244 : memref<1x64xf32, #tpu.memory_space<hbm>>) target(%dma_start3A_242 : memref<1x64xf32, #tpu.memory_space<vmem>>) target_semaphore(%arg15 : memref<!tpu.dma_semaphore, #tpu.memory_space<semaphore_mem>>)
        %slice3A_245 = vector.extract_strided_slice %get3A_55 {offsets = [8], sizes = [1], strides = [1]} : vector<16xi32> to vector<1xi32>
        %squeeze3A_246 = vector.extract %slice3A_245[0] : i32 from vector<1xi32>
        %add3A_247 = arith.constant 2 : i32
        %add3A_248 = arith.addi %mul3A_180, %add3A_247 : i32
        %add3A_249 = arith.constant 3 : i32
        %add3A_250 = arith.addi %add3A_248, %add3A_249 : i32
        %dma_start3A_251 = arith.constant 0 : i32
        %dma_start3A_252 = tpu.memref_slice %arg12[%add3A_250, %dma_start3A_251] : memref<448x64xf32, #tpu.memory_space<vmem>> -> memref<1x64xf32, #tpu.memory_space<vmem>>
        %dma_start3A_253 = arith.constant 0 : i32
        %dma_start3A_254 = tpu.memref_slice %arg6[%squeeze3A_246, %dma_start3A_253] : memref<1000000x64xf32, #tpu.memory_space<hbm>> -> memref<1x64xf32, #tpu.memory_space<hbm>>
        %dma_start3A_255 = arith.constant 0 : i32
        %dma_start3A_256 = tpu.memref_slice %arg12[%add3A_250, %dma_start3A_255] : memref<448x64xf32, #tpu.memory_space<vmem>> -> memref<1x64xf32, #tpu.memory_space<vmem>>
        %dma_start3A_257 = arith.constant 0 : i32
        %dma_start3A_258 = tpu.memref_slice %arg6[%squeeze3A_246, %dma_start3A_257] : memref<1000000x64xf32, #tpu.memory_space<hbm>> -> memref<1x64xf32, #tpu.memory_space<hbm>>
        tpu.enqueue_dma source(%dma_start3A_258 : memref<1x64xf32, #tpu.memory_space<hbm>>) target(%dma_start3A_256 : memref<1x64xf32, #tpu.memory_space<vmem>>) target_semaphore(%arg15 : memref<!tpu.dma_semaphore, #tpu.memory_space<semaphore_mem>>)
        %slice3A_259 = vector.extract_strided_slice %get3A_55 {offsets = [9], sizes = [1], strides = [1]} : vector<16xi32> to vector<1xi32>
        %squeeze3A_260 = vector.extract %slice3A_259[0] : i32 from vector<1xi32>
        %add3A_261 = arith.constant 2 : i32
        %add3A_262 = arith.addi %mul3A_180, %add3A_261 : i32
        %add3A_263 = arith.constant 4 : i32
        %add3A_264 = arith.addi %add3A_262, %add3A_263 : i32
        %dma_start3A_265 = arith.constant 0 : i32
        %dma_start3A_266 = tpu.memref_slice %arg12[%add3A_264, %dma_start3A_265] : memref<448x64xf32, #tpu.memory_space<vmem>> -> memref<1x64xf32, #tpu.memory_space<vmem>>
        %dma_start3A_267 = arith.constant 0 : i32
        %dma_start3A_268 = tpu.memref_slice %arg6[%squeeze3A_260, %dma_start3A_267] : memref<1000000x64xf32, #tpu.memory_space<hbm>> -> memref<1x64xf32, #tpu.memory_space<hbm>>
        %dma_start3A_269 = arith.constant 0 : i32
        %dma_start3A_270 = tpu.memref_slice %arg12[%add3A_264, %dma_start3A_269] : memref<448x64xf32, #tpu.memory_space<vmem>> -> memref<1x64xf32, #tpu.memory_space<vmem>>
        %dma_start3A_271 = arith.constant 0 : i32
        %dma_start3A_272 = tpu.memref_slice %arg6[%squeeze3A_260, %dma_start3A_271] : memref<1000000x64xf32, #tpu.memory_space<hbm>> -> memref<1x64xf32, #tpu.memory_space<hbm>>
        tpu.enqueue_dma source(%dma_start3A_272 : memref<1x64xf32, #tpu.memory_space<hbm>>) target(%dma_start3A_270 : memref<1x64xf32, #tpu.memory_space<vmem>>) target_semaphore(%arg15 : memref<!tpu.dma_semaphore, #tpu.memory_space<semaphore_mem>>)
        %add3A_273 = arith.constant 2 : i32
        %add3A_274 = arith.addi %mul3A_43, %add3A_273 : i32
        %mul3A_275 = arith.constant 7 : i32
        %mul3A_276 = arith.muli %add3A_274, %mul3A_275 : i32
        %slice3A_277 = vector.extract_strided_slice %get3A_45 {offsets = [2], sizes = [1], strides = [1]} : vector<16xi32> to vector<1xi32>
        %squeeze3A_278 = vector.extract %slice3A_277[0] : i32 from vector<1xi32>
        %dma_start3A_279 = arith.constant 0 : i32
        %dma_start3A_280 = tpu.memref_slice %arg12[%mul3A_276, %dma_start3A_279] : memref<448x64xf32, #tpu.memory_space<vmem>> -> memref<1x64xf32, #tpu.memory_space<vmem>>
        %dma_start3A_281 = arith.constant 0 : i32
        %dma_start3A_282 = tpu.memref_slice %arg5[%squeeze3A_278, %dma_start3A_281] : memref<1000000x64xf32, #tpu.memory_space<hbm>> -> memref<1x64xf32, #tpu.memory_space<hbm>>
        %dma_start3A_283 = arith.constant 0 : i32
        %dma_start3A_284 = tpu.memref_slice %arg12[%mul3A_276, %dma_start3A_283] : memref<448x64xf32, #tpu.memory_space<vmem>> -> memref<1x64xf32, #tpu.memory_space<vmem>>
        %dma_start3A_285 = arith.constant 0 : i32
        %dma_start3A_286 = tpu.memref_slice %arg5[%squeeze3A_278, %dma_start3A_285] : memref<1000000x64xf32, #tpu.memory_space<hbm>> -> memref<1x64xf32, #tpu.memory_space<hbm>>
        tpu.enqueue_dma source(%dma_start3A_286 : memref<1x64xf32, #tpu.memory_space<hbm>>) target(%dma_start3A_284 : memref<1x64xf32, #tpu.memory_space<vmem>>) target_semaphore(%arg15 : memref<!tpu.dma_semaphore, #tpu.memory_space<semaphore_mem>>)
        %slice3A_287 = vector.extract_strided_slice %get3A_48 {offsets = [2], sizes = [1], strides = [1]} : vector<16xi32> to vector<1xi32>
        %squeeze3A_288 = vector.extract %slice3A_287[0] : i32 from vector<1xi32>
        %add3A_289 = arith.constant 1 : i32
        %add3A_290 = arith.addi %mul3A_276, %add3A_289 : i32
        %dma_start3A_291 = arith.constant 0 : i32
        %dma_start3A_292 = tpu.memref_slice %arg12[%add3A_290, %dma_start3A_291] : memref<448x64xf32, #tpu.memory_space<vmem>> -> memref<1x64xf32, #tpu.memory_space<vmem>>
        %dma_start3A_293 = arith.constant 0 : i32
        %dma_start3A_294 = tpu.memref_slice %arg6[%squeeze3A_288, %dma_start3A_293] : memref<1000000x64xf32, #tpu.memory_space<hbm>> -> memref<1x64xf32, #tpu.memory_space<hbm>>
        %dma_start3A_295 = arith.constant 0 : i32
        %dma_start3A_296 = tpu.memref_slice %arg12[%add3A_290, %dma_start3A_295] : memref<448x64xf32, #tpu.memory_space<vmem>> -> memref<1x64xf32, #tpu.memory_space<vmem>>
        %dma_start3A_297 = arith.constant 0 : i32
        %dma_start3A_298 = tpu.memref_slice %arg6[%squeeze3A_288, %dma_start3A_297] : memref<1000000x64xf32, #tpu.memory_space<hbm>> -> memref<1x64xf32, #tpu.memory_space<hbm>>
        tpu.enqueue_dma source(%dma_start3A_298 : memref<1x64xf32, #tpu.memory_space<hbm>>) target(%dma_start3A_296 : memref<1x64xf32, #tpu.memory_space<vmem>>) target_semaphore(%arg15 : memref<!tpu.dma_semaphore, #tpu.memory_space<semaphore_mem>>)
        %slice3A_299 = vector.extract_strided_slice %get3A_55 {offsets = [10], sizes = [1], strides = [1]} : vector<16xi32> to vector<1xi32>
        %squeeze3A_300 = vector.extract %slice3A_299[0] : i32 from vector<1xi32>
        %add3A_301 = arith.constant 2 : i32
        %add3A_302 = arith.addi %mul3A_276, %add3A_301 : i32
        %add3A_303 = arith.constant 0 : i32
        %add3A_304 = arith.addi %add3A_302, %add3A_303 : i32
        %dma_start3A_305 = arith.constant 0 : i32
        %dma_start3A_306 = tpu.memref_slice %arg12[%add3A_304, %dma_start3A_305] : memref<448x64xf32, #tpu.memory_space<vmem>> -> memref<1x64xf32, #tpu.memory_space<vmem>>
        %dma_start3A_307 = arith.constant 0 : i32
        %dma_start3A_308 = tpu.memref_slice %arg6[%squeeze3A_300, %dma_start3A_307] : memref<1000000x64xf32, #tpu.memory_space<hbm>> -> memref<1x64xf32, #tpu.memory_space<hbm>>
        %dma_start3A_309 = arith.constant 0 : i32
        %dma_start3A_310 = tpu.memref_slice %arg12[%add3A_304, %dma_start3A_309] : memref<448x64xf32, #tpu.memory_space<vmem>> -> memref<1x64xf32, #tpu.memory_space<vmem>>
        %dma_start3A_311 = arith.constant 0 : i32
        %dma_start3A_312 = tpu.memref_slice %arg6[%squeeze3A_300, %dma_start3A_311] : memref<1000000x64xf32, #tpu.memory_space<hbm>> -> memref<1x64xf32, #tpu.memory_space<hbm>>
        tpu.enqueue_dma source(%dma_start3A_312 : memref<1x64xf32, #tpu.memory_space<hbm>>) target(%dma_start3A_310 : memref<1x64xf32, #tpu.memory_space<vmem>>) target_semaphore(%arg15 : memref<!tpu.dma_semaphore, #tpu.memory_space<semaphore_mem>>)
        %slice3A_313 = vector.extract_strided_slice %get3A_55 {offsets = [11], sizes = [1], strides = [1]} : vector<16xi32> to vector<1xi32>
        %squeeze3A_314 = vector.extract %slice3A_313[0] : i32 from vector<1xi32>
        %add3A_315 = arith.constant 2 : i32
        %add3A_316 = arith.addi %mul3A_276, %add3A_315 : i32
        %add3A_317 = arith.constant 1 : i32
        %add3A_318 = arith.addi %add3A_316, %add3A_317 : i32
        %dma_start3A_319 = arith.constant 0 : i32
        %dma_start3A_320 = tpu.memref_slice %arg12[%add3A_318, %dma_start3A_319] : memref<448x64xf32, #tpu.memory_space<vmem>> -> memref<1x64xf32, #tpu.memory_space<vmem>>
        %dma_start3A_321 = arith.constant 0 : i32
        %dma_start3A_322 = tpu.memref_slice %arg6[%squeeze3A_314, %dma_start3A_321] : memref<1000000x64xf32, #tpu.memory_space<hbm>> -> memref<1x64xf32, #tpu.memory_space<hbm>>
        %dma_start3A_323 = arith.constant 0 : i32
        %dma_start3A_324 = tpu.memref_slice %arg12[%add3A_318, %dma_start3A_323] : memref<448x64xf32, #tpu.memory_space<vmem>> -> memref<1x64xf32, #tpu.memory_space<vmem>>
        %dma_start3A_325 = arith.constant 0 : i32
        %dma_start3A_326 = tpu.memref_slice %arg6[%squeeze3A_314, %dma_start3A_325] : memref<1000000x64xf32, #tpu.memory_space<hbm>> -> memref<1x64xf32, #tpu.memory_space<hbm>>
        tpu.enqueue_dma source(%dma_start3A_326 : memref<1x64xf32, #tpu.memory_space<hbm>>) target(%dma_start3A_324 : memref<1x64xf32, #tpu.memory_space<vmem>>) target_semaphore(%arg15 : memref<!tpu.dma_semaphore, #tpu.memory_space<semaphore_mem>>)
        %slice3A_327 = vector.extract_strided_slice %get3A_55 {offsets = [12], sizes = [1], strides = [1]} : vector<16xi32> to vector<1xi32>
        %squeeze3A_328 = vector.extract %slice3A_327[0] : i32 from vector<1xi32>
        %add3A_329 = arith.constant 2 : i32
        %add3A_330 = arith.addi %mul3A_276, %add3A_329 : i32
        %add3A_331 = arith.constant 2 : i32
        %add3A_332 = arith.addi %add3A_330, %add3A_331 : i32
        %dma_start3A_333 = arith.constant 0 : i32
        %dma_start3A_334 = tpu.memref_slice %arg12[%add3A_332, %dma_start3A_333] : memref<448x64xf32, #tpu.memory_space<vmem>> -> memref<1x64xf32, #tpu.memory_space<vmem>>
        %dma_start3A_335 = arith.constant 0 : i32
        %dma_start3A_336 = tpu.memref_slice %arg6[%squeeze3A_328, %dma_start3A_335] : memref<1000000x64xf32, #tpu.memory_space<hbm>> -> memref<1x64xf32, #tpu.memory_space<hbm>>
        %dma_start3A_337 = arith.constant 0 : i32
        %dma_start3A_338 = tpu.memref_slice %arg12[%add3A_332, %dma_start3A_337] : memref<448x64xf32, #tpu.memory_space<vmem>> -> memref<1x64xf32, #tpu.memory_space<vmem>>
        %dma_start3A_339 = arith.constant 0 : i32
        %dma_start3A_340 = tpu.memref_slice %arg6[%squeeze3A_328, %dma_start3A_339] : memref<1000000x64xf32, #tpu.memory_space<hbm>> -> memref<1x64xf32, #tpu.memory_space<hbm>>
        tpu.enqueue_dma source(%dma_start3A_340 : memref<1x64xf32, #tpu.memory_space<hbm>>) target(%dma_start3A_338 : memref<1x64xf32, #tpu.memory_space<vmem>>) target_semaphore(%arg15 : memref<!tpu.dma_semaphore, #tpu.memory_space<semaphore_mem>>)
        %slice3A_341 = vector.extract_strided_slice %get3A_55 {offsets = [13], sizes = [1], strides = [1]} : vector<16xi32> to vector<1xi32>
        %squeeze3A_342 = vector.extract %slice3A_341[0] : i32 from vector<1xi32>
        %add3A_343 = arith.constant 2 : i32
        %add3A_344 = arith.addi %mul3A_276, %add3A_343 : i32
        %add3A_345 = arith.constant 3 : i32
        %add3A_346 = arith.addi %add3A_344, %add3A_345 : i32
        %dma_start3A_347 = arith.constant 0 : i32
        %dma_start3A_348 = tpu.memref_slice %arg12[%add3A_346, %dma_start3A_347] : memref<448x64xf32, #tpu.memory_space<vmem>> -> memref<1x64xf32, #tpu.memory_space<vmem>>
        %dma_start3A_349 = arith.constant 0 : i32
        %dma_start3A_350 = tpu.memref_slice %arg6[%squeeze3A_342, %dma_start3A_349] : memref<1000000x64xf32, #tpu.memory_space<hbm>> -> memref<1x64xf32, #tpu.memory_space<hbm>>
        %dma_start3A_351 = arith.constant 0 : i32
        %dma_start3A_352 = tpu.memref_slice %arg12[%add3A_346, %dma_start3A_351] : memref<448x64xf32, #tpu.memory_space<vmem>> -> memref<1x64xf32, #tpu.memory_space<vmem>>
        %dma_start3A_353 = arith.constant 0 : i32
        %dma_start3A_354 = tpu.memref_slice %arg6[%squeeze3A_342, %dma_start3A_353] : memref<1000000x64xf32, #tpu.memory_space<hbm>> -> memref<1x64xf32, #tpu.memory_space<hbm>>
        tpu.enqueue_dma source(%dma_start3A_354 : memref<1x64xf32, #tpu.memory_space<hbm>>) target(%dma_start3A_352 : memref<1x64xf32, #tpu.memory_space<vmem>>) target_semaphore(%arg15 : memref<!tpu.dma_semaphore, #tpu.memory_space<semaphore_mem>>)
        %slice3A_355 = vector.extract_strided_slice %get3A_55 {offsets = [14], sizes = [1], strides = [1]} : vector<16xi32> to vector<1xi32>
        %squeeze3A_356 = vector.extract %slice3A_355[0] : i32 from vector<1xi32>
        %add3A_357 = arith.constant 2 : i32
        %add3A_358 = arith.addi %mul3A_276, %add3A_357 : i32
        %add3A_359 = arith.constant 4 : i32
        %add3A_360 = arith.addi %add3A_358, %add3A_359 : i32
        %dma_start3A_361 = arith.constant 0 : i32
        %dma_start3A_362 = tpu.memref_slice %arg12[%add3A_360, %dma_start3A_361] : memref<448x64xf32, #tpu.memory_space<vmem>> -> memref<1x64xf32, #tpu.memory_space<vmem>>
        %dma_start3A_363 = arith.constant 0 : i32
        %dma_start3A_364 = tpu.memref_slice %arg6[%squeeze3A_356, %dma_start3A_363] : memref<1000000x64xf32, #tpu.memory_space<hbm>> -> memref<1x64xf32, #tpu.memory_space<hbm>>
        %dma_start3A_365 = arith.constant 0 : i32
        %dma_start3A_366 = tpu.memref_slice %arg12[%add3A_360, %dma_start3A_365] : memref<448x64xf32, #tpu.memory_space<vmem>> -> memref<1x64xf32, #tpu.memory_space<vmem>>
        %dma_start3A_367 = arith.constant 0 : i32
        %dma_start3A_368 = tpu.memref_slice %arg6[%squeeze3A_356, %dma_start3A_367] : memref<1000000x64xf32, #tpu.memory_space<hbm>> -> memref<1x64xf32, #tpu.memory_space<hbm>>
        tpu.enqueue_dma source(%dma_start3A_368 : memref<1x64xf32, #tpu.memory_space<hbm>>) target(%dma_start3A_366 : memref<1x64xf32, #tpu.memory_space<vmem>>) target_semaphore(%arg15 : memref<!tpu.dma_semaphore, #tpu.memory_space<semaphore_mem>>)
        %add3A_369 = arith.constant 3 : i32
        %add3A_370 = arith.addi %mul3A_43, %add3A_369 : i32
        %mul3A_371 = arith.constant 7 : i32
        %mul3A_372 = arith.muli %add3A_370, %mul3A_371 : i32
        %slice3A_373 = vector.extract_strided_slice %get3A_45 {offsets = [3], sizes = [1], strides = [1]} : vector<16xi32> to vector<1xi32>
        %squeeze3A_374 = vector.extract %slice3A_373[0] : i32 from vector<1xi32>
        %dma_start3A_375 = arith.constant 0 : i32
        %dma_start3A_376 = tpu.memref_slice %arg12[%mul3A_372, %dma_start3A_375] : memref<448x64xf32, #tpu.memory_space<vmem>> -> memref<1x64xf32, #tpu.memory_space<vmem>>
        %dma_start3A_377 = arith.constant 0 : i32
        %dma_start3A_378 = tpu.memref_slice %arg5[%squeeze3A_374, %dma_start3A_377] : memref<1000000x64xf32, #tpu.memory_space<hbm>> -> memref<1x64xf32, #tpu.memory_space<hbm>>
        %dma_start3A_379 = arith.constant 0 : i32
        %dma_start3A_380 = tpu.memref_slice %arg12[%mul3A_372, %dma_start3A_379] : memref<448x64xf32, #tpu.memory_space<vmem>> -> memref<1x64xf32, #tpu.memory_space<vmem>>
        %dma_start3A_381 = arith.constant 0 : i32
        %dma_start3A_382 = tpu.memref_slice %arg5[%squeeze3A_374, %dma_start3A_381] : memref<1000000x64xf32, #tpu.memory_space<hbm>> -> memref<1x64xf32, #tpu.memory_space<hbm>>
        tpu.enqueue_dma source(%dma_start3A_382 : memref<1x64xf32, #tpu.memory_space<hbm>>) target(%dma_start3A_380 : memref<1x64xf32, #tpu.memory_space<vmem>>) target_semaphore(%arg15 : memref<!tpu.dma_semaphore, #tpu.memory_space<semaphore_mem>>)
        %slice3A_383 = vector.extract_strided_slice %get3A_48 {offsets = [3], sizes = [1], strides = [1]} : vector<16xi32> to vector<1xi32>
        %squeeze3A_384 = vector.extract %slice3A_383[0] : i32 from vector<1xi32>
        %add3A_385 = arith.constant 1 : i32
        %add3A_386 = arith.addi %mul3A_372, %add3A_385 : i32
        %dma_start3A_387 = arith.constant 0 : i32
        %dma_start3A_388 = tpu.memref_slice %arg12[%add3A_386, %dma_start3A_387] : memref<448x64xf32, #tpu.memory_space<vmem>> -> memref<1x64xf32, #tpu.memory_space<vmem>>
        %dma_start3A_389 = arith.constant 0 : i32
        %dma_start3A_390 = tpu.memref_slice %arg6[%squeeze3A_384, %dma_start3A_389] : memref<1000000x64xf32, #tpu.memory_space<hbm>> -> memref<1x64xf32, #tpu.memory_space<hbm>>
        %dma_start3A_391 = arith.constant 0 : i32
        %dma_start3A_392 = tpu.memref_slice %arg12[%add3A_386, %dma_start3A_391] : memref<448x64xf32, #tpu.memory_space<vmem>> -> memref<1x64xf32, #tpu.memory_space<vmem>>
        %dma_start3A_393 = arith.constant 0 : i32
        %dma_start3A_394 = tpu.memref_slice %arg6[%squeeze3A_384, %dma_start3A_393] : memref<1000000x64xf32, #tpu.memory_space<hbm>> -> memref<1x64xf32, #tpu.memory_space<hbm>>
        tpu.enqueue_dma source(%dma_start3A_394 : memref<1x64xf32, #tpu.memory_space<hbm>>) target(%dma_start3A_392 : memref<1x64xf32, #tpu.memory_space<vmem>>) target_semaphore(%arg15 : memref<!tpu.dma_semaphore, #tpu.memory_space<semaphore_mem>>)
        %slice3A_395 = vector.extract_strided_slice %get3A_55 {offsets = [15], sizes = [1], strides = [1]} : vector<16xi32> to vector<1xi32>
        %squeeze3A_396 = vector.extract %slice3A_395[0] : i32 from vector<1xi32>
        %add3A_397 = arith.constant 2 : i32
        %add3A_398 = arith.addi %mul3A_372, %add3A_397 : i32
        %add3A_399 = arith.constant 0 : i32
        %add3A_400 = arith.addi %add3A_398, %add3A_399 : i32
        %dma_start3A_401 = arith.constant 0 : i32
        %dma_start3A_402 = tpu.memref_slice %arg12[%add3A_400, %dma_start3A_401] : memref<448x64xf32, #tpu.memory_space<vmem>> -> memref<1x64xf32, #tpu.memory_space<vmem>>
        %dma_start3A_403 = arith.constant 0 : i32
        %dma_start3A_404 = tpu.memref_slice %arg6[%squeeze3A_396, %dma_start3A_403] : memref<1000000x64xf32, #tpu.memory_space<hbm>> -> memref<1x64xf32, #tpu.memory_space<hbm>>
        %dma_start3A_405 = arith.constant 0 : i32
        %dma_start3A_406 = tpu.memref_slice %arg12[%add3A_400, %dma_start3A_405] : memref<448x64xf32, #tpu.memory_space<vmem>> -> memref<1x64xf32, #tpu.memory_space<vmem>>
        %dma_start3A_407 = arith.constant 0 : i32
        %dma_start3A_408 = tpu.memref_slice %arg6[%squeeze3A_396, %dma_start3A_407] : memref<1000000x64xf32, #tpu.memory_space<hbm>> -> memref<1x64xf32, #tpu.memory_space<hbm>>
        tpu.enqueue_dma source(%dma_start3A_408 : memref<1x64xf32, #tpu.memory_space<hbm>>) target(%dma_start3A_406 : memref<1x64xf32, #tpu.memory_space<vmem>>) target_semaphore(%arg15 : memref<!tpu.dma_semaphore, #tpu.memory_space<semaphore_mem>>)
        %slice3A_409 = vector.extract_strided_slice %get3A_62 {offsets = [0], sizes = [1], strides = [1]} : vector<16xi32> to vector<1xi32>
        %squeeze3A_410 = vector.extract %slice3A_409[0] : i32 from vector<1xi32>
        %add3A_411 = arith.constant 2 : i32
        %add3A_412 = arith.addi %mul3A_372, %add3A_411 : i32
        %add3A_413 = arith.constant 1 : i32
        %add3A_414 = arith.addi %add3A_412, %add3A_413 : i32
        %dma_start3A_415 = arith.constant 0 : i32
        %dma_start3A_416 = tpu.memref_slice %arg12[%add3A_414, %dma_start3A_415] : memref<448x64xf32, #tpu.memory_space<vmem>> -> memref<1x64xf32, #tpu.memory_space<vmem>>
        %dma_start3A_417 = arith.constant 0 : i32
        %dma_start3A_418 = tpu.memref_slice %arg6[%squeeze3A_410, %dma_start3A_417] : memref<1000000x64xf32, #tpu.memory_space<hbm>> -> memref<1x64xf32, #tpu.memory_space<hbm>>
        %dma_start3A_419 = arith.constant 0 : i32
        %dma_start3A_420 = tpu.memref_slice %arg12[%add3A_414, %dma_start3A_419] : memref<448x64xf32, #tpu.memory_space<vmem>> -> memref<1x64xf32, #tpu.memory_space<vmem>>
        %dma_start3A_421 = arith.constant 0 : i32
        %dma_start3A_422 = tpu.memref_slice %arg6[%squeeze3A_410, %dma_start3A_421] : memref<1000000x64xf32, #tpu.memory_space<hbm>> -> memref<1x64xf32, #tpu.memory_space<hbm>>
        tpu.enqueue_dma source(%dma_start3A_422 : memref<1x64xf32, #tpu.memory_space<hbm>>) target(%dma_start3A_420 : memref<1x64xf32, #tpu.memory_space<vmem>>) target_semaphore(%arg15 : memref<!tpu.dma_semaphore, #tpu.memory_space<semaphore_mem>>)
        %slice3A_423 = vector.extract_strided_slice %get3A_62 {offsets = [1], sizes = [1], strides = [1]} : vector<16xi32> to vector<1xi32>
        %squeeze3A_424 = vector.extract %slice3A_423[0] : i32 from vector<1xi32>
        %add3A_425 = arith.constant 2 : i32
        %add3A_426 = arith.addi %mul3A_372, %add3A_425 : i32
        %add3A_427 = arith.constant 2 : i32
        %add3A_428 = arith.addi %add3A_426, %add3A_427 : i32
        %dma_start3A_429 = arith.constant 0 : i32
        %dma_start3A_430 = tpu.memref_slice %arg12[%add3A_428, %dma_start3A_429] : memref<448x64xf32, #tpu.memory_space<vmem>> -> memref<1x64xf32, #tpu.memory_space<vmem>>
        %dma_start3A_431 = arith.constant 0 : i32
        %dma_start3A_432 = tpu.memref_slice %arg6[%squeeze3A_424, %dma_start3A_431] : memref<1000000x64xf32, #tpu.memory_space<hbm>> -> memref<1x64xf32, #tpu.memory_space<hbm>>
        %dma_start3A_433 = arith.constant 0 : i32
        %dma_start3A_434 = tpu.memref_slice %arg12[%add3A_428, %dma_start3A_433] : memref<448x64xf32, #tpu.memory_space<vmem>> -> memref<1x64xf32, #tpu.memory_space<vmem>>
        %dma_start3A_435 = arith.constant 0 : i32
        %dma_start3A_436 = tpu.memref_slice %arg6[%squeeze3A_424, %dma_start3A_435] : memref<1000000x64xf32, #tpu.memory_space<hbm>> -> memref<1x64xf32, #tpu.memory_space<hbm>>
        tpu.enqueue_dma source(%dma_start3A_436 : memref<1x64xf32, #tpu.memory_space<hbm>>) target(%dma_start3A_434 : memref<1x64xf32, #tpu.memory_space<vmem>>) target_semaphore(%arg15 : memref<!tpu.dma_semaphore, #tpu.memory_space<semaphore_mem>>)
        %slice3A_437 = vector.extract_strided_slice %get3A_62 {offsets = [2], sizes = [1], strides = [1]} : vector<16xi32> to vector<1xi32>
        %squeeze3A_438 = vector.extract %slice3A_437[0] : i32 from vector<1xi32>
        %add3A_439 = arith.constant 2 : i32
        %add3A_440 = arith.addi %mul3A_372, %add3A_439 : i32
        %add3A_441 = arith.constant 3 : i32
        %add3A_442 = arith.addi %add3A_440, %add3A_441 : i32
        %dma_start3A_443 = arith.constant 0 : i32
        %dma_start3A_444 = tpu.memref_slice %arg12[%add3A_442, %dma_start3A_443] : memref<448x64xf32, #tpu.memory_space<vmem>> -> memref<1x64xf32, #tpu.memory_space<vmem>>
        %dma_start3A_445 = arith.constant 0 : i32
        %dma_start3A_446 = tpu.memref_slice %arg6[%squeeze3A_438, %dma_start3A_445] : memref<1000000x64xf32, #tpu.memory_space<hbm>> -> memref<1x64xf32, #tpu.memory_space<hbm>>
        %dma_start3A_447 = arith.constant 0 : i32
        %dma_start3A_448 = tpu.memref_slice %arg12[%add3A_442, %dma_start3A_447] : memref<448x64xf32, #tpu.memory_space<vmem>> -> memref<1x64xf32, #tpu.memory_space<vmem>>
        %dma_start3A_449 = arith.constant 0 : i32
        %dma_start3A_450 = tpu.memref_slice %arg6[%squeeze3A_438, %dma_start3A_449] : memref<1000000x64xf32, #tpu.memory_space<hbm>> -> memref<1x64xf32, #tpu.memory_space<hbm>>
        tpu.enqueue_dma source(%dma_start3A_450 : memref<1x64xf32, #tpu.memory_space<hbm>>) target(%dma_start3A_448 : memref<1x64xf32, #tpu.memory_space<vmem>>) target_semaphore(%arg15 : memref<!tpu.dma_semaphore, #tpu.memory_space<semaphore_mem>>)
        %slice3A_451 = vector.extract_strided_slice %get3A_62 {offsets = [3], sizes = [1], strides = [1]} : vector<16xi32> to vector<1xi32>
        %squeeze3A_452 = vector.extract %slice3A_451[0] : i32 from vector<1xi32>
        %add3A_453 = arith.constant 2 : i32
        %add3A_454 = arith.addi %mul3A_372, %add3A_453 : i32
        %add3A_455 = arith.constant 4 : i32
        %add3A_456 = arith.addi %add3A_454, %add3A_455 : i32
        %dma_start3A_457 = arith.constant 0 : i32
        %dma_start3A_458 = tpu.memref_slice %arg12[%add3A_456, %dma_start3A_457] : memref<448x64xf32, #tpu.memory_space<vmem>> -> memref<1x64xf32, #tpu.memory_space<vmem>>
        %dma_start3A_459 = arith.constant 0 : i32
        %dma_start3A_460 = tpu.memref_slice %arg6[%squeeze3A_452, %dma_start3A_459] : memref<1000000x64xf32, #tpu.memory_space<hbm>> -> memref<1x64xf32, #tpu.memory_space<hbm>>
        %dma_start3A_461 = arith.constant 0 : i32
        %dma_start3A_462 = tpu.memref_slice %arg12[%add3A_456, %dma_start3A_461] : memref<448x64xf32, #tpu.memory_space<vmem>> -> memref<1x64xf32, #tpu.memory_space<vmem>>
        %dma_start3A_463 = arith.constant 0 : i32
        %dma_start3A_464 = tpu.memref_slice %arg6[%squeeze3A_452, %dma_start3A_463] : memref<1000000x64xf32, #tpu.memory_space<hbm>> -> memref<1x64xf32, #tpu.memory_space<hbm>>
        tpu.enqueue_dma source(%dma_start3A_464 : memref<1x64xf32, #tpu.memory_space<hbm>>) target(%dma_start3A_462 : memref<1x64xf32, #tpu.memory_space<vmem>>) target_semaphore(%arg15 : memref<!tpu.dma_semaphore, #tpu.memory_space<semaphore_mem>>)
        %add3A_465 = arith.constant 4 : i32
        %add3A_466 = arith.addi %mul3A_43, %add3A_465 : i32
        %mul3A_467 = arith.constant 7 : i32
        %mul3A_468 = arith.muli %add3A_466, %mul3A_467 : i32
        %slice3A_469 = vector.extract_strided_slice %get3A_45 {offsets = [4], sizes = [1], strides = [1]} : vector<16xi32> to vector<1xi32>
        %squeeze3A_470 = vector.extract %slice3A_469[0] : i32 from vector<1xi32>
        %dma_start3A_471 = arith.constant 0 : i32
        %dma_start3A_472 = tpu.memref_slice %arg12[%mul3A_468, %dma_start3A_471] : memref<448x64xf32, #tpu.memory_space<vmem>> -> memref<1x64xf32, #tpu.memory_space<vmem>>
        %dma_start3A_473 = arith.constant 0 : i32
        %dma_start3A_474 = tpu.memref_slice %arg5[%squeeze3A_470, %dma_start3A_473] : memref<1000000x64xf32, #tpu.memory_space<hbm>> -> memref<1x64xf32, #tpu.memory_space<hbm>>
        %dma_start3A_475 = arith.constant 0 : i32
        %dma_start3A_476 = tpu.memref_slice %arg12[%mul3A_468, %dma_start3A_475] : memref<448x64xf32, #tpu.memory_space<vmem>> -> memref<1x64xf32, #tpu.memory_space<vmem>>
        %dma_start3A_477 = arith.constant 0 : i32
        %dma_start3A_478 = tpu.memref_slice %arg5[%squeeze3A_470, %dma_start3A_477] : memref<1000000x64xf32, #tpu.memory_space<hbm>> -> memref<1x64xf32, #tpu.memory_space<hbm>>
        tpu.enqueue_dma source(%dma_start3A_478 : memref<1x64xf32, #tpu.memory_space<hbm>>) target(%dma_start3A_476 : memref<1x64xf32, #tpu.memory_space<vmem>>) target_semaphore(%arg15 : memref<!tpu.dma_semaphore, #tpu.memory_space<semaphore_mem>>)
        %slice3A_479 = vector.extract_strided_slice %get3A_48 {offsets = [4], sizes = [1], strides = [1]} : vector<16xi32> to vector<1xi32>
        %squeeze3A_480 = vector.extract %slice3A_479[0] : i32 from vector<1xi32>
        %add3A_481 = arith.constant 1 : i32
        %add3A_482 = arith.addi %mul3A_468, %add3A_481 : i32
        %dma_start3A_483 = arith.constant 0 : i32
        %dma_start3A_484 = tpu.memref_slice %arg12[%add3A_482, %dma_start3A_483] : memref<448x64xf32, #tpu.memory_space<vmem>> -> memref<1x64xf32, #tpu.memory_space<vmem>>
        %dma_start3A_485 = arith.constant 0 : i32
        %dma_start3A_486 = tpu.memref_slice %arg6[%squeeze3A_480, %dma_start3A_485] : memref<1000000x64xf32, #tpu.memory_space<hbm>> -> memref<1x64xf32, #tpu.memory_space<hbm>>
        %dma_start3A_487 = arith.constant 0 : i32
        %dma_start3A_488 = tpu.memref_slice %arg12[%add3A_482, %dma_start3A_487] : memref<448x64xf32, #tpu.memory_space<vmem>> -> memref<1x64xf32, #tpu.memory_space<vmem>>
        %dma_start3A_489 = arith.constant 0 : i32
        %dma_start3A_490 = tpu.memref_slice %arg6[%squeeze3A_480, %dma_start3A_489] : memref<1000000x64xf32, #tpu.memory_space<hbm>> -> memref<1x64xf32, #tpu.memory_space<hbm>>
        tpu.enqueue_dma source(%dma_start3A_490 : memref<1x64xf32, #tpu.memory_space<hbm>>) target(%dma_start3A_488 : memref<1x64xf32, #tpu.memory_space<vmem>>) target_semaphore(%arg15 : memref<!tpu.dma_semaphore, #tpu.memory_space<semaphore_mem>>)
        %slice3A_491 = vector.extract_strided_slice %get3A_62 {offsets = [4], sizes = [1], strides = [1]} : vector<16xi32> to vector<1xi32>
        %squeeze3A_492 = vector.extract %slice3A_491[0] : i32 from vector<1xi32>
        %add3A_493 = arith.constant 2 : i32
        %add3A_494 = arith.addi %mul3A_468, %add3A_493 : i32
        %add3A_495 = arith.constant 0 : i32
        %add3A_496 = arith.addi %add3A_494, %add3A_495 : i32
        %dma_start3A_497 = arith.constant 0 : i32
        %dma_start3A_498 = tpu.memref_slice %arg12[%add3A_496, %dma_start3A_497] : memref<448x64xf32, #tpu.memory_space<vmem>> -> memref<1x64xf32, #tpu.memory_space<vmem>>
        %dma_start3A_499 = arith.constant 0 : i32
        %dma_start3A_500 = tpu.memref_slice %arg6[%squeeze3A_492, %dma_start3A_499] : memref<1000000x64xf32, #tpu.memory_space<hbm>> -> memref<1x64xf32, #tpu.memory_space<hbm>>
        %dma_start3A_501 = arith.constant 0 : i32
        %dma_start3A_502 = tpu.memref_slice %arg12[%add3A_496, %dma_start3A_501] : memref<448x64xf32, #tpu.memory_space<vmem>> -> memref<1x64xf32, #tpu.memory_space<vmem>>
        %dma_start3A_503 = arith.constant 0 : i32
        %dma_start3A_504 = tpu.memref_slice %arg6[%squeeze3A_492, %dma_start3A_503] : memref<1000000x64xf32, #tpu.memory_space<hbm>> -> memref<1x64xf32, #tpu.memory_space<hbm>>
        tpu.enqueue_dma source(%dma_start3A_504 : memref<1x64xf32, #tpu.memory_space<hbm>>) target(%dma_start3A_502 : memref<1x64xf32, #tpu.memory_space<vmem>>) target_semaphore(%arg15 : memref<!tpu.dma_semaphore, #tpu.memory_space<semaphore_mem>>)
        %slice3A_505 = vector.extract_strided_slice %get3A_62 {offsets = [5], sizes = [1], strides = [1]} : vector<16xi32> to vector<1xi32>
        %squeeze3A_506 = vector.extract %slice3A_505[0] : i32 from vector<1xi32>
        %add3A_507 = arith.constant 2 : i32
        %add3A_508 = arith.addi %mul3A_468, %add3A_507 : i32
        %add3A_509 = arith.constant 1 : i32
        %add3A_510 = arith.addi %add3A_508, %add3A_509 : i32
        %dma_start3A_511 = arith.constant 0 : i32
        %dma_start3A_512 = tpu.memref_slice %arg12[%add3A_510, %dma_start3A_511] : memref<448x64xf32, #tpu.memory_space<vmem>> -> memref<1x64xf32, #tpu.memory_space<vmem>>
        %dma_start3A_513 = arith.constant 0 : i32
        %dma_start3A_514 = tpu.memref_slice %arg6[%squeeze3A_506, %dma_start3A_513] : memref<1000000x64xf32, #tpu.memory_space<hbm>> -> memref<1x64xf32, #tpu.memory_space<hbm>>
        %dma_start3A_515 = arith.constant 0 : i32
        %dma_start3A_516 = tpu.memref_slice %arg12[%add3A_510, %dma_start3A_515] : memref<448x64xf32, #tpu.memory_space<vmem>> -> memref<1x64xf32, #tpu.memory_space<vmem>>
        %dma_start3A_517 = arith.constant 0 : i32
        %dma_start3A_518 = tpu.memref_slice %arg6[%squeeze3A_506, %dma_start3A_517] : memref<1000000x64xf32, #tpu.memory_space<hbm>> -> memref<1x64xf32, #tpu.memory_space<hbm>>
        tpu.enqueue_dma source(%dma_start3A_518 : memref<1x64xf32, #tpu.memory_space<hbm>>) target(%dma_start3A_516 : memref<1x64xf32, #tpu.memory_space<vmem>>) target_semaphore(%arg15 : memref<!tpu.dma_semaphore, #tpu.memory_space<semaphore_mem>>)
        %slice3A_519 = vector.extract_strided_slice %get3A_62 {offsets = [6], sizes = [1], strides = [1]} : vector<16xi32> to vector<1xi32>
        %squeeze3A_520 = vector.extract %slice3A_519[0] : i32 from vector<1xi32>
        %add3A_521 = arith.constant 2 : i32
        %add3A_522 = arith.addi %mul3A_468, %add3A_521 : i32
        %add3A_523 = arith.constant 2 : i32
        %add3A_524 = arith.addi %add3A_522, %add3A_523 : i32
        %dma_start3A_525 = arith.constant 0 : i32
        %dma_start3A_526 = tpu.memref_slice %arg12[%add3A_524, %dma_start3A_525] : memref<448x64xf32, #tpu.memory_space<vmem>> -> memref<1x64xf32, #tpu.memory_space<vmem>>
        %dma_start3A_527 = arith.constant 0 : i32
        %dma_start3A_528 = tpu.memref_slice %arg6[%squeeze3A_520, %dma_start3A_527] : memref<1000000x64xf32, #tpu.memory_space<hbm>> -> memref<1x64xf32, #tpu.memory_space<hbm>>
        %dma_start3A_529 = arith.constant 0 : i32
        %dma_start3A_530 = tpu.memref_slice %arg12[%add3A_524, %dma_start3A_529] : memref<448x64xf32, #tpu.memory_space<vmem>> -> memref<1x64xf32, #tpu.memory_space<vmem>>
        %dma_start3A_531 = arith.constant 0 : i32
        %dma_start3A_532 = tpu.memref_slice %arg6[%squeeze3A_520, %dma_start3A_531] : memref<1000000x64xf32, #tpu.memory_space<hbm>> -> memref<1x64xf32, #tpu.memory_space<hbm>>
        tpu.enqueue_dma source(%dma_start3A_532 : memref<1x64xf32, #tpu.memory_space<hbm>>) target(%dma_start3A_530 : memref<1x64xf32, #tpu.memory_space<vmem>>) target_semaphore(%arg15 : memref<!tpu.dma_semaphore, #tpu.memory_space<semaphore_mem>>)
        %slice3A_533 = vector.extract_strided_slice %get3A_62 {offsets = [7], sizes = [1], strides = [1]} : vector<16xi32> to vector<1xi32>
        %squeeze3A_534 = vector.extract %slice3A_533[0] : i32 from vector<1xi32>
        %add3A_535 = arith.constant 2 : i32
        %add3A_536 = arith.addi %mul3A_468, %add3A_535 : i32
        %add3A_537 = arith.constant 3 : i32
        %add3A_538 = arith.addi %add3A_536, %add3A_537 : i32
        %dma_start3A_539 = arith.constant 0 : i32
        %dma_start3A_540 = tpu.memref_slice %arg12[%add3A_538, %dma_start3A_539] : memref<448x64xf32, #tpu.memory_space<vmem>> -> memref<1x64xf32, #tpu.memory_space<vmem>>
        %dma_start3A_541 = arith.constant 0 : i32
        %dma_start3A_542 = tpu.memref_slice %arg6[%squeeze3A_534, %dma_start3A_541] : memref<1000000x64xf32, #tpu.memory_space<hbm>> -> memref<1x64xf32, #tpu.memory_space<hbm>>
        %dma_start3A_543 = arith.constant 0 : i32
        %dma_start3A_544 = tpu.memref_slice %arg12[%add3A_538, %dma_start3A_543] : memref<448x64xf32, #tpu.memory_space<vmem>> -> memref<1x64xf32, #tpu.memory_space<vmem>>
        %dma_start3A_545 = arith.constant 0 : i32
        %dma_start3A_546 = tpu.memref_slice %arg6[%squeeze3A_534, %dma_start3A_545] : memref<1000000x64xf32, #tpu.memory_space<hbm>> -> memref<1x64xf32, #tpu.memory_space<hbm>>
        tpu.enqueue_dma source(%dma_start3A_546 : memref<1x64xf32, #tpu.memory_space<hbm>>) target(%dma_start3A_544 : memref<1x64xf32, #tpu.memory_space<vmem>>) target_semaphore(%arg15 : memref<!tpu.dma_semaphore, #tpu.memory_space<semaphore_mem>>)
        %slice3A_547 = vector.extract_strided_slice %get3A_62 {offsets = [8], sizes = [1], strides = [1]} : vector<16xi32> to vector<1xi32>
        %squeeze3A_548 = vector.extract %slice3A_547[0] : i32 from vector<1xi32>
        %add3A_549 = arith.constant 2 : i32
        %add3A_550 = arith.addi %mul3A_468, %add3A_549 : i32
        %add3A_551 = arith.constant 4 : i32
        %add3A_552 = arith.addi %add3A_550, %add3A_551 : i32
        %dma_start3A_553 = arith.constant 0 : i32
        %dma_start3A_554 = tpu.memref_slice %arg12[%add3A_552, %dma_start3A_553] : memref<448x64xf32, #tpu.memory_space<vmem>> -> memref<1x64xf32, #tpu.memory_space<vmem>>
        %dma_start3A_555 = arith.constant 0 : i32
        %dma_start3A_556 = tpu.memref_slice %arg6[%squeeze3A_548, %dma_start3A_555] : memref<1000000x64xf32, #tpu.memory_space<hbm>> -> memref<1x64xf32, #tpu.memory_space<hbm>>
        %dma_start3A_557 = arith.constant 0 : i32
        %dma_start3A_558 = tpu.memref_slice %arg12[%add3A_552, %dma_start3A_557] : memref<448x64xf32, #tpu.memory_space<vmem>> -> memref<1x64xf32, #tpu.memory_space<vmem>>
        %dma_start3A_559 = arith.constant 0 : i32
        %dma_start3A_560 = tpu.memref_slice %arg6[%squeeze3A_548, %dma_start3A_559] : memref<1000000x64xf32, #tpu.memory_space<hbm>> -> memref<1x64xf32, #tpu.memory_space<hbm>>
        tpu.enqueue_dma source(%dma_start3A_560 : memref<1x64xf32, #tpu.memory_space<hbm>>) target(%dma_start3A_558 : memref<1x64xf32, #tpu.memory_space<vmem>>) target_semaphore(%arg15 : memref<!tpu.dma_semaphore, #tpu.memory_space<semaphore_mem>>)
        %add3A_561 = arith.constant 5 : i32
        %add3A_562 = arith.addi %mul3A_43, %add3A_561 : i32
        %mul3A_563 = arith.constant 7 : i32
        %mul3A_564 = arith.muli %add3A_562, %mul3A_563 : i32
        %slice3A_565 = vector.extract_strided_slice %get3A_45 {offsets = [5], sizes = [1], strides = [1]} : vector<16xi32> to vector<1xi32>
        %squeeze3A_566 = vector.extract %slice3A_565[0] : i32 from vector<1xi32>
        %dma_start3A_567 = arith.constant 0 : i32
        %dma_start3A_568 = tpu.memref_slice %arg12[%mul3A_564, %dma_start3A_567] : memref<448x64xf32, #tpu.memory_space<vmem>> -> memref<1x64xf32, #tpu.memory_space<vmem>>
        %dma_start3A_569 = arith.constant 0 : i32
        %dma_start3A_570 = tpu.memref_slice %arg5[%squeeze3A_566, %dma_start3A_569] : memref<1000000x64xf32, #tpu.memory_space<hbm>> -> memref<1x64xf32, #tpu.memory_space<hbm>>
        %dma_start3A_571 = arith.constant 0 : i32
        %dma_start3A_572 = tpu.memref_slice %arg12[%mul3A_564, %dma_start3A_571] : memref<448x64xf32, #tpu.memory_space<vmem>> -> memref<1x64xf32, #tpu.memory_space<vmem>>
        %dma_start3A_573 = arith.constant 0 : i32
        %dma_start3A_574 = tpu.memref_slice %arg5[%squeeze3A_566, %dma_start3A_573] : memref<1000000x64xf32, #tpu.memory_space<hbm>> -> memref<1x64xf32, #tpu.memory_space<hbm>>
        tpu.enqueue_dma source(%dma_start3A_574 : memref<1x64xf32, #tpu.memory_space<hbm>>) target(%dma_start3A_572 : memref<1x64xf32, #tpu.memory_space<vmem>>) target_semaphore(%arg15 : memref<!tpu.dma_semaphore, #tpu.memory_space<semaphore_mem>>)
        %slice3A_575 = vector.extract_strided_slice %get3A_48 {offsets = [5], sizes = [1], strides = [1]} : vector<16xi32> to vector<1xi32>
        %squeeze3A_576 = vector.extract %slice3A_575[0] : i32 from vector<1xi32>
        %add3A_577 = arith.constant 1 : i32
        %add3A_578 = arith.addi %mul3A_564, %add3A_577 : i32
        %dma_start3A_579 = arith.constant 0 : i32
        %dma_start3A_580 = tpu.memref_slice %arg12[%add3A_578, %dma_start3A_579] : memref<448x64xf32, #tpu.memory_space<vmem>> -> memref<1x64xf32, #tpu.memory_space<vmem>>
        %dma_start3A_581 = arith.constant 0 : i32
        %dma_start3A_582 = tpu.memref_slice %arg6[%squeeze3A_576, %dma_start3A_581] : memref<1000000x64xf32, #tpu.memory_space<hbm>> -> memref<1x64xf32, #tpu.memory_space<hbm>>
        %dma_start3A_583 = arith.constant 0 : i32
        %dma_start3A_584 = tpu.memref_slice %arg12[%add3A_578, %dma_start3A_583] : memref<448x64xf32, #tpu.memory_space<vmem>> -> memref<1x64xf32, #tpu.memory_space<vmem>>
        %dma_start3A_585 = arith.constant 0 : i32
        %dma_start3A_586 = tpu.memref_slice %arg6[%squeeze3A_576, %dma_start3A_585] : memref<1000000x64xf32, #tpu.memory_space<hbm>> -> memref<1x64xf32, #tpu.memory_space<hbm>>
        tpu.enqueue_dma source(%dma_start3A_586 : memref<1x64xf32, #tpu.memory_space<hbm>>) target(%dma_start3A_584 : memref<1x64xf32, #tpu.memory_space<vmem>>) target_semaphore(%arg15 : memref<!tpu.dma_semaphore, #tpu.memory_space<semaphore_mem>>)
        %slice3A_587 = vector.extract_strided_slice %get3A_62 {offsets = [9], sizes = [1], strides = [1]} : vector<16xi32> to vector<1xi32>
        %squeeze3A_588 = vector.extract %slice3A_587[0] : i32 from vector<1xi32>
        %add3A_589 = arith.constant 2 : i32
        %add3A_590 = arith.addi %mul3A_564, %add3A_589 : i32
        %add3A_591 = arith.constant 0 : i32
        %add3A_592 = arith.addi %add3A_590, %add3A_591 : i32
        %dma_start3A_593 = arith.constant 0 : i32
        %dma_start3A_594 = tpu.memref_slice %arg12[%add3A_592, %dma_start3A_593] : memref<448x64xf32, #tpu.memory_space<vmem>> -> memref<1x64xf32, #tpu.memory_space<vmem>>
        %dma_start3A_595 = arith.constant 0 : i32
        %dma_start3A_596 = tpu.memref_slice %arg6[%squeeze3A_588, %dma_start3A_595] : memref<1000000x64xf32, #tpu.memory_space<hbm>> -> memref<1x64xf32, #tpu.memory_space<hbm>>
        %dma_start3A_597 = arith.constant 0 : i32
        %dma_start3A_598 = tpu.memref_slice %arg12[%add3A_592, %dma_start3A_597] : memref<448x64xf32, #tpu.memory_space<vmem>> -> memref<1x64xf32, #tpu.memory_space<vmem>>
        %dma_start3A_599 = arith.constant 0 : i32
        %dma_start3A_600 = tpu.memref_slice %arg6[%squeeze3A_588, %dma_start3A_599] : memref<1000000x64xf32, #tpu.memory_space<hbm>> -> memref<1x64xf32, #tpu.memory_space<hbm>>
        tpu.enqueue_dma source(%dma_start3A_600 : memref<1x64xf32, #tpu.memory_space<hbm>>) target(%dma_start3A_598 : memref<1x64xf32, #tpu.memory_space<vmem>>) target_semaphore(%arg15 : memref<!tpu.dma_semaphore, #tpu.memory_space<semaphore_mem>>)
        %slice3A_601 = vector.extract_strided_slice %get3A_62 {offsets = [10], sizes = [1], strides = [1]} : vector<16xi32> to vector<1xi32>
        %squeeze3A_602 = vector.extract %slice3A_601[0] : i32 from vector<1xi32>
        %add3A_603 = arith.constant 2 : i32
        %add3A_604 = arith.addi %mul3A_564, %add3A_603 : i32
        %add3A_605 = arith.constant 1 : i32
        %add3A_606 = arith.addi %add3A_604, %add3A_605 : i32
        %dma_start3A_607 = arith.constant 0 : i32
        %dma_start3A_608 = tpu.memref_slice %arg12[%add3A_606, %dma_start3A_607] : memref<448x64xf32, #tpu.memory_space<vmem>> -> memref<1x64xf32, #tpu.memory_space<vmem>>
        %dma_start3A_609 = arith.constant 0 : i32
        %dma_start3A_610 = tpu.memref_slice %arg6[%squeeze3A_602, %dma_start3A_609] : memref<1000000x64xf32, #tpu.memory_space<hbm>> -> memref<1x64xf32, #tpu.memory_space<hbm>>
        %dma_start3A_611 = arith.constant 0 : i32
        %dma_start3A_612 = tpu.memref_slice %arg12[%add3A_606, %dma_start3A_611] : memref<448x64xf32, #tpu.memory_space<vmem>> -> memref<1x64xf32, #tpu.memory_space<vmem>>
        %dma_start3A_613 = arith.constant 0 : i32
        %dma_start3A_614 = tpu.memref_slice %arg6[%squeeze3A_602, %dma_start3A_613] : memref<1000000x64xf32, #tpu.memory_space<hbm>> -> memref<1x64xf32, #tpu.memory_space<hbm>>
        tpu.enqueue_dma source(%dma_start3A_614 : memref<1x64xf32, #tpu.memory_space<hbm>>) target(%dma_start3A_612 : memref<1x64xf32, #tpu.memory_space<vmem>>) target_semaphore(%arg15 : memref<!tpu.dma_semaphore, #tpu.memory_space<semaphore_mem>>)
        %slice3A_615 = vector.extract_strided_slice %get3A_62 {offsets = [11], sizes = [1], strides = [1]} : vector<16xi32> to vector<1xi32>
        %squeeze3A_616 = vector.extract %slice3A_615[0] : i32 from vector<1xi32>
        %add3A_617 = arith.constant 2 : i32
        %add3A_618 = arith.addi %mul3A_564, %add3A_617 : i32
        %add3A_619 = arith.constant 2 : i32
        %add3A_620 = arith.addi %add3A_618, %add3A_619 : i32
        %dma_start3A_621 = arith.constant 0 : i32
        %dma_start3A_622 = tpu.memref_slice %arg12[%add3A_620, %dma_start3A_621] : memref<448x64xf32, #tpu.memory_space<vmem>> -> memref<1x64xf32, #tpu.memory_space<vmem>>
        %dma_start3A_623 = arith.constant 0 : i32
        %dma_start3A_624 = tpu.memref_slice %arg6[%squeeze3A_616, %dma_start3A_623] : memref<1000000x64xf32, #tpu.memory_space<hbm>> -> memref<1x64xf32, #tpu.memory_space<hbm>>
        %dma_start3A_625 = arith.constant 0 : i32
        %dma_start3A_626 = tpu.memref_slice %arg12[%add3A_620, %dma_start3A_625] : memref<448x64xf32, #tpu.memory_space<vmem>> -> memref<1x64xf32, #tpu.memory_space<vmem>>
        %dma_start3A_627 = arith.constant 0 : i32
        %dma_start3A_628 = tpu.memref_slice %arg6[%squeeze3A_616, %dma_start3A_627] : memref<1000000x64xf32, #tpu.memory_space<hbm>> -> memref<1x64xf32, #tpu.memory_space<hbm>>
        tpu.enqueue_dma source(%dma_start3A_628 : memref<1x64xf32, #tpu.memory_space<hbm>>) target(%dma_start3A_626 : memref<1x64xf32, #tpu.memory_space<vmem>>) target_semaphore(%arg15 : memref<!tpu.dma_semaphore, #tpu.memory_space<semaphore_mem>>)
        %slice3A_629 = vector.extract_strided_slice %get3A_62 {offsets = [12], sizes = [1], strides = [1]} : vector<16xi32> to vector<1xi32>
        %squeeze3A_630 = vector.extract %slice3A_629[0] : i32 from vector<1xi32>
        %add3A_631 = arith.constant 2 : i32
        %add3A_632 = arith.addi %mul3A_564, %add3A_631 : i32
        %add3A_633 = arith.constant 3 : i32
        %add3A_634 = arith.addi %add3A_632, %add3A_633 : i32
        %dma_start3A_635 = arith.constant 0 : i32
        %dma_start3A_636 = tpu.memref_slice %arg12[%add3A_634, %dma_start3A_635] : memref<448x64xf32, #tpu.memory_space<vmem>> -> memref<1x64xf32, #tpu.memory_space<vmem>>
        %dma_start3A_637 = arith.constant 0 : i32
        %dma_start3A_638 = tpu.memref_slice %arg6[%squeeze3A_630, %dma_start3A_637] : memref<1000000x64xf32, #tpu.memory_space<hbm>> -> memref<1x64xf32, #tpu.memory_space<hbm>>
        %dma_start3A_639 = arith.constant 0 : i32
        %dma_start3A_640 = tpu.memref_slice %arg12[%add3A_634, %dma_start3A_639] : memref<448x64xf32, #tpu.memory_space<vmem>> -> memref<1x64xf32, #tpu.memory_space<vmem>>
        %dma_start3A_641 = arith.constant 0 : i32
        %dma_start3A_642 = tpu.memref_slice %arg6[%squeeze3A_630, %dma_start3A_641] : memref<1000000x64xf32, #tpu.memory_space<hbm>> -> memref<1x64xf32, #tpu.memory_space<hbm>>
        tpu.enqueue_dma source(%dma_start3A_642 : memref<1x64xf32, #tpu.memory_space<hbm>>) target(%dma_start3A_640 : memref<1x64xf32, #tpu.memory_space<vmem>>) target_semaphore(%arg15 : memref<!tpu.dma_semaphore, #tpu.memory_space<semaphore_mem>>)
        %slice3A_643 = vector.extract_strided_slice %get3A_62 {offsets = [13], sizes = [1], strides = [1]} : vector<16xi32> to vector<1xi32>
        %squeeze3A_644 = vector.extract %slice3A_643[0] : i32 from vector<1xi32>
        %add3A_645 = arith.constant 2 : i32
        %add3A_646 = arith.addi %mul3A_564, %add3A_645 : i32
        %add3A_647 = arith.constant 4 : i32
        %add3A_648 = arith.addi %add3A_646, %add3A_647 : i32
        %dma_start3A_649 = arith.constant 0 : i32
        %dma_start3A_650 = tpu.memref_slice %arg12[%add3A_648, %dma_start3A_649] : memref<448x64xf32, #tpu.memory_space<vmem>> -> memref<1x64xf32, #tpu.memory_space<vmem>>
        %dma_start3A_651 = arith.constant 0 : i32
        %dma_start3A_652 = tpu.memref_slice %arg6[%squeeze3A_644, %dma_start3A_651] : memref<1000000x64xf32, #tpu.memory_space<hbm>> -> memref<1x64xf32, #tpu.memory_space<hbm>>
        %dma_start3A_653 = arith.constant 0 : i32
        %dma_start3A_654 = tpu.memref_slice %arg12[%add3A_648, %dma_start3A_653] : memref<448x64xf32, #tpu.memory_space<vmem>> -> memref<1x64xf32, #tpu.memory_space<vmem>>
        %dma_start3A_655 = arith.constant 0 : i32
        %dma_start3A_656 = tpu.memref_slice %arg6[%squeeze3A_644, %dma_start3A_655] : memref<1000000x64xf32, #tpu.memory_space<hbm>> -> memref<1x64xf32, #tpu.memory_space<hbm>>
        tpu.enqueue_dma source(%dma_start3A_656 : memref<1x64xf32, #tpu.memory_space<hbm>>) target(%dma_start3A_654 : memref<1x64xf32, #tpu.memory_space<vmem>>) target_semaphore(%arg15 : memref<!tpu.dma_semaphore, #tpu.memory_space<semaphore_mem>>)
        %add3A_657 = arith.constant 6 : i32
        %add3A_658 = arith.addi %mul3A_43, %add3A_657 : i32
        %mul3A_659 = arith.constant 7 : i32
        %mul3A_660 = arith.muli %add3A_658, %mul3A_659 : i32
        %slice3A_661 = vector.extract_strided_slice %get3A_45 {offsets = [6], sizes = [1], strides = [1]} : vector<16xi32> to vector<1xi32>
        %squeeze3A_662 = vector.extract %slice3A_661[0] : i32 from vector<1xi32>
        %dma_start3A_663 = arith.constant 0 : i32
        %dma_start3A_664 = tpu.memref_slice %arg12[%mul3A_660, %dma_start3A_663] : memref<448x64xf32, #tpu.memory_space<vmem>> -> memref<1x64xf32, #tpu.memory_space<vmem>>
        %dma_start3A_665 = arith.constant 0 : i32
        %dma_start3A_666 = tpu.memref_slice %arg5[%squeeze3A_662, %dma_start3A_665] : memref<1000000x64xf32, #tpu.memory_space<hbm>> -> memref<1x64xf32, #tpu.memory_space<hbm>>
        %dma_start3A_667 = arith.constant 0 : i32
        %dma_start3A_668 = tpu.memref_slice %arg12[%mul3A_660, %dma_start3A_667] : memref<448x64xf32, #tpu.memory_space<vmem>> -> memref<1x64xf32, #tpu.memory_space<vmem>>
        %dma_start3A_669 = arith.constant 0 : i32
        %dma_start3A_670 = tpu.memref_slice %arg5[%squeeze3A_662, %dma_start3A_669] : memref<1000000x64xf32, #tpu.memory_space<hbm>> -> memref<1x64xf32, #tpu.memory_space<hbm>>
        tpu.enqueue_dma source(%dma_start3A_670 : memref<1x64xf32, #tpu.memory_space<hbm>>) target(%dma_start3A_668 : memref<1x64xf32, #tpu.memory_space<vmem>>) target_semaphore(%arg15 : memref<!tpu.dma_semaphore, #tpu.memory_space<semaphore_mem>>)
        %slice3A_671 = vector.extract_strided_slice %get3A_48 {offsets = [6], sizes = [1], strides = [1]} : vector<16xi32> to vector<1xi32>
        %squeeze3A_672 = vector.extract %slice3A_671[0] : i32 from vector<1xi32>
        %add3A_673 = arith.constant 1 : i32
        %add3A_674 = arith.addi %mul3A_660, %add3A_673 : i32
        %dma_start3A_675 = arith.constant 0 : i32
        %dma_start3A_676 = tpu.memref_slice %arg12[%add3A_674, %dma_start3A_675] : memref<448x64xf32, #tpu.memory_space<vmem>> -> memref<1x64xf32, #tpu.memory_space<vmem>>
        %dma_start3A_677 = arith.constant 0 : i32
        %dma_start3A_678 = tpu.memref_slice %arg6[%squeeze3A_672, %dma_start3A_677] : memref<1000000x64xf32, #tpu.memory_space<hbm>> -> memref<1x64xf32, #tpu.memory_space<hbm>>
        %dma_start3A_679 = arith.constant 0 : i32
        %dma_start3A_680 = tpu.memref_slice %arg12[%add3A_674, %dma_start3A_679] : memref<448x64xf32, #tpu.memory_space<vmem>> -> memref<1x64xf32, #tpu.memory_space<vmem>>
        %dma_start3A_681 = arith.constant 0 : i32
        %dma_start3A_682 = tpu.memref_slice %arg6[%squeeze3A_672, %dma_start3A_681] : memref<1000000x64xf32, #tpu.memory_space<hbm>> -> memref<1x64xf32, #tpu.memory_space<hbm>>
        tpu.enqueue_dma source(%dma_start3A_682 : memref<1x64xf32, #tpu.memory_space<hbm>>) target(%dma_start3A_680 : memref<1x64xf32, #tpu.memory_space<vmem>>) target_semaphore(%arg15 : memref<!tpu.dma_semaphore, #tpu.memory_space<semaphore_mem>>)
        %slice3A_683 = vector.extract_strided_slice %get3A_62 {offsets = [14], sizes = [1], strides = [1]} : vector<16xi32> to vector<1xi32>
        %squeeze3A_684 = vector.extract %slice3A_683[0] : i32 from vector<1xi32>
        %add3A_685 = arith.constant 2 : i32
        %add3A_686 = arith.addi %mul3A_660, %add3A_685 : i32
        %add3A_687 = arith.constant 0 : i32
        %add3A_688 = arith.addi %add3A_686, %add3A_687 : i32
        %dma_start3A_689 = arith.constant 0 : i32
        %dma_start3A_690 = tpu.memref_slice %arg12[%add3A_688, %dma_start3A_689] : memref<448x64xf32, #tpu.memory_space<vmem>> -> memref<1x64xf32, #tpu.memory_space<vmem>>
        %dma_start3A_691 = arith.constant 0 : i32
        %dma_start3A_692 = tpu.memref_slice %arg6[%squeeze3A_684, %dma_start3A_691] : memref<1000000x64xf32, #tpu.memory_space<hbm>> -> memref<1x64xf32, #tpu.memory_space<hbm>>
        %dma_start3A_693 = arith.constant 0 : i32
        %dma_start3A_694 = tpu.memref_slice %arg12[%add3A_688, %dma_start3A_693] : memref<448x64xf32, #tpu.memory_space<vmem>> -> memref<1x64xf32, #tpu.memory_space<vmem>>
        %dma_start3A_695 = arith.constant 0 : i32
        %dma_start3A_696 = tpu.memref_slice %arg6[%squeeze3A_684, %dma_start3A_695] : memref<1000000x64xf32, #tpu.memory_space<hbm>> -> memref<1x64xf32, #tpu.memory_space<hbm>>
        tpu.enqueue_dma source(%dma_start3A_696 : memref<1x64xf32, #tpu.memory_space<hbm>>) target(%dma_start3A_694 : memref<1x64xf32, #tpu.memory_space<vmem>>) target_semaphore(%arg15 : memref<!tpu.dma_semaphore, #tpu.memory_space<semaphore_mem>>)
        %slice3A_697 = vector.extract_strided_slice %get3A_62 {offsets = [15], sizes = [1], strides = [1]} : vector<16xi32> to vector<1xi32>
        %squeeze3A_698 = vector.extract %slice3A_697[0] : i32 from vector<1xi32>
        %add3A_699 = arith.constant 2 : i32
        %add3A_700 = arith.addi %mul3A_660, %add3A_699 : i32
        %add3A_701 = arith.constant 1 : i32
        %add3A_702 = arith.addi %add3A_700, %add3A_701 : i32
        %dma_start3A_703 = arith.constant 0 : i32
        %dma_start3A_704 = tpu.memref_slice %arg12[%add3A_702, %dma_start3A_703] : memref<448x64xf32, #tpu.memory_space<vmem>> -> memref<1x64xf32, #tpu.memory_space<vmem>>
        %dma_start3A_705 = arith.constant 0 : i32
        %dma_start3A_706 = tpu.memref_slice %arg6[%squeeze3A_698, %dma_start3A_705] : memref<1000000x64xf32, #tpu.memory_space<hbm>> -> memref<1x64xf32, #tpu.memory_space<hbm>>
        %dma_start3A_707 = arith.constant 0 : i32
        %dma_start3A_708 = tpu.memref_slice %arg12[%add3A_702, %dma_start3A_707] : memref<448x64xf32, #tpu.memory_space<vmem>> -> memref<1x64xf32, #tpu.memory_space<vmem>>
        %dma_start3A_709 = arith.constant 0 : i32
        %dma_start3A_710 = tpu.memref_slice %arg6[%squeeze3A_698, %dma_start3A_709] : memref<1000000x64xf32, #tpu.memory_space<hbm>> -> memref<1x64xf32, #tpu.memory_space<hbm>>
        tpu.enqueue_dma source(%dma_start3A_710 : memref<1x64xf32, #tpu.memory_space<hbm>>) target(%dma_start3A_708 : memref<1x64xf32, #tpu.memory_space<vmem>>) target_semaphore(%arg15 : memref<!tpu.dma_semaphore, #tpu.memory_space<semaphore_mem>>)
        %slice3A_711 = vector.extract_strided_slice %get3A_69 {offsets = [0], sizes = [1], strides = [1]} : vector<16xi32> to vector<1xi32>
        %squeeze3A_712 = vector.extract %slice3A_711[0] : i32 from vector<1xi32>
        %add3A_713 = arith.constant 2 : i32
        %add3A_714 = arith.addi %mul3A_660, %add3A_713 : i32
        %add3A_715 = arith.constant 2 : i32
        %add3A_716 = arith.addi %add3A_714, %add3A_715 : i32
        %dma_start3A_717 = arith.constant 0 : i32
        %dma_start3A_718 = tpu.memref_slice %arg12[%add3A_716, %dma_start3A_717] : memref<448x64xf32, #tpu.memory_space<vmem>> -> memref<1x64xf32, #tpu.memory_space<vmem>>
        %dma_start3A_719 = arith.constant 0 : i32
        %dma_start3A_720 = tpu.memref_slice %arg6[%squeeze3A_712, %dma_start3A_719] : memref<1000000x64xf32, #tpu.memory_space<hbm>> -> memref<1x64xf32, #tpu.memory_space<hbm>>
        %dma_start3A_721 = arith.constant 0 : i32
        %dma_start3A_722 = tpu.memref_slice %arg12[%add3A_716, %dma_start3A_721] : memref<448x64xf32, #tpu.memory_space<vmem>> -> memref<1x64xf32, #tpu.memory_space<vmem>>
        %dma_start3A_723 = arith.constant 0 : i32
        %dma_start3A_724 = tpu.memref_slice %arg6[%squeeze3A_712, %dma_start3A_723] : memref<1000000x64xf32, #tpu.memory_space<hbm>> -> memref<1x64xf32, #tpu.memory_space<hbm>>
        tpu.enqueue_dma source(%dma_start3A_724 : memref<1x64xf32, #tpu.memory_space<hbm>>) target(%dma_start3A_722 : memref<1x64xf32, #tpu.memory_space<vmem>>) target_semaphore(%arg15 : memref<!tpu.dma_semaphore, #tpu.memory_space<semaphore_mem>>)
        %slice3A_725 = vector.extract_strided_slice %get3A_69 {offsets = [1], sizes = [1], strides = [1]} : vector<16xi32> to vector<1xi32>
        %squeeze3A_726 = vector.extract %slice3A_725[0] : i32 from vector<1xi32>
        %add3A_727 = arith.constant 2 : i32
        %add3A_728 = arith.addi %mul3A_660, %add3A_727 : i32
        %add3A_729 = arith.constant 3 : i32
        %add3A_730 = arith.addi %add3A_728, %add3A_729 : i32
        %dma_start3A_731 = arith.constant 0 : i32
        %dma_start3A_732 = tpu.memref_slice %arg12[%add3A_730, %dma_start3A_731] : memref<448x64xf32, #tpu.memory_space<vmem>> -> memref<1x64xf32, #tpu.memory_space<vmem>>
        %dma_start3A_733 = arith.constant 0 : i32
        %dma_start3A_734 = tpu.memref_slice %arg6[%squeeze3A_726, %dma_start3A_733] : memref<1000000x64xf32, #tpu.memory_space<hbm>> -> memref<1x64xf32, #tpu.memory_space<hbm>>
        %dma_start3A_735 = arith.constant 0 : i32
        %dma_start3A_736 = tpu.memref_slice %arg12[%add3A_730, %dma_start3A_735] : memref<448x64xf32, #tpu.memory_space<vmem>> -> memref<1x64xf32, #tpu.memory_space<vmem>>
        %dma_start3A_737 = arith.constant 0 : i32
        %dma_start3A_738 = tpu.memref_slice %arg6[%squeeze3A_726, %dma_start3A_737] : memref<1000000x64xf32, #tpu.memory_space<hbm>> -> memref<1x64xf32, #tpu.memory_space<hbm>>
        tpu.enqueue_dma source(%dma_start3A_738 : memref<1x64xf32, #tpu.memory_space<hbm>>) target(%dma_start3A_736 : memref<1x64xf32, #tpu.memory_space<vmem>>) target_semaphore(%arg15 : memref<!tpu.dma_semaphore, #tpu.memory_space<semaphore_mem>>)
        %slice3A_739 = vector.extract_strided_slice %get3A_69 {offsets = [2], sizes = [1], strides = [1]} : vector<16xi32> to vector<1xi32>
        %squeeze3A_740 = vector.extract %slice3A_739[0] : i32 from vector<1xi32>
        %add3A_741 = arith.constant 2 : i32
        %add3A_742 = arith.addi %mul3A_660, %add3A_741 : i32
        %add3A_743 = arith.constant 4 : i32
        %add3A_744 = arith.addi %add3A_742, %add3A_743 : i32
        %dma_start3A_745 = arith.constant 0 : i32
        %dma_start3A_746 = tpu.memref_slice %arg12[%add3A_744, %dma_start3A_745] : memref<448x64xf32, #tpu.memory_space<vmem>> -> memref<1x64xf32, #tpu.memory_space<vmem>>
        %dma_start3A_747 = arith.constant 0 : i32
        %dma_start3A_748 = tpu.memref_slice %arg6[%squeeze3A_740, %dma_start3A_747] : memref<1000000x64xf32, #tpu.memory_space<hbm>> -> memref<1x64xf32, #tpu.memory_space<hbm>>
        %dma_start3A_749 = arith.constant 0 : i32
        %dma_start3A_750 = tpu.memref_slice %arg12[%add3A_744, %dma_start3A_749] : memref<448x64xf32, #tpu.memory_space<vmem>> -> memref<1x64xf32, #tpu.memory_space<vmem>>
        %dma_start3A_751 = arith.constant 0 : i32
        %dma_start3A_752 = tpu.memref_slice %arg6[%squeeze3A_740, %dma_start3A_751] : memref<1000000x64xf32, #tpu.memory_space<hbm>> -> memref<1x64xf32, #tpu.memory_space<hbm>>
        tpu.enqueue_dma source(%dma_start3A_752 : memref<1x64xf32, #tpu.memory_space<hbm>>) target(%dma_start3A_750 : memref<1x64xf32, #tpu.memory_space<vmem>>) target_semaphore(%arg15 : memref<!tpu.dma_semaphore, #tpu.memory_space<semaphore_mem>>)
        %add3A_753 = arith.constant 7 : i32
        %add3A_754 = arith.addi %mul3A_43, %add3A_753 : i32
        %mul3A_755 = arith.constant 7 : i32
        %mul3A_756 = arith.muli %add3A_754, %mul3A_755 : i32
        %slice3A_757 = vector.extract_strided_slice %get3A_45 {offsets = [7], sizes = [1], strides = [1]} : vector<16xi32> to vector<1xi32>
        %squeeze3A_758 = vector.extract %slice3A_757[0] : i32 from vector<1xi32>
        %dma_start3A_759 = arith.constant 0 : i32
        %dma_start3A_760 = tpu.memref_slice %arg12[%mul3A_756, %dma_start3A_759] : memref<448x64xf32, #tpu.memory_space<vmem>> -> memref<1x64xf32, #tpu.memory_space<vmem>>
        %dma_start3A_761 = arith.constant 0 : i32
        %dma_start3A_762 = tpu.memref_slice %arg5[%squeeze3A_758, %dma_start3A_761] : memref<1000000x64xf32, #tpu.memory_space<hbm>> -> memref<1x64xf32, #tpu.memory_space<hbm>>
        %dma_start3A_763 = arith.constant 0 : i32
        %dma_start3A_764 = tpu.memref_slice %arg12[%mul3A_756, %dma_start3A_763] : memref<448x64xf32, #tpu.memory_space<vmem>> -> memref<1x64xf32, #tpu.memory_space<vmem>>
        %dma_start3A_765 = arith.constant 0 : i32
        %dma_start3A_766 = tpu.memref_slice %arg5[%squeeze3A_758, %dma_start3A_765] : memref<1000000x64xf32, #tpu.memory_space<hbm>> -> memref<1x64xf32, #tpu.memory_space<hbm>>
        tpu.enqueue_dma source(%dma_start3A_766 : memref<1x64xf32, #tpu.memory_space<hbm>>) target(%dma_start3A_764 : memref<1x64xf32, #tpu.memory_space<vmem>>) target_semaphore(%arg15 : memref<!tpu.dma_semaphore, #tpu.memory_space<semaphore_mem>>)
        %slice3A_767 = vector.extract_strided_slice %get3A_48 {offsets = [7], sizes = [1], strides = [1]} : vector<16xi32> to vector<1xi32>
        %squeeze3A_768 = vector.extract %slice3A_767[0] : i32 from vector<1xi32>
        %add3A_769 = arith.constant 1 : i32
        %add3A_770 = arith.addi %mul3A_756, %add3A_769 : i32
        %dma_start3A_771 = arith.constant 0 : i32
        %dma_start3A_772 = tpu.memref_slice %arg12[%add3A_770, %dma_start3A_771] : memref<448x64xf32, #tpu.memory_space<vmem>> -> memref<1x64xf32, #tpu.memory_space<vmem>>
        %dma_start3A_773 = arith.constant 0 : i32
        %dma_start3A_774 = tpu.memref_slice %arg6[%squeeze3A_768, %dma_start3A_773] : memref<1000000x64xf32, #tpu.memory_space<hbm>> -> memref<1x64xf32, #tpu.memory_space<hbm>>
        %dma_start3A_775 = arith.constant 0 : i32
        %dma_start3A_776 = tpu.memref_slice %arg12[%add3A_770, %dma_start3A_775] : memref<448x64xf32, #tpu.memory_space<vmem>> -> memref<1x64xf32, #tpu.memory_space<vmem>>
        %dma_start3A_777 = arith.constant 0 : i32
        %dma_start3A_778 = tpu.memref_slice %arg6[%squeeze3A_768, %dma_start3A_777] : memref<1000000x64xf32, #tpu.memory_space<hbm>> -> memref<1x64xf32, #tpu.memory_space<hbm>>
        tpu.enqueue_dma source(%dma_start3A_778 : memref<1x64xf32, #tpu.memory_space<hbm>>) target(%dma_start3A_776 : memref<1x64xf32, #tpu.memory_space<vmem>>) target_semaphore(%arg15 : memref<!tpu.dma_semaphore, #tpu.memory_space<semaphore_mem>>)
        %slice3A_779 = vector.extract_strided_slice %get3A_69 {offsets = [3], sizes = [1], strides = [1]} : vector<16xi32> to vector<1xi32>
        %squeeze3A_780 = vector.extract %slice3A_779[0] : i32 from vector<1xi32>
        %add3A_781 = arith.constant 2 : i32
        %add3A_782 = arith.addi %mul3A_756, %add3A_781 : i32
        %add3A_783 = arith.constant 0 : i32
        %add3A_784 = arith.addi %add3A_782, %add3A_783 : i32
        %dma_start3A_785 = arith.constant 0 : i32
        %dma_start3A_786 = tpu.memref_slice %arg12[%add3A_784, %dma_start3A_785] : memref<448x64xf32, #tpu.memory_space<vmem>> -> memref<1x64xf32, #tpu.memory_space<vmem>>
        %dma_start3A_787 = arith.constant 0 : i32
        %dma_start3A_788 = tpu.memref_slice %arg6[%squeeze3A_780, %dma_start3A_787] : memref<1000000x64xf32, #tpu.memory_space<hbm>> -> memref<1x64xf32, #tpu.memory_space<hbm>>
        %dma_start3A_789 = arith.constant 0 : i32
        %dma_start3A_790 = tpu.memref_slice %arg12[%add3A_784, %dma_start3A_789] : memref<448x64xf32, #tpu.memory_space<vmem>> -> memref<1x64xf32, #tpu.memory_space<vmem>>
        %dma_start3A_791 = arith.constant 0 : i32
        %dma_start3A_792 = tpu.memref_slice %arg6[%squeeze3A_780, %dma_start3A_791] : memref<1000000x64xf32, #tpu.memory_space<hbm>> -> memref<1x64xf32, #tpu.memory_space<hbm>>
        tpu.enqueue_dma source(%dma_start3A_792 : memref<1x64xf32, #tpu.memory_space<hbm>>) target(%dma_start3A_790 : memref<1x64xf32, #tpu.memory_space<vmem>>) target_semaphore(%arg15 : memref<!tpu.dma_semaphore, #tpu.memory_space<semaphore_mem>>)
        %slice3A_793 = vector.extract_strided_slice %get3A_69 {offsets = [4], sizes = [1], strides = [1]} : vector<16xi32> to vector<1xi32>
        %squeeze3A_794 = vector.extract %slice3A_793[0] : i32 from vector<1xi32>
        %add3A_795 = arith.constant 2 : i32
        %add3A_796 = arith.addi %mul3A_756, %add3A_795 : i32
        %add3A_797 = arith.constant 1 : i32
        %add3A_798 = arith.addi %add3A_796, %add3A_797 : i32
        %dma_start3A_799 = arith.constant 0 : i32
        %dma_start3A_800 = tpu.memref_slice %arg12[%add3A_798, %dma_start3A_799] : memref<448x64xf32, #tpu.memory_space<vmem>> -> memref<1x64xf32, #tpu.memory_space<vmem>>
        %dma_start3A_801 = arith.constant 0 : i32
        %dma_start3A_802 = tpu.memref_slice %arg6[%squeeze3A_794, %dma_start3A_801] : memref<1000000x64xf32, #tpu.memory_space<hbm>> -> memref<1x64xf32, #tpu.memory_space<hbm>>
        %dma_start3A_803 = arith.constant 0 : i32
        %dma_start3A_804 = tpu.memref_slice %arg12[%add3A_798, %dma_start3A_803] : memref<448x64xf32, #tpu.memory_space<vmem>> -> memref<1x64xf32, #tpu.memory_space<vmem>>
        %dma_start3A_805 = arith.constant 0 : i32
        %dma_start3A_806 = tpu.memref_slice %arg6[%squeeze3A_794, %dma_start3A_805] : memref<1000000x64xf32, #tpu.memory_space<hbm>> -> memref<1x64xf32, #tpu.memory_space<hbm>>
        tpu.enqueue_dma source(%dma_start3A_806 : memref<1x64xf32, #tpu.memory_space<hbm>>) target(%dma_start3A_804 : memref<1x64xf32, #tpu.memory_space<vmem>>) target_semaphore(%arg15 : memref<!tpu.dma_semaphore, #tpu.memory_space<semaphore_mem>>)
        %slice3A_807 = vector.extract_strided_slice %get3A_69 {offsets = [5], sizes = [1], strides = [1]} : vector<16xi32> to vector<1xi32>
        %squeeze3A_808 = vector.extract %slice3A_807[0] : i32 from vector<1xi32>
        %add3A_809 = arith.constant 2 : i32
        %add3A_810 = arith.addi %mul3A_756, %add3A_809 : i32
        %add3A_811 = arith.constant 2 : i32
        %add3A_812 = arith.addi %add3A_810, %add3A_811 : i32
        %dma_start3A_813 = arith.constant 0 : i32
        %dma_start3A_814 = tpu.memref_slice %arg12[%add3A_812, %dma_start3A_813] : memref<448x64xf32, #tpu.memory_space<vmem>> -> memref<1x64xf32, #tpu.memory_space<vmem>>
        %dma_start3A_815 = arith.constant 0 : i32
        %dma_start3A_816 = tpu.memref_slice %arg6[%squeeze3A_808, %dma_start3A_815] : memref<1000000x64xf32, #tpu.memory_space<hbm>> -> memref<1x64xf32, #tpu.memory_space<hbm>>
        %dma_start3A_817 = arith.constant 0 : i32
        %dma_start3A_818 = tpu.memref_slice %arg12[%add3A_812, %dma_start3A_817] : memref<448x64xf32, #tpu.memory_space<vmem>> -> memref<1x64xf32, #tpu.memory_space<vmem>>
        %dma_start3A_819 = arith.constant 0 : i32
        %dma_start3A_820 = tpu.memref_slice %arg6[%squeeze3A_808, %dma_start3A_819] : memref<1000000x64xf32, #tpu.memory_space<hbm>> -> memref<1x64xf32, #tpu.memory_space<hbm>>
        tpu.enqueue_dma source(%dma_start3A_820 : memref<1x64xf32, #tpu.memory_space<hbm>>) target(%dma_start3A_818 : memref<1x64xf32, #tpu.memory_space<vmem>>) target_semaphore(%arg15 : memref<!tpu.dma_semaphore, #tpu.memory_space<semaphore_mem>>)
        %slice3A_821 = vector.extract_strided_slice %get3A_69 {offsets = [6], sizes = [1], strides = [1]} : vector<16xi32> to vector<1xi32>
        %squeeze3A_822 = vector.extract %slice3A_821[0] : i32 from vector<1xi32>
        %add3A_823 = arith.constant 2 : i32
        %add3A_824 = arith.addi %mul3A_756, %add3A_823 : i32
        %add3A_825 = arith.constant 3 : i32
        %add3A_826 = arith.addi %add3A_824, %add3A_825 : i32
        %dma_start3A_827 = arith.constant 0 : i32
        %dma_start3A_828 = tpu.memref_slice %arg12[%add3A_826, %dma_start3A_827] : memref<448x64xf32, #tpu.memory_space<vmem>> -> memref<1x64xf32, #tpu.memory_space<vmem>>
        %dma_start3A_829 = arith.constant 0 : i32
        %dma_start3A_830 = tpu.memref_slice %arg6[%squeeze3A_822, %dma_start3A_829] : memref<1000000x64xf32, #tpu.memory_space<hbm>> -> memref<1x64xf32, #tpu.memory_space<hbm>>
        %dma_start3A_831 = arith.constant 0 : i32
        %dma_start3A_832 = tpu.memref_slice %arg12[%add3A_826, %dma_start3A_831] : memref<448x64xf32, #tpu.memory_space<vmem>> -> memref<1x64xf32, #tpu.memory_space<vmem>>
        %dma_start3A_833 = arith.constant 0 : i32
        %dma_start3A_834 = tpu.memref_slice %arg6[%squeeze3A_822, %dma_start3A_833] : memref<1000000x64xf32, #tpu.memory_space<hbm>> -> memref<1x64xf32, #tpu.memory_space<hbm>>
        tpu.enqueue_dma source(%dma_start3A_834 : memref<1x64xf32, #tpu.memory_space<hbm>>) target(%dma_start3A_832 : memref<1x64xf32, #tpu.memory_space<vmem>>) target_semaphore(%arg15 : memref<!tpu.dma_semaphore, #tpu.memory_space<semaphore_mem>>)
        %slice3A_835 = vector.extract_strided_slice %get3A_69 {offsets = [7], sizes = [1], strides = [1]} : vector<16xi32> to vector<1xi32>
        %squeeze3A_836 = vector.extract %slice3A_835[0] : i32 from vector<1xi32>
        %add3A_837 = arith.constant 2 : i32
        %add3A_838 = arith.addi %mul3A_756, %add3A_837 : i32
        %add3A_839 = arith.constant 4 : i32
        %add3A_840 = arith.addi %add3A_838, %add3A_839 : i32
        %dma_start3A_841 = arith.constant 0 : i32
        %dma_start3A_842 = tpu.memref_slice %arg12[%add3A_840, %dma_start3A_841] : memref<448x64xf32, #tpu.memory_space<vmem>> -> memref<1x64xf32, #tpu.memory_space<vmem>>
        %dma_start3A_843 = arith.constant 0 : i32
        %dma_start3A_844 = tpu.memref_slice %arg6[%squeeze3A_836, %dma_start3A_843] : memref<1000000x64xf32, #tpu.memory_space<hbm>> -> memref<1x64xf32, #tpu.memory_space<hbm>>
        %dma_start3A_845 = arith.constant 0 : i32
        %dma_start3A_846 = tpu.memref_slice %arg12[%add3A_840, %dma_start3A_845] : memref<448x64xf32, #tpu.memory_space<vmem>> -> memref<1x64xf32, #tpu.memory_space<vmem>>
        %dma_start3A_847 = arith.constant 0 : i32
        %dma_start3A_848 = tpu.memref_slice %arg6[%squeeze3A_836, %dma_start3A_847] : memref<1000000x64xf32, #tpu.memory_space<hbm>> -> memref<1x64xf32, #tpu.memory_space<hbm>>
        tpu.enqueue_dma source(%dma_start3A_848 : memref<1x64xf32, #tpu.memory_space<hbm>>) target(%dma_start3A_846 : memref<1x64xf32, #tpu.memory_space<vmem>>) target_semaphore(%arg15 : memref<!tpu.dma_semaphore, #tpu.memory_space<semaphore_mem>>)
        %add3A_849 = arith.constant 8 : i32
        %add3A_850 = arith.addi %mul3A_43, %add3A_849 : i32
        %mul3A_851 = arith.constant 7 : i32
        %mul3A_852 = arith.muli %add3A_850, %mul3A_851 : i32
        %slice3A_853 = vector.extract_strided_slice %get3A_45 {offsets = [8], sizes = [1], strides = [1]} : vector<16xi32> to vector<1xi32>
        %squeeze3A_854 = vector.extract %slice3A_853[0] : i32 from vector<1xi32>
        %dma_start3A_855 = arith.constant 0 : i32
        %dma_start3A_856 = tpu.memref_slice %arg12[%mul3A_852, %dma_start3A_855] : memref<448x64xf32, #tpu.memory_space<vmem>> -> memref<1x64xf32, #tpu.memory_space<vmem>>
        %dma_start3A_857 = arith.constant 0 : i32
        %dma_start3A_858 = tpu.memref_slice %arg5[%squeeze3A_854, %dma_start3A_857] : memref<1000000x64xf32, #tpu.memory_space<hbm>> -> memref<1x64xf32, #tpu.memory_space<hbm>>
        %dma_start3A_859 = arith.constant 0 : i32
        %dma_start3A_860 = tpu.memref_slice %arg12[%mul3A_852, %dma_start3A_859] : memref<448x64xf32, #tpu.memory_space<vmem>> -> memref<1x64xf32, #tpu.memory_space<vmem>>
        %dma_start3A_861 = arith.constant 0 : i32
        %dma_start3A_862 = tpu.memref_slice %arg5[%squeeze3A_854, %dma_start3A_861] : memref<1000000x64xf32, #tpu.memory_space<hbm>> -> memref<1x64xf32, #tpu.memory_space<hbm>>
        tpu.enqueue_dma source(%dma_start3A_862 : memref<1x64xf32, #tpu.memory_space<hbm>>) target(%dma_start3A_860 : memref<1x64xf32, #tpu.memory_space<vmem>>) target_semaphore(%arg15 : memref<!tpu.dma_semaphore, #tpu.memory_space<semaphore_mem>>)
        %slice3A_863 = vector.extract_strided_slice %get3A_48 {offsets = [8], sizes = [1], strides = [1]} : vector<16xi32> to vector<1xi32>
        %squeeze3A_864 = vector.extract %slice3A_863[0] : i32 from vector<1xi32>
        %add3A_865 = arith.constant 1 : i32
        %add3A_866 = arith.addi %mul3A_852, %add3A_865 : i32
        %dma_start3A_867 = arith.constant 0 : i32
        %dma_start3A_868 = tpu.memref_slice %arg12[%add3A_866, %dma_start3A_867] : memref<448x64xf32, #tpu.memory_space<vmem>> -> memref<1x64xf32, #tpu.memory_space<vmem>>
        %dma_start3A_869 = arith.constant 0 : i32
        %dma_start3A_870 = tpu.memref_slice %arg6[%squeeze3A_864, %dma_start3A_869] : memref<1000000x64xf32, #tpu.memory_space<hbm>> -> memref<1x64xf32, #tpu.memory_space<hbm>>
        %dma_start3A_871 = arith.constant 0 : i32
        %dma_start3A_872 = tpu.memref_slice %arg12[%add3A_866, %dma_start3A_871] : memref<448x64xf32, #tpu.memory_space<vmem>> -> memref<1x64xf32, #tpu.memory_space<vmem>>
        %dma_start3A_873 = arith.constant 0 : i32
        %dma_start3A_874 = tpu.memref_slice %arg6[%squeeze3A_864, %dma_start3A_873] : memref<1000000x64xf32, #tpu.memory_space<hbm>> -> memref<1x64xf32, #tpu.memory_space<hbm>>
        tpu.enqueue_dma source(%dma_start3A_874 : memref<1x64xf32, #tpu.memory_space<hbm>>) target(%dma_start3A_872 : memref<1x64xf32, #tpu.memory_space<vmem>>) target_semaphore(%arg15 : memref<!tpu.dma_semaphore, #tpu.memory_space<semaphore_mem>>)
        %slice3A_875 = vector.extract_strided_slice %get3A_69 {offsets = [8], sizes = [1], strides = [1]} : vector<16xi32> to vector<1xi32>
        %squeeze3A_876 = vector.extract %slice3A_875[0] : i32 from vector<1xi32>
        %add3A_877 = arith.constant 2 : i32
        %add3A_878 = arith.addi %mul3A_852, %add3A_877 : i32
        %add3A_879 = arith.constant 0 : i32
        %add3A_880 = arith.addi %add3A_878, %add3A_879 : i32
        %dma_start3A_881 = arith.constant 0 : i32
        %dma_start3A_882 = tpu.memref_slice %arg12[%add3A_880, %dma_start3A_881] : memref<448x64xf32, #tpu.memory_space<vmem>> -> memref<1x64xf32, #tpu.memory_space<vmem>>
        %dma_start3A_883 = arith.constant 0 : i32
        %dma_start3A_884 = tpu.memref_slice %arg6[%squeeze3A_876, %dma_start3A_883] : memref<1000000x64xf32, #tpu.memory_space<hbm>> -> memref<1x64xf32, #tpu.memory_space<hbm>>
        %dma_start3A_885 = arith.constant 0 : i32
        %dma_start3A_886 = tpu.memref_slice %arg12[%add3A_880, %dma_start3A_885] : memref<448x64xf32, #tpu.memory_space<vmem>> -> memref<1x64xf32, #tpu.memory_space<vmem>>
        %dma_start3A_887 = arith.constant 0 : i32
        %dma_start3A_888 = tpu.memref_slice %arg6[%squeeze3A_876, %dma_start3A_887] : memref<1000000x64xf32, #tpu.memory_space<hbm>> -> memref<1x64xf32, #tpu.memory_space<hbm>>
        tpu.enqueue_dma source(%dma_start3A_888 : memref<1x64xf32, #tpu.memory_space<hbm>>) target(%dma_start3A_886 : memref<1x64xf32, #tpu.memory_space<vmem>>) target_semaphore(%arg15 : memref<!tpu.dma_semaphore, #tpu.memory_space<semaphore_mem>>)
        %slice3A_889 = vector.extract_strided_slice %get3A_69 {offsets = [9], sizes = [1], strides = [1]} : vector<16xi32> to vector<1xi32>
        %squeeze3A_890 = vector.extract %slice3A_889[0] : i32 from vector<1xi32>
        %add3A_891 = arith.constant 2 : i32
        %add3A_892 = arith.addi %mul3A_852, %add3A_891 : i32
        %add3A_893 = arith.constant 1 : i32
        %add3A_894 = arith.addi %add3A_892, %add3A_893 : i32
        %dma_start3A_895 = arith.constant 0 : i32
        %dma_start3A_896 = tpu.memref_slice %arg12[%add3A_894, %dma_start3A_895] : memref<448x64xf32, #tpu.memory_space<vmem>> -> memref<1x64xf32, #tpu.memory_space<vmem>>
        %dma_start3A_897 = arith.constant 0 : i32
        %dma_start3A_898 = tpu.memref_slice %arg6[%squeeze3A_890, %dma_start3A_897] : memref<1000000x64xf32, #tpu.memory_space<hbm>> -> memref<1x64xf32, #tpu.memory_space<hbm>>
        %dma_start3A_899 = arith.constant 0 : i32
        %dma_start3A_900 = tpu.memref_slice %arg12[%add3A_894, %dma_start3A_899] : memref<448x64xf32, #tpu.memory_space<vmem>> -> memref<1x64xf32, #tpu.memory_space<vmem>>
        %dma_start3A_901 = arith.constant 0 : i32
        %dma_start3A_902 = tpu.memref_slice %arg6[%squeeze3A_890, %dma_start3A_901] : memref<1000000x64xf32, #tpu.memory_space<hbm>> -> memref<1x64xf32, #tpu.memory_space<hbm>>
        tpu.enqueue_dma source(%dma_start3A_902 : memref<1x64xf32, #tpu.memory_space<hbm>>) target(%dma_start3A_900 : memref<1x64xf32, #tpu.memory_space<vmem>>) target_semaphore(%arg15 : memref<!tpu.dma_semaphore, #tpu.memory_space<semaphore_mem>>)
        %slice3A_903 = vector.extract_strided_slice %get3A_69 {offsets = [10], sizes = [1], strides = [1]} : vector<16xi32> to vector<1xi32>
        %squeeze3A_904 = vector.extract %slice3A_903[0] : i32 from vector<1xi32>
        %add3A_905 = arith.constant 2 : i32
        %add3A_906 = arith.addi %mul3A_852, %add3A_905 : i32
        %add3A_907 = arith.constant 2 : i32
        %add3A_908 = arith.addi %add3A_906, %add3A_907 : i32
        %dma_start3A_909 = arith.constant 0 : i32
        %dma_start3A_910 = tpu.memref_slice %arg12[%add3A_908, %dma_start3A_909] : memref<448x64xf32, #tpu.memory_space<vmem>> -> memref<1x64xf32, #tpu.memory_space<vmem>>
        %dma_start3A_911 = arith.constant 0 : i32
        %dma_start3A_912 = tpu.memref_slice %arg6[%squeeze3A_904, %dma_start3A_911] : memref<1000000x64xf32, #tpu.memory_space<hbm>> -> memref<1x64xf32, #tpu.memory_space<hbm>>
        %dma_start3A_913 = arith.constant 0 : i32
        %dma_start3A_914 = tpu.memref_slice %arg12[%add3A_908, %dma_start3A_913] : memref<448x64xf32, #tpu.memory_space<vmem>> -> memref<1x64xf32, #tpu.memory_space<vmem>>
        %dma_start3A_915 = arith.constant 0 : i32
        %dma_start3A_916 = tpu.memref_slice %arg6[%squeeze3A_904, %dma_start3A_915] : memref<1000000x64xf32, #tpu.memory_space<hbm>> -> memref<1x64xf32, #tpu.memory_space<hbm>>
        tpu.enqueue_dma source(%dma_start3A_916 : memref<1x64xf32, #tpu.memory_space<hbm>>) target(%dma_start3A_914 : memref<1x64xf32, #tpu.memory_space<vmem>>) target_semaphore(%arg15 : memref<!tpu.dma_semaphore, #tpu.memory_space<semaphore_mem>>)
        %slice3A_917 = vector.extract_strided_slice %get3A_69 {offsets = [11], sizes = [1], strides = [1]} : vector<16xi32> to vector<1xi32>
        %squeeze3A_918 = vector.extract %slice3A_917[0] : i32 from vector<1xi32>
        %add3A_919 = arith.constant 2 : i32
        %add3A_920 = arith.addi %mul3A_852, %add3A_919 : i32
        %add3A_921 = arith.constant 3 : i32
        %add3A_922 = arith.addi %add3A_920, %add3A_921 : i32
        %dma_start3A_923 = arith.constant 0 : i32
        %dma_start3A_924 = tpu.memref_slice %arg12[%add3A_922, %dma_start3A_923] : memref<448x64xf32, #tpu.memory_space<vmem>> -> memref<1x64xf32, #tpu.memory_space<vmem>>
        %dma_start3A_925 = arith.constant 0 : i32
        %dma_start3A_926 = tpu.memref_slice %arg6[%squeeze3A_918, %dma_start3A_925] : memref<1000000x64xf32, #tpu.memory_space<hbm>> -> memref<1x64xf32, #tpu.memory_space<hbm>>
        %dma_start3A_927 = arith.constant 0 : i32
        %dma_start3A_928 = tpu.memref_slice %arg12[%add3A_922, %dma_start3A_927] : memref<448x64xf32, #tpu.memory_space<vmem>> -> memref<1x64xf32, #tpu.memory_space<vmem>>
        %dma_start3A_929 = arith.constant 0 : i32
        %dma_start3A_930 = tpu.memref_slice %arg6[%squeeze3A_918, %dma_start3A_929] : memref<1000000x64xf32, #tpu.memory_space<hbm>> -> memref<1x64xf32, #tpu.memory_space<hbm>>
        tpu.enqueue_dma source(%dma_start3A_930 : memref<1x64xf32, #tpu.memory_space<hbm>>) target(%dma_start3A_928 : memref<1x64xf32, #tpu.memory_space<vmem>>) target_semaphore(%arg15 : memref<!tpu.dma_semaphore, #tpu.memory_space<semaphore_mem>>)
        %slice3A_931 = vector.extract_strided_slice %get3A_69 {offsets = [12], sizes = [1], strides = [1]} : vector<16xi32> to vector<1xi32>
        %squeeze3A_932 = vector.extract %slice3A_931[0] : i32 from vector<1xi32>
        %add3A_933 = arith.constant 2 : i32
        %add3A_934 = arith.addi %mul3A_852, %add3A_933 : i32
        %add3A_935 = arith.constant 4 : i32
        %add3A_936 = arith.addi %add3A_934, %add3A_935 : i32
        %dma_start3A_937 = arith.constant 0 : i32
        %dma_start3A_938 = tpu.memref_slice %arg12[%add3A_936, %dma_start3A_937] : memref<448x64xf32, #tpu.memory_space<vmem>> -> memref<1x64xf32, #tpu.memory_space<vmem>>
        %dma_start3A_939 = arith.constant 0 : i32
        %dma_start3A_940 = tpu.memref_slice %arg6[%squeeze3A_932, %dma_start3A_939] : memref<1000000x64xf32, #tpu.memory_space<hbm>> -> memref<1x64xf32, #tpu.memory_space<hbm>>
        %dma_start3A_941 = arith.constant 0 : i32
        %dma_start3A_942 = tpu.memref_slice %arg12[%add3A_936, %dma_start3A_941] : memref<448x64xf32, #tpu.memory_space<vmem>> -> memref<1x64xf32, #tpu.memory_space<vmem>>
        %dma_start3A_943 = arith.constant 0 : i32
        %dma_start3A_944 = tpu.memref_slice %arg6[%squeeze3A_932, %dma_start3A_943] : memref<1000000x64xf32, #tpu.memory_space<hbm>> -> memref<1x64xf32, #tpu.memory_space<hbm>>
        tpu.enqueue_dma source(%dma_start3A_944 : memref<1x64xf32, #tpu.memory_space<hbm>>) target(%dma_start3A_942 : memref<1x64xf32, #tpu.memory_space<vmem>>) target_semaphore(%arg15 : memref<!tpu.dma_semaphore, #tpu.memory_space<semaphore_mem>>)
        %add3A_945 = arith.constant 9 : i32
        %add3A_946 = arith.addi %mul3A_43, %add3A_945 : i32
        %mul3A_947 = arith.constant 7 : i32
        %mul3A_948 = arith.muli %add3A_946, %mul3A_947 : i32
        %slice3A_949 = vector.extract_strided_slice %get3A_45 {offsets = [9], sizes = [1], strides = [1]} : vector<16xi32> to vector<1xi32>
        %squeeze3A_950 = vector.extract %slice3A_949[0] : i32 from vector<1xi32>
        %dma_start3A_951 = arith.constant 0 : i32
        %dma_start3A_952 = tpu.memref_slice %arg12[%mul3A_948, %dma_start3A_951] : memref<448x64xf32, #tpu.memory_space<vmem>> -> memref<1x64xf32, #tpu.memory_space<vmem>>
        %dma_start3A_953 = arith.constant 0 : i32
        %dma_start3A_954 = tpu.memref_slice %arg5[%squeeze3A_950, %dma_start3A_953] : memref<1000000x64xf32, #tpu.memory_space<hbm>> -> memref<1x64xf32, #tpu.memory_space<hbm>>
        %dma_start3A_955 = arith.constant 0 : i32
        %dma_start3A_956 = tpu.memref_slice %arg12[%mul3A_948, %dma_start3A_955] : memref<448x64xf32, #tpu.memory_space<vmem>> -> memref<1x64xf32, #tpu.memory_space<vmem>>
        %dma_start3A_957 = arith.constant 0 : i32
        %dma_start3A_958 = tpu.memref_slice %arg5[%squeeze3A_950, %dma_start3A_957] : memref<1000000x64xf32, #tpu.memory_space<hbm>> -> memref<1x64xf32, #tpu.memory_space<hbm>>
        tpu.enqueue_dma source(%dma_start3A_958 : memref<1x64xf32, #tpu.memory_space<hbm>>) target(%dma_start3A_956 : memref<1x64xf32, #tpu.memory_space<vmem>>) target_semaphore(%arg15 : memref<!tpu.dma_semaphore, #tpu.memory_space<semaphore_mem>>)
        %slice3A_959 = vector.extract_strided_slice %get3A_48 {offsets = [9], sizes = [1], strides = [1]} : vector<16xi32> to vector<1xi32>
        %squeeze3A_960 = vector.extract %slice3A_959[0] : i32 from vector<1xi32>
        %add3A_961 = arith.constant 1 : i32
        %add3A_962 = arith.addi %mul3A_948, %add3A_961 : i32
        %dma_start3A_963 = arith.constant 0 : i32
        %dma_start3A_964 = tpu.memref_slice %arg12[%add3A_962, %dma_start3A_963] : memref<448x64xf32, #tpu.memory_space<vmem>> -> memref<1x64xf32, #tpu.memory_space<vmem>>
        %dma_start3A_965 = arith.constant 0 : i32
        %dma_start3A_966 = tpu.memref_slice %arg6[%squeeze3A_960, %dma_start3A_965] : memref<1000000x64xf32, #tpu.memory_space<hbm>> -> memref<1x64xf32, #tpu.memory_space<hbm>>
        %dma_start3A_967 = arith.constant 0 : i32
        %dma_start3A_968 = tpu.memref_slice %arg12[%add3A_962, %dma_start3A_967] : memref<448x64xf32, #tpu.memory_space<vmem>> -> memref<1x64xf32, #tpu.memory_space<vmem>>
        %dma_start3A_969 = arith.constant 0 : i32
        %dma_start3A_970 = tpu.memref_slice %arg6[%squeeze3A_960, %dma_start3A_969] : memref<1000000x64xf32, #tpu.memory_space<hbm>> -> memref<1x64xf32, #tpu.memory_space<hbm>>
        tpu.enqueue_dma source(%dma_start3A_970 : memref<1x64xf32, #tpu.memory_space<hbm>>) target(%dma_start3A_968 : memref<1x64xf32, #tpu.memory_space<vmem>>) target_semaphore(%arg15 : memref<!tpu.dma_semaphore, #tpu.memory_space<semaphore_mem>>)
        %slice3A_971 = vector.extract_strided_slice %get3A_69 {offsets = [13], sizes = [1], strides = [1]} : vector<16xi32> to vector<1xi32>
        %squeeze3A_972 = vector.extract %slice3A_971[0] : i32 from vector<1xi32>
        %add3A_973 = arith.constant 2 : i32
        %add3A_974 = arith.addi %mul3A_948, %add3A_973 : i32
        %add3A_975 = arith.constant 0 : i32
        %add3A_976 = arith.addi %add3A_974, %add3A_975 : i32
        %dma_start3A_977 = arith.constant 0 : i32
        %dma_start3A_978 = tpu.memref_slice %arg12[%add3A_976, %dma_start3A_977] : memref<448x64xf32, #tpu.memory_space<vmem>> -> memref<1x64xf32, #tpu.memory_space<vmem>>
        %dma_start3A_979 = arith.constant 0 : i32
        %dma_start3A_980 = tpu.memref_slice %arg6[%squeeze3A_972, %dma_start3A_979] : memref<1000000x64xf32, #tpu.memory_space<hbm>> -> memref<1x64xf32, #tpu.memory_space<hbm>>
        %dma_start3A_981 = arith.constant 0 : i32
        %dma_start3A_982 = tpu.memref_slice %arg12[%add3A_976, %dma_start3A_981] : memref<448x64xf32, #tpu.memory_space<vmem>> -> memref<1x64xf32, #tpu.memory_space<vmem>>
        %dma_start3A_983 = arith.constant 0 : i32
        %dma_start3A_984 = tpu.memref_slice %arg6[%squeeze3A_972, %dma_start3A_983] : memref<1000000x64xf32, #tpu.memory_space<hbm>> -> memref<1x64xf32, #tpu.memory_space<hbm>>
        tpu.enqueue_dma source(%dma_start3A_984 : memref<1x64xf32, #tpu.memory_space<hbm>>) target(%dma_start3A_982 : memref<1x64xf32, #tpu.memory_space<vmem>>) target_semaphore(%arg15 : memref<!tpu.dma_semaphore, #tpu.memory_space<semaphore_mem>>)
        %slice3A_985 = vector.extract_strided_slice %get3A_69 {offsets = [14], sizes = [1], strides = [1]} : vector<16xi32> to vector<1xi32>
        %squeeze3A_986 = vector.extract %slice3A_985[0] : i32 from vector<1xi32>
        %add3A_987 = arith.constant 2 : i32
        %add3A_988 = arith.addi %mul3A_948, %add3A_987 : i32
        %add3A_989 = arith.constant 1 : i32
        %add3A_990 = arith.addi %add3A_988, %add3A_989 : i32
        %dma_start3A_991 = arith.constant 0 : i32
        %dma_start3A_992 = tpu.memref_slice %arg12[%add3A_990, %dma_start3A_991] : memref<448x64xf32, #tpu.memory_space<vmem>> -> memref<1x64xf32, #tpu.memory_space<vmem>>
        %dma_start3A_993 = arith.constant 0 : i32
        %dma_start3A_994 = tpu.memref_slice %arg6[%squeeze3A_986, %dma_start3A_993] : memref<1000000x64xf32, #tpu.memory_space<hbm>> -> memref<1x64xf32, #tpu.memory_space<hbm>>
        %dma_start3A_995 = arith.constant 0 : i32
        %dma_start3A_996 = tpu.memref_slice %arg12[%add3A_990, %dma_start3A_995] : memref<448x64xf32, #tpu.memory_space<vmem>> -> memref<1x64xf32, #tpu.memory_space<vmem>>
        %dma_start3A_997 = arith.constant 0 : i32
        %dma_start3A_998 = tpu.memref_slice %arg6[%squeeze3A_986, %dma_start3A_997] : memref<1000000x64xf32, #tpu.memory_space<hbm>> -> memref<1x64xf32, #tpu.memory_space<hbm>>
        tpu.enqueue_dma source(%dma_start3A_998 : memref<1x64xf32, #tpu.memory_space<hbm>>) target(%dma_start3A_996 : memref<1x64xf32, #tpu.memory_space<vmem>>) target_semaphore(%arg15 : memref<!tpu.dma_semaphore, #tpu.memory_space<semaphore_mem>>)
        %slice3A_999 = vector.extract_strided_slice %get3A_69 {offsets = [15], sizes = [1], strides = [1]} : vector<16xi32> to vector<1xi32>
        %squeeze3A_1000 = vector.extract %slice3A_999[0] : i32 from vector<1xi32>
        %add3A_1001 = arith.constant 2 : i32
        %add3A_1002 = arith.addi %mul3A_948, %add3A_1001 : i32
        %add3A_1003 = arith.constant 2 : i32
        %add3A_1004 = arith.addi %add3A_1002, %add3A_1003 : i32
        %dma_start3A_1005 = arith.constant 0 : i32
        %dma_start3A_1006 = tpu.memref_slice %arg12[%add3A_1004, %dma_start3A_1005] : memref<448x64xf32, #tpu.memory_space<vmem>> -> memref<1x64xf32, #tpu.memory_space<vmem>>
        %dma_start3A_1007 = arith.constant 0 : i32
        %dma_start3A_1008 = tpu.memref_slice %arg6[%squeeze3A_1000, %dma_start3A_1007] : memref<1000000x64xf32, #tpu.memory_space<hbm>> -> memref<1x64xf32, #tpu.memory_space<hbm>>
        %dma_start3A_1009 = arith.constant 0 : i32
        %dma_start3A_1010 = tpu.memref_slice %arg12[%add3A_1004, %dma_start3A_1009] : memref<448x64xf32, #tpu.memory_space<vmem>> -> memref<1x64xf32, #tpu.memory_space<vmem>>
        %dma_start3A_1011 = arith.constant 0 : i32
        %dma_start3A_1012 = tpu.memref_slice %arg6[%squeeze3A_1000, %dma_start3A_1011] : memref<1000000x64xf32, #tpu.memory_space<hbm>> -> memref<1x64xf32, #tpu.memory_space<hbm>>
        tpu.enqueue_dma source(%dma_start3A_1012 : memref<1x64xf32, #tpu.memory_space<hbm>>) target(%dma_start3A_1010 : memref<1x64xf32, #tpu.memory_space<vmem>>) target_semaphore(%arg15 : memref<!tpu.dma_semaphore, #tpu.memory_space<semaphore_mem>>)
        %slice3A_1013 = vector.extract_strided_slice %get3A_76 {offsets = [0], sizes = [1], strides = [1]} : vector<16xi32> to vector<1xi32>
        %squeeze3A_1014 = vector.extract %slice3A_1013[0] : i32 from vector<1xi32>
        %add3A_1015 = arith.constant 2 : i32
        %add3A_1016 = arith.addi %mul3A_948, %add3A_1015 : i32
        %add3A_1017 = arith.constant 3 : i32
        %add3A_1018 = arith.addi %add3A_1016, %add3A_1017 : i32
        %dma_start3A_1019 = arith.constant 0 : i32
        %dma_start3A_1020 = tpu.memref_slice %arg12[%add3A_1018, %dma_start3A_1019] : memref<448x64xf32, #tpu.memory_space<vmem>> -> memref<1x64xf32, #tpu.memory_space<vmem>>
        %dma_start3A_1021 = arith.constant 0 : i32
        %dma_start3A_1022 = tpu.memref_slice %arg6[%squeeze3A_1014, %dma_start3A_1021] : memref<1000000x64xf32, #tpu.memory_space<hbm>> -> memref<1x64xf32, #tpu.memory_space<hbm>>
        %dma_start3A_1023 = arith.constant 0 : i32
        %dma_start3A_1024 = tpu.memref_slice %arg12[%add3A_1018, %dma_start3A_1023] : memref<448x64xf32, #tpu.memory_space<vmem>> -> memref<1x64xf32, #tpu.memory_space<vmem>>
        %dma_start3A_1025 = arith.constant 0 : i32
        %dma_start3A_1026 = tpu.memref_slice %arg6[%squeeze3A_1014, %dma_start3A_1025] : memref<1000000x64xf32, #tpu.memory_space<hbm>> -> memref<1x64xf32, #tpu.memory_space<hbm>>
        tpu.enqueue_dma source(%dma_start3A_1026 : memref<1x64xf32, #tpu.memory_space<hbm>>) target(%dma_start3A_1024 : memref<1x64xf32, #tpu.memory_space<vmem>>) target_semaphore(%arg15 : memref<!tpu.dma_semaphore, #tpu.memory_space<semaphore_mem>>)
        %slice3A_1027 = vector.extract_strided_slice %get3A_76 {offsets = [1], sizes = [1], strides = [1]} : vector<16xi32> to vector<1xi32>
        %squeeze3A_1028 = vector.extract %slice3A_1027[0] : i32 from vector<1xi32>
        %add3A_1029 = arith.constant 2 : i32
        %add3A_1030 = arith.addi %mul3A_948, %add3A_1029 : i32
        %add3A_1031 = arith.constant 4 : i32
        %add3A_1032 = arith.addi %add3A_1030, %add3A_1031 : i32
        %dma_start3A_1033 = arith.constant 0 : i32
        %dma_start3A_1034 = tpu.memref_slice %arg12[%add3A_1032, %dma_start3A_1033] : memref<448x64xf32, #tpu.memory_space<vmem>> -> memref<1x64xf32, #tpu.memory_space<vmem>>
        %dma_start3A_1035 = arith.constant 0 : i32
        %dma_start3A_1036 = tpu.memref_slice %arg6[%squeeze3A_1028, %dma_start3A_1035] : memref<1000000x64xf32, #tpu.memory_space<hbm>> -> memref<1x64xf32, #tpu.memory_space<hbm>>
        %dma_start3A_1037 = arith.constant 0 : i32
        %dma_start3A_1038 = tpu.memref_slice %arg12[%add3A_1032, %dma_start3A_1037] : memref<448x64xf32, #tpu.memory_space<vmem>> -> memref<1x64xf32, #tpu.memory_space<vmem>>
        %dma_start3A_1039 = arith.constant 0 : i32
        %dma_start3A_1040 = tpu.memref_slice %arg6[%squeeze3A_1028, %dma_start3A_1039] : memref<1000000x64xf32, #tpu.memory_space<hbm>> -> memref<1x64xf32, #tpu.memory_space<hbm>>
        tpu.enqueue_dma source(%dma_start3A_1040 : memref<1x64xf32, #tpu.memory_space<hbm>>) target(%dma_start3A_1038 : memref<1x64xf32, #tpu.memory_space<vmem>>) target_semaphore(%arg15 : memref<!tpu.dma_semaphore, #tpu.memory_space<semaphore_mem>>)
        %add3A_1041 = arith.constant 10 : i32
        %add3A_1042 = arith.addi %mul3A_43, %add3A_1041 : i32
        %mul3A_1043 = arith.constant 7 : i32
        %mul3A_1044 = arith.muli %add3A_1042, %mul3A_1043 : i32
        %slice3A_1045 = vector.extract_strided_slice %get3A_45 {offsets = [10], sizes = [1], strides = [1]} : vector<16xi32> to vector<1xi32>
        %squeeze3A_1046 = vector.extract %slice3A_1045[0] : i32 from vector<1xi32>
        %dma_start3A_1047 = arith.constant 0 : i32
        %dma_start3A_1048 = tpu.memref_slice %arg12[%mul3A_1044, %dma_start3A_1047] : memref<448x64xf32, #tpu.memory_space<vmem>> -> memref<1x64xf32, #tpu.memory_space<vmem>>
        %dma_start3A_1049 = arith.constant 0 : i32
        %dma_start3A_1050 = tpu.memref_slice %arg5[%squeeze3A_1046, %dma_start3A_1049] : memref<1000000x64xf32, #tpu.memory_space<hbm>> -> memref<1x64xf32, #tpu.memory_space<hbm>>
        %dma_start3A_1051 = arith.constant 0 : i32
        %dma_start3A_1052 = tpu.memref_slice %arg12[%mul3A_1044, %dma_start3A_1051] : memref<448x64xf32, #tpu.memory_space<vmem>> -> memref<1x64xf32, #tpu.memory_space<vmem>>
        %dma_start3A_1053 = arith.constant 0 : i32
        %dma_start3A_1054 = tpu.memref_slice %arg5[%squeeze3A_1046, %dma_start3A_1053] : memref<1000000x64xf32, #tpu.memory_space<hbm>> -> memref<1x64xf32, #tpu.memory_space<hbm>>
        tpu.enqueue_dma source(%dma_start3A_1054 : memref<1x64xf32, #tpu.memory_space<hbm>>) target(%dma_start3A_1052 : memref<1x64xf32, #tpu.memory_space<vmem>>) target_semaphore(%arg15 : memref<!tpu.dma_semaphore, #tpu.memory_space<semaphore_mem>>)
        %slice3A_1055 = vector.extract_strided_slice %get3A_48 {offsets = [10], sizes = [1], strides = [1]} : vector<16xi32> to vector<1xi32>
        %squeeze3A_1056 = vector.extract %slice3A_1055[0] : i32 from vector<1xi32>
        %add3A_1057 = arith.constant 1 : i32
        %add3A_1058 = arith.addi %mul3A_1044, %add3A_1057 : i32
        %dma_start3A_1059 = arith.constant 0 : i32
        %dma_start3A_1060 = tpu.memref_slice %arg12[%add3A_1058, %dma_start3A_1059] : memref<448x64xf32, #tpu.memory_space<vmem>> -> memref<1x64xf32, #tpu.memory_space<vmem>>
        %dma_start3A_1061 = arith.constant 0 : i32
        %dma_start3A_1062 = tpu.memref_slice %arg6[%squeeze3A_1056, %dma_start3A_1061] : memref<1000000x64xf32, #tpu.memory_space<hbm>> -> memref<1x64xf32, #tpu.memory_space<hbm>>
        %dma_start3A_1063 = arith.constant 0 : i32
        %dma_start3A_1064 = tpu.memref_slice %arg12[%add3A_1058, %dma_start3A_1063] : memref<448x64xf32, #tpu.memory_space<vmem>> -> memref<1x64xf32, #tpu.memory_space<vmem>>
        %dma_start3A_1065 = arith.constant 0 : i32
        %dma_start3A_1066 = tpu.memref_slice %arg6[%squeeze3A_1056, %dma_start3A_1065] : memref<1000000x64xf32, #tpu.memory_space<hbm>> -> memref<1x64xf32, #tpu.memory_space<hbm>>
        tpu.enqueue_dma source(%dma_start3A_1066 : memref<1x64xf32, #tpu.memory_space<hbm>>) target(%dma_start3A_1064 : memref<1x64xf32, #tpu.memory_space<vmem>>) target_semaphore(%arg15 : memref<!tpu.dma_semaphore, #tpu.memory_space<semaphore_mem>>)
        %slice3A_1067 = vector.extract_strided_slice %get3A_76 {offsets = [2], sizes = [1], strides = [1]} : vector<16xi32> to vector<1xi32>
        %squeeze3A_1068 = vector.extract %slice3A_1067[0] : i32 from vector<1xi32>
        %add3A_1069 = arith.constant 2 : i32
        %add3A_1070 = arith.addi %mul3A_1044, %add3A_1069 : i32
        %add3A_1071 = arith.constant 0 : i32
        %add3A_1072 = arith.addi %add3A_1070, %add3A_1071 : i32
        %dma_start3A_1073 = arith.constant 0 : i32
        %dma_start3A_1074 = tpu.memref_slice %arg12[%add3A_1072, %dma_start3A_1073] : memref<448x64xf32, #tpu.memory_space<vmem>> -> memref<1x64xf32, #tpu.memory_space<vmem>>
        %dma_start3A_1075 = arith.constant 0 : i32
        %dma_start3A_1076 = tpu.memref_slice %arg6[%squeeze3A_1068, %dma_start3A_1075] : memref<1000000x64xf32, #tpu.memory_space<hbm>> -> memref<1x64xf32, #tpu.memory_space<hbm>>
        %dma_start3A_1077 = arith.constant 0 : i32
        %dma_start3A_1078 = tpu.memref_slice %arg12[%add3A_1072, %dma_start3A_1077] : memref<448x64xf32, #tpu.memory_space<vmem>> -> memref<1x64xf32, #tpu.memory_space<vmem>>
        %dma_start3A_1079 = arith.constant 0 : i32
        %dma_start3A_1080 = tpu.memref_slice %arg6[%squeeze3A_1068, %dma_start3A_1079] : memref<1000000x64xf32, #tpu.memory_space<hbm>> -> memref<1x64xf32, #tpu.memory_space<hbm>>
        tpu.enqueue_dma source(%dma_start3A_1080 : memref<1x64xf32, #tpu.memory_space<hbm>>) target(%dma_start3A_1078 : memref<1x64xf32, #tpu.memory_space<vmem>>) target_semaphore(%arg15 : memref<!tpu.dma_semaphore, #tpu.memory_space<semaphore_mem>>)
        %slice3A_1081 = vector.extract_strided_slice %get3A_76 {offsets = [3], sizes = [1], strides = [1]} : vector<16xi32> to vector<1xi32>
        %squeeze3A_1082 = vector.extract %slice3A_1081[0] : i32 from vector<1xi32>
        %add3A_1083 = arith.constant 2 : i32
        %add3A_1084 = arith.addi %mul3A_1044, %add3A_1083 : i32
        %add3A_1085 = arith.constant 1 : i32
        %add3A_1086 = arith.addi %add3A_1084, %add3A_1085 : i32
        %dma_start3A_1087 = arith.constant 0 : i32
        %dma_start3A_1088 = tpu.memref_slice %arg12[%add3A_1086, %dma_start3A_1087] : memref<448x64xf32, #tpu.memory_space<vmem>> -> memref<1x64xf32, #tpu.memory_space<vmem>>
        %dma_start3A_1089 = arith.constant 0 : i32
        %dma_start3A_1090 = tpu.memref_slice %arg6[%squeeze3A_1082, %dma_start3A_1089] : memref<1000000x64xf32, #tpu.memory_space<hbm>> -> memref<1x64xf32, #tpu.memory_space<hbm>>
        %dma_start3A_1091 = arith.constant 0 : i32
        %dma_start3A_1092 = tpu.memref_slice %arg12[%add3A_1086, %dma_start3A_1091] : memref<448x64xf32, #tpu.memory_space<vmem>> -> memref<1x64xf32, #tpu.memory_space<vmem>>
        %dma_start3A_1093 = arith.constant 0 : i32
        %dma_start3A_1094 = tpu.memref_slice %arg6[%squeeze3A_1082, %dma_start3A_1093] : memref<1000000x64xf32, #tpu.memory_space<hbm>> -> memref<1x64xf32, #tpu.memory_space<hbm>>
        tpu.enqueue_dma source(%dma_start3A_1094 : memref<1x64xf32, #tpu.memory_space<hbm>>) target(%dma_start3A_1092 : memref<1x64xf32, #tpu.memory_space<vmem>>) target_semaphore(%arg15 : memref<!tpu.dma_semaphore, #tpu.memory_space<semaphore_mem>>)
        %slice3A_1095 = vector.extract_strided_slice %get3A_76 {offsets = [4], sizes = [1], strides = [1]} : vector<16xi32> to vector<1xi32>
        %squeeze3A_1096 = vector.extract %slice3A_1095[0] : i32 from vector<1xi32>
        %add3A_1097 = arith.constant 2 : i32
        %add3A_1098 = arith.addi %mul3A_1044, %add3A_1097 : i32
        %add3A_1099 = arith.constant 2 : i32
        %add3A_1100 = arith.addi %add3A_1098, %add3A_1099 : i32
        %dma_start3A_1101 = arith.constant 0 : i32
        %dma_start3A_1102 = tpu.memref_slice %arg12[%add3A_1100, %dma_start3A_1101] : memref<448x64xf32, #tpu.memory_space<vmem>> -> memref<1x64xf32, #tpu.memory_space<vmem>>
        %dma_start3A_1103 = arith.constant 0 : i32
        %dma_start3A_1104 = tpu.memref_slice %arg6[%squeeze3A_1096, %dma_start3A_1103] : memref<1000000x64xf32, #tpu.memory_space<hbm>> -> memref<1x64xf32, #tpu.memory_space<hbm>>
        %dma_start3A_1105 = arith.constant 0 : i32
        %dma_start3A_1106 = tpu.memref_slice %arg12[%add3A_1100, %dma_start3A_1105] : memref<448x64xf32, #tpu.memory_space<vmem>> -> memref<1x64xf32, #tpu.memory_space<vmem>>
        %dma_start3A_1107 = arith.constant 0 : i32
        %dma_start3A_1108 = tpu.memref_slice %arg6[%squeeze3A_1096, %dma_start3A_1107] : memref<1000000x64xf32, #tpu.memory_space<hbm>> -> memref<1x64xf32, #tpu.memory_space<hbm>>
        tpu.enqueue_dma source(%dma_start3A_1108 : memref<1x64xf32, #tpu.memory_space<hbm>>) target(%dma_start3A_1106 : memref<1x64xf32, #tpu.memory_space<vmem>>) target_semaphore(%arg15 : memref<!tpu.dma_semaphore, #tpu.memory_space<semaphore_mem>>)
        %slice3A_1109 = vector.extract_strided_slice %get3A_76 {offsets = [5], sizes = [1], strides = [1]} : vector<16xi32> to vector<1xi32>
        %squeeze3A_1110 = vector.extract %slice3A_1109[0] : i32 from vector<1xi32>
        %add3A_1111 = arith.constant 2 : i32
        %add3A_1112 = arith.addi %mul3A_1044, %add3A_1111 : i32
        %add3A_1113 = arith.constant 3 : i32
        %add3A_1114 = arith.addi %add3A_1112, %add3A_1113 : i32
        %dma_start3A_1115 = arith.constant 0 : i32
        %dma_start3A_1116 = tpu.memref_slice %arg12[%add3A_1114, %dma_start3A_1115] : memref<448x64xf32, #tpu.memory_space<vmem>> -> memref<1x64xf32, #tpu.memory_space<vmem>>
        %dma_start3A_1117 = arith.constant 0 : i32
        %dma_start3A_1118 = tpu.memref_slice %arg6[%squeeze3A_1110, %dma_start3A_1117] : memref<1000000x64xf32, #tpu.memory_space<hbm>> -> memref<1x64xf32, #tpu.memory_space<hbm>>
        %dma_start3A_1119 = arith.constant 0 : i32
        %dma_start3A_1120 = tpu.memref_slice %arg12[%add3A_1114, %dma_start3A_1119] : memref<448x64xf32, #tpu.memory_space<vmem>> -> memref<1x64xf32, #tpu.memory_space<vmem>>
        %dma_start3A_1121 = arith.constant 0 : i32
        %dma_start3A_1122 = tpu.memref_slice %arg6[%squeeze3A_1110, %dma_start3A_1121] : memref<1000000x64xf32, #tpu.memory_space<hbm>> -> memref<1x64xf32, #tpu.memory_space<hbm>>
        tpu.enqueue_dma source(%dma_start3A_1122 : memref<1x64xf32, #tpu.memory_space<hbm>>) target(%dma_start3A_1120 : memref<1x64xf32, #tpu.memory_space<vmem>>) target_semaphore(%arg15 : memref<!tpu.dma_semaphore, #tpu.memory_space<semaphore_mem>>)
        %slice3A_1123 = vector.extract_strided_slice %get3A_76 {offsets = [6], sizes = [1], strides = [1]} : vector<16xi32> to vector<1xi32>
        %squeeze3A_1124 = vector.extract %slice3A_1123[0] : i32 from vector<1xi32>
        %add3A_1125 = arith.constant 2 : i32
        %add3A_1126 = arith.addi %mul3A_1044, %add3A_1125 : i32
        %add3A_1127 = arith.constant 4 : i32
        %add3A_1128 = arith.addi %add3A_1126, %add3A_1127 : i32
        %dma_start3A_1129 = arith.constant 0 : i32
        %dma_start3A_1130 = tpu.memref_slice %arg12[%add3A_1128, %dma_start3A_1129] : memref<448x64xf32, #tpu.memory_space<vmem>> -> memref<1x64xf32, #tpu.memory_space<vmem>>
        %dma_start3A_1131 = arith.constant 0 : i32
        %dma_start3A_1132 = tpu.memref_slice %arg6[%squeeze3A_1124, %dma_start3A_1131] : memref<1000000x64xf32, #tpu.memory_space<hbm>> -> memref<1x64xf32, #tpu.memory_space<hbm>>
        %dma_start3A_1133 = arith.constant 0 : i32
        %dma_start3A_1134 = tpu.memref_slice %arg12[%add3A_1128, %dma_start3A_1133] : memref<448x64xf32, #tpu.memory_space<vmem>> -> memref<1x64xf32, #tpu.memory_space<vmem>>
        %dma_start3A_1135 = arith.constant 0 : i32
        %dma_start3A_1136 = tpu.memref_slice %arg6[%squeeze3A_1124, %dma_start3A_1135] : memref<1000000x64xf32, #tpu.memory_space<hbm>> -> memref<1x64xf32, #tpu.memory_space<hbm>>
        tpu.enqueue_dma source(%dma_start3A_1136 : memref<1x64xf32, #tpu.memory_space<hbm>>) target(%dma_start3A_1134 : memref<1x64xf32, #tpu.memory_space<vmem>>) target_semaphore(%arg15 : memref<!tpu.dma_semaphore, #tpu.memory_space<semaphore_mem>>)
        %add3A_1137 = arith.constant 11 : i32
        %add3A_1138 = arith.addi %mul3A_43, %add3A_1137 : i32
        %mul3A_1139 = arith.constant 7 : i32
        %mul3A_1140 = arith.muli %add3A_1138, %mul3A_1139 : i32
        %slice3A_1141 = vector.extract_strided_slice %get3A_45 {offsets = [11], sizes = [1], strides = [1]} : vector<16xi32> to vector<1xi32>
        %squeeze3A_1142 = vector.extract %slice3A_1141[0] : i32 from vector<1xi32>
        %dma_start3A_1143 = arith.constant 0 : i32
        %dma_start3A_1144 = tpu.memref_slice %arg12[%mul3A_1140, %dma_start3A_1143] : memref<448x64xf32, #tpu.memory_space<vmem>> -> memref<1x64xf32, #tpu.memory_space<vmem>>
        %dma_start3A_1145 = arith.constant 0 : i32
        %dma_start3A_1146 = tpu.memref_slice %arg5[%squeeze3A_1142, %dma_start3A_1145] : memref<1000000x64xf32, #tpu.memory_space<hbm>> -> memref<1x64xf32, #tpu.memory_space<hbm>>
        %dma_start3A_1147 = arith.constant 0 : i32
        %dma_start3A_1148 = tpu.memref_slice %arg12[%mul3A_1140, %dma_start3A_1147] : memref<448x64xf32, #tpu.memory_space<vmem>> -> memref<1x64xf32, #tpu.memory_space<vmem>>
        %dma_start3A_1149 = arith.constant 0 : i32
        %dma_start3A_1150 = tpu.memref_slice %arg5[%squeeze3A_1142, %dma_start3A_1149] : memref<1000000x64xf32, #tpu.memory_space<hbm>> -> memref<1x64xf32, #tpu.memory_space<hbm>>
        tpu.enqueue_dma source(%dma_start3A_1150 : memref<1x64xf32, #tpu.memory_space<hbm>>) target(%dma_start3A_1148 : memref<1x64xf32, #tpu.memory_space<vmem>>) target_semaphore(%arg15 : memref<!tpu.dma_semaphore, #tpu.memory_space<semaphore_mem>>)
        %slice3A_1151 = vector.extract_strided_slice %get3A_48 {offsets = [11], sizes = [1], strides = [1]} : vector<16xi32> to vector<1xi32>
        %squeeze3A_1152 = vector.extract %slice3A_1151[0] : i32 from vector<1xi32>
        %add3A_1153 = arith.constant 1 : i32
        %add3A_1154 = arith.addi %mul3A_1140, %add3A_1153 : i32
        %dma_start3A_1155 = arith.constant 0 : i32
        %dma_start3A_1156 = tpu.memref_slice %arg12[%add3A_1154, %dma_start3A_1155] : memref<448x64xf32, #tpu.memory_space<vmem>> -> memref<1x64xf32, #tpu.memory_space<vmem>>
        %dma_start3A_1157 = arith.constant 0 : i32
        %dma_start3A_1158 = tpu.memref_slice %arg6[%squeeze3A_1152, %dma_start3A_1157] : memref<1000000x64xf32, #tpu.memory_space<hbm>> -> memref<1x64xf32, #tpu.memory_space<hbm>>
        %dma_start3A_1159 = arith.constant 0 : i32
        %dma_start3A_1160 = tpu.memref_slice %arg12[%add3A_1154, %dma_start3A_1159] : memref<448x64xf32, #tpu.memory_space<vmem>> -> memref<1x64xf32, #tpu.memory_space<vmem>>
        %dma_start3A_1161 = arith.constant 0 : i32
        %dma_start3A_1162 = tpu.memref_slice %arg6[%squeeze3A_1152, %dma_start3A_1161] : memref<1000000x64xf32, #tpu.memory_space<hbm>> -> memref<1x64xf32, #tpu.memory_space<hbm>>
        tpu.enqueue_dma source(%dma_start3A_1162 : memref<1x64xf32, #tpu.memory_space<hbm>>) target(%dma_start3A_1160 : memref<1x64xf32, #tpu.memory_space<vmem>>) target_semaphore(%arg15 : memref<!tpu.dma_semaphore, #tpu.memory_space<semaphore_mem>>)
        %slice3A_1163 = vector.extract_strided_slice %get3A_76 {offsets = [7], sizes = [1], strides = [1]} : vector<16xi32> to vector<1xi32>
        %squeeze3A_1164 = vector.extract %slice3A_1163[0] : i32 from vector<1xi32>
        %add3A_1165 = arith.constant 2 : i32
        %add3A_1166 = arith.addi %mul3A_1140, %add3A_1165 : i32
        %add3A_1167 = arith.constant 0 : i32
        %add3A_1168 = arith.addi %add3A_1166, %add3A_1167 : i32
        %dma_start3A_1169 = arith.constant 0 : i32
        %dma_start3A_1170 = tpu.memref_slice %arg12[%add3A_1168, %dma_start3A_1169] : memref<448x64xf32, #tpu.memory_space<vmem>> -> memref<1x64xf32, #tpu.memory_space<vmem>>
        %dma_start3A_1171 = arith.constant 0 : i32
        %dma_start3A_1172 = tpu.memref_slice %arg6[%squeeze3A_1164, %dma_start3A_1171] : memref<1000000x64xf32, #tpu.memory_space<hbm>> -> memref<1x64xf32, #tpu.memory_space<hbm>>
        %dma_start3A_1173 = arith.constant 0 : i32
        %dma_start3A_1174 = tpu.memref_slice %arg12[%add3A_1168, %dma_start3A_1173] : memref<448x64xf32, #tpu.memory_space<vmem>> -> memref<1x64xf32, #tpu.memory_space<vmem>>
        %dma_start3A_1175 = arith.constant 0 : i32
        %dma_start3A_1176 = tpu.memref_slice %arg6[%squeeze3A_1164, %dma_start3A_1175] : memref<1000000x64xf32, #tpu.memory_space<hbm>> -> memref<1x64xf32, #tpu.memory_space<hbm>>
        tpu.enqueue_dma source(%dma_start3A_1176 : memref<1x64xf32, #tpu.memory_space<hbm>>) target(%dma_start3A_1174 : memref<1x64xf32, #tpu.memory_space<vmem>>) target_semaphore(%arg15 : memref<!tpu.dma_semaphore, #tpu.memory_space<semaphore_mem>>)
        %slice3A_1177 = vector.extract_strided_slice %get3A_76 {offsets = [8], sizes = [1], strides = [1]} : vector<16xi32> to vector<1xi32>
        %squeeze3A_1178 = vector.extract %slice3A_1177[0] : i32 from vector<1xi32>
        %add3A_1179 = arith.constant 2 : i32
        %add3A_1180 = arith.addi %mul3A_1140, %add3A_1179 : i32
        %add3A_1181 = arith.constant 1 : i32
        %add3A_1182 = arith.addi %add3A_1180, %add3A_1181 : i32
        %dma_start3A_1183 = arith.constant 0 : i32
        %dma_start3A_1184 = tpu.memref_slice %arg12[%add3A_1182, %dma_start3A_1183] : memref<448x64xf32, #tpu.memory_space<vmem>> -> memref<1x64xf32, #tpu.memory_space<vmem>>
        %dma_start3A_1185 = arith.constant 0 : i32
        %dma_start3A_1186 = tpu.memref_slice %arg6[%squeeze3A_1178, %dma_start3A_1185] : memref<1000000x64xf32, #tpu.memory_space<hbm>> -> memref<1x64xf32, #tpu.memory_space<hbm>>
        %dma_start3A_1187 = arith.constant 0 : i32
        %dma_start3A_1188 = tpu.memref_slice %arg12[%add3A_1182, %dma_start3A_1187] : memref<448x64xf32, #tpu.memory_space<vmem>> -> memref<1x64xf32, #tpu.memory_space<vmem>>
        %dma_start3A_1189 = arith.constant 0 : i32
        %dma_start3A_1190 = tpu.memref_slice %arg6[%squeeze3A_1178, %dma_start3A_1189] : memref<1000000x64xf32, #tpu.memory_space<hbm>> -> memref<1x64xf32, #tpu.memory_space<hbm>>
        tpu.enqueue_dma source(%dma_start3A_1190 : memref<1x64xf32, #tpu.memory_space<hbm>>) target(%dma_start3A_1188 : memref<1x64xf32, #tpu.memory_space<vmem>>) target_semaphore(%arg15 : memref<!tpu.dma_semaphore, #tpu.memory_space<semaphore_mem>>)
        %slice3A_1191 = vector.extract_strided_slice %get3A_76 {offsets = [9], sizes = [1], strides = [1]} : vector<16xi32> to vector<1xi32>
        %squeeze3A_1192 = vector.extract %slice3A_1191[0] : i32 from vector<1xi32>
        %add3A_1193 = arith.constant 2 : i32
        %add3A_1194 = arith.addi %mul3A_1140, %add3A_1193 : i32
        %add3A_1195 = arith.constant 2 : i32
        %add3A_1196 = arith.addi %add3A_1194, %add3A_1195 : i32
        %dma_start3A_1197 = arith.constant 0 : i32
        %dma_start3A_1198 = tpu.memref_slice %arg12[%add3A_1196, %dma_start3A_1197] : memref<448x64xf32, #tpu.memory_space<vmem>> -> memref<1x64xf32, #tpu.memory_space<vmem>>
        %dma_start3A_1199 = arith.constant 0 : i32
        %dma_start3A_1200 = tpu.memref_slice %arg6[%squeeze3A_1192, %dma_start3A_1199] : memref<1000000x64xf32, #tpu.memory_space<hbm>> -> memref<1x64xf32, #tpu.memory_space<hbm>>
        %dma_start3A_1201 = arith.constant 0 : i32
        %dma_start3A_1202 = tpu.memref_slice %arg12[%add3A_1196, %dma_start3A_1201] : memref<448x64xf32, #tpu.memory_space<vmem>> -> memref<1x64xf32, #tpu.memory_space<vmem>>
        %dma_start3A_1203 = arith.constant 0 : i32
        %dma_start3A_1204 = tpu.memref_slice %arg6[%squeeze3A_1192, %dma_start3A_1203] : memref<1000000x64xf32, #tpu.memory_space<hbm>> -> memref<1x64xf32, #tpu.memory_space<hbm>>
        tpu.enqueue_dma source(%dma_start3A_1204 : memref<1x64xf32, #tpu.memory_space<hbm>>) target(%dma_start3A_1202 : memref<1x64xf32, #tpu.memory_space<vmem>>) target_semaphore(%arg15 : memref<!tpu.dma_semaphore, #tpu.memory_space<semaphore_mem>>)
        %slice3A_1205 = vector.extract_strided_slice %get3A_76 {offsets = [10], sizes = [1], strides = [1]} : vector<16xi32> to vector<1xi32>
        %squeeze3A_1206 = vector.extract %slice3A_1205[0] : i32 from vector<1xi32>
        %add3A_1207 = arith.constant 2 : i32
        %add3A_1208 = arith.addi %mul3A_1140, %add3A_1207 : i32
        %add3A_1209 = arith.constant 3 : i32
        %add3A_1210 = arith.addi %add3A_1208, %add3A_1209 : i32
        %dma_start3A_1211 = arith.constant 0 : i32
        %dma_start3A_1212 = tpu.memref_slice %arg12[%add3A_1210, %dma_start3A_1211] : memref<448x64xf32, #tpu.memory_space<vmem>> -> memref<1x64xf32, #tpu.memory_space<vmem>>
        %dma_start3A_1213 = arith.constant 0 : i32
        %dma_start3A_1214 = tpu.memref_slice %arg6[%squeeze3A_1206, %dma_start3A_1213] : memref<1000000x64xf32, #tpu.memory_space<hbm>> -> memref<1x64xf32, #tpu.memory_space<hbm>>
        %dma_start3A_1215 = arith.constant 0 : i32
        %dma_start3A_1216 = tpu.memref_slice %arg12[%add3A_1210, %dma_start3A_1215] : memref<448x64xf32, #tpu.memory_space<vmem>> -> memref<1x64xf32, #tpu.memory_space<vmem>>
        %dma_start3A_1217 = arith.constant 0 : i32
        %dma_start3A_1218 = tpu.memref_slice %arg6[%squeeze3A_1206, %dma_start3A_1217] : memref<1000000x64xf32, #tpu.memory_space<hbm>> -> memref<1x64xf32, #tpu.memory_space<hbm>>
        tpu.enqueue_dma source(%dma_start3A_1218 : memref<1x64xf32, #tpu.memory_space<hbm>>) target(%dma_start3A_1216 : memref<1x64xf32, #tpu.memory_space<vmem>>) target_semaphore(%arg15 : memref<!tpu.dma_semaphore, #tpu.memory_space<semaphore_mem>>)
        %slice3A_1219 = vector.extract_strided_slice %get3A_76 {offsets = [11], sizes = [1], strides = [1]} : vector<16xi32> to vector<1xi32>
        %squeeze3A_1220 = vector.extract %slice3A_1219[0] : i32 from vector<1xi32>
        %add3A_1221 = arith.constant 2 : i32
        %add3A_1222 = arith.addi %mul3A_1140, %add3A_1221 : i32
        %add3A_1223 = arith.constant 4 : i32
        %add3A_1224 = arith.addi %add3A_1222, %add3A_1223 : i32
        %dma_start3A_1225 = arith.constant 0 : i32
        %dma_start3A_1226 = tpu.memref_slice %arg12[%add3A_1224, %dma_start3A_1225] : memref<448x64xf32, #tpu.memory_space<vmem>> -> memref<1x64xf32, #tpu.memory_space<vmem>>
        %dma_start3A_1227 = arith.constant 0 : i32
        %dma_start3A_1228 = tpu.memref_slice %arg6[%squeeze3A_1220, %dma_start3A_1227] : memref<1000000x64xf32, #tpu.memory_space<hbm>> -> memref<1x64xf32, #tpu.memory_space<hbm>>
        %dma_start3A_1229 = arith.constant 0 : i32
        %dma_start3A_1230 = tpu.memref_slice %arg12[%add3A_1224, %dma_start3A_1229] : memref<448x64xf32, #tpu.memory_space<vmem>> -> memref<1x64xf32, #tpu.memory_space<vmem>>
        %dma_start3A_1231 = arith.constant 0 : i32
        %dma_start3A_1232 = tpu.memref_slice %arg6[%squeeze3A_1220, %dma_start3A_1231] : memref<1000000x64xf32, #tpu.memory_space<hbm>> -> memref<1x64xf32, #tpu.memory_space<hbm>>
        tpu.enqueue_dma source(%dma_start3A_1232 : memref<1x64xf32, #tpu.memory_space<hbm>>) target(%dma_start3A_1230 : memref<1x64xf32, #tpu.memory_space<vmem>>) target_semaphore(%arg15 : memref<!tpu.dma_semaphore, #tpu.memory_space<semaphore_mem>>)
        %add3A_1233 = arith.constant 12 : i32
        %add3A_1234 = arith.addi %mul3A_43, %add3A_1233 : i32
        %mul3A_1235 = arith.constant 7 : i32
        %mul3A_1236 = arith.muli %add3A_1234, %mul3A_1235 : i32
        %slice3A_1237 = vector.extract_strided_slice %get3A_45 {offsets = [12], sizes = [1], strides = [1]} : vector<16xi32> to vector<1xi32>
        %squeeze3A_1238 = vector.extract %slice3A_1237[0] : i32 from vector<1xi32>
        %dma_start3A_1239 = arith.constant 0 : i32
        %dma_start3A_1240 = tpu.memref_slice %arg12[%mul3A_1236, %dma_start3A_1239] : memref<448x64xf32, #tpu.memory_space<vmem>> -> memref<1x64xf32, #tpu.memory_space<vmem>>
        %dma_start3A_1241 = arith.constant 0 : i32
        %dma_start3A_1242 = tpu.memref_slice %arg5[%squeeze3A_1238, %dma_start3A_1241] : memref<1000000x64xf32, #tpu.memory_space<hbm>> -> memref<1x64xf32, #tpu.memory_space<hbm>>
        %dma_start3A_1243 = arith.constant 0 : i32
        %dma_start3A_1244 = tpu.memref_slice %arg12[%mul3A_1236, %dma_start3A_1243] : memref<448x64xf32, #tpu.memory_space<vmem>> -> memref<1x64xf32, #tpu.memory_space<vmem>>
        %dma_start3A_1245 = arith.constant 0 : i32
        %dma_start3A_1246 = tpu.memref_slice %arg5[%squeeze3A_1238, %dma_start3A_1245] : memref<1000000x64xf32, #tpu.memory_space<hbm>> -> memref<1x64xf32, #tpu.memory_space<hbm>>
        tpu.enqueue_dma source(%dma_start3A_1246 : memref<1x64xf32, #tpu.memory_space<hbm>>) target(%dma_start3A_1244 : memref<1x64xf32, #tpu.memory_space<vmem>>) target_semaphore(%arg15 : memref<!tpu.dma_semaphore, #tpu.memory_space<semaphore_mem>>)
        %slice3A_1247 = vector.extract_strided_slice %get3A_48 {offsets = [12], sizes = [1], strides = [1]} : vector<16xi32> to vector<1xi32>
        %squeeze3A_1248 = vector.extract %slice3A_1247[0] : i32 from vector<1xi32>
        %add3A_1249 = arith.constant 1 : i32
        %add3A_1250 = arith.addi %mul3A_1236, %add3A_1249 : i32
        %dma_start3A_1251 = arith.constant 0 : i32
        %dma_start3A_1252 = tpu.memref_slice %arg12[%add3A_1250, %dma_start3A_1251] : memref<448x64xf32, #tpu.memory_space<vmem>> -> memref<1x64xf32, #tpu.memory_space<vmem>>
        %dma_start3A_1253 = arith.constant 0 : i32
        %dma_start3A_1254 = tpu.memref_slice %arg6[%squeeze3A_1248, %dma_start3A_1253] : memref<1000000x64xf32, #tpu.memory_space<hbm>> -> memref<1x64xf32, #tpu.memory_space<hbm>>
        %dma_start3A_1255 = arith.constant 0 : i32
        %dma_start3A_1256 = tpu.memref_slice %arg12[%add3A_1250, %dma_start3A_1255] : memref<448x64xf32, #tpu.memory_space<vmem>> -> memref<1x64xf32, #tpu.memory_space<vmem>>
        %dma_start3A_1257 = arith.constant 0 : i32
        %dma_start3A_1258 = tpu.memref_slice %arg6[%squeeze3A_1248, %dma_start3A_1257] : memref<1000000x64xf32, #tpu.memory_space<hbm>> -> memref<1x64xf32, #tpu.memory_space<hbm>>
        tpu.enqueue_dma source(%dma_start3A_1258 : memref<1x64xf32, #tpu.memory_space<hbm>>) target(%dma_start3A_1256 : memref<1x64xf32, #tpu.memory_space<vmem>>) target_semaphore(%arg15 : memref<!tpu.dma_semaphore, #tpu.memory_space<semaphore_mem>>)
        %slice3A_1259 = vector.extract_strided_slice %get3A_76 {offsets = [12], sizes = [1], strides = [1]} : vector<16xi32> to vector<1xi32>
        %squeeze3A_1260 = vector.extract %slice3A_1259[0] : i32 from vector<1xi32>
        %add3A_1261 = arith.constant 2 : i32
        %add3A_1262 = arith.addi %mul3A_1236, %add3A_1261 : i32
        %add3A_1263 = arith.constant 0 : i32
        %add3A_1264 = arith.addi %add3A_1262, %add3A_1263 : i32
        %dma_start3A_1265 = arith.constant 0 : i32
        %dma_start3A_1266 = tpu.memref_slice %arg12[%add3A_1264, %dma_start3A_1265] : memref<448x64xf32, #tpu.memory_space<vmem>> -> memref<1x64xf32, #tpu.memory_space<vmem>>
        %dma_start3A_1267 = arith.constant 0 : i32
        %dma_start3A_1268 = tpu.memref_slice %arg6[%squeeze3A_1260, %dma_start3A_1267] : memref<1000000x64xf32, #tpu.memory_space<hbm>> -> memref<1x64xf32, #tpu.memory_space<hbm>>
        %dma_start3A_1269 = arith.constant 0 : i32
        %dma_start3A_1270 = tpu.memref_slice %arg12[%add3A_1264, %dma_start3A_1269] : memref<448x64xf32, #tpu.memory_space<vmem>> -> memref<1x64xf32, #tpu.memory_space<vmem>>
        %dma_start3A_1271 = arith.constant 0 : i32
        %dma_start3A_1272 = tpu.memref_slice %arg6[%squeeze3A_1260, %dma_start3A_1271] : memref<1000000x64xf32, #tpu.memory_space<hbm>> -> memref<1x64xf32, #tpu.memory_space<hbm>>
        tpu.enqueue_dma source(%dma_start3A_1272 : memref<1x64xf32, #tpu.memory_space<hbm>>) target(%dma_start3A_1270 : memref<1x64xf32, #tpu.memory_space<vmem>>) target_semaphore(%arg15 : memref<!tpu.dma_semaphore, #tpu.memory_space<semaphore_mem>>)
        %slice3A_1273 = vector.extract_strided_slice %get3A_76 {offsets = [13], sizes = [1], strides = [1]} : vector<16xi32> to vector<1xi32>
        %squeeze3A_1274 = vector.extract %slice3A_1273[0] : i32 from vector<1xi32>
        %add3A_1275 = arith.constant 2 : i32
        %add3A_1276 = arith.addi %mul3A_1236, %add3A_1275 : i32
        %add3A_1277 = arith.constant 1 : i32
        %add3A_1278 = arith.addi %add3A_1276, %add3A_1277 : i32
        %dma_start3A_1279 = arith.constant 0 : i32
        %dma_start3A_1280 = tpu.memref_slice %arg12[%add3A_1278, %dma_start3A_1279] : memref<448x64xf32, #tpu.memory_space<vmem>> -> memref<1x64xf32, #tpu.memory_space<vmem>>
        %dma_start3A_1281 = arith.constant 0 : i32
        %dma_start3A_1282 = tpu.memref_slice %arg6[%squeeze3A_1274, %dma_start3A_1281] : memref<1000000x64xf32, #tpu.memory_space<hbm>> -> memref<1x64xf32, #tpu.memory_space<hbm>>
        %dma_start3A_1283 = arith.constant 0 : i32
        %dma_start3A_1284 = tpu.memref_slice %arg12[%add3A_1278, %dma_start3A_1283] : memref<448x64xf32, #tpu.memory_space<vmem>> -> memref<1x64xf32, #tpu.memory_space<vmem>>
        %dma_start3A_1285 = arith.constant 0 : i32
        %dma_start3A_1286 = tpu.memref_slice %arg6[%squeeze3A_1274, %dma_start3A_1285] : memref<1000000x64xf32, #tpu.memory_space<hbm>> -> memref<1x64xf32, #tpu.memory_space<hbm>>
        tpu.enqueue_dma source(%dma_start3A_1286 : memref<1x64xf32, #tpu.memory_space<hbm>>) target(%dma_start3A_1284 : memref<1x64xf32, #tpu.memory_space<vmem>>) target_semaphore(%arg15 : memref<!tpu.dma_semaphore, #tpu.memory_space<semaphore_mem>>)
        %slice3A_1287 = vector.extract_strided_slice %get3A_76 {offsets = [14], sizes = [1], strides = [1]} : vector<16xi32> to vector<1xi32>
        %squeeze3A_1288 = vector.extract %slice3A_1287[0] : i32 from vector<1xi32>
        %add3A_1289 = arith.constant 2 : i32
        %add3A_1290 = arith.addi %mul3A_1236, %add3A_1289 : i32
        %add3A_1291 = arith.constant 2 : i32
        %add3A_1292 = arith.addi %add3A_1290, %add3A_1291 : i32
        %dma_start3A_1293 = arith.constant 0 : i32
        %dma_start3A_1294 = tpu.memref_slice %arg12[%add3A_1292, %dma_start3A_1293] : memref<448x64xf32, #tpu.memory_space<vmem>> -> memref<1x64xf32, #tpu.memory_space<vmem>>
        %dma_start3A_1295 = arith.constant 0 : i32
        %dma_start3A_1296 = tpu.memref_slice %arg6[%squeeze3A_1288, %dma_start3A_1295] : memref<1000000x64xf32, #tpu.memory_space<hbm>> -> memref<1x64xf32, #tpu.memory_space<hbm>>
        %dma_start3A_1297 = arith.constant 0 : i32
        %dma_start3A_1298 = tpu.memref_slice %arg12[%add3A_1292, %dma_start3A_1297] : memref<448x64xf32, #tpu.memory_space<vmem>> -> memref<1x64xf32, #tpu.memory_space<vmem>>
        %dma_start3A_1299 = arith.constant 0 : i32
        %dma_start3A_1300 = tpu.memref_slice %arg6[%squeeze3A_1288, %dma_start3A_1299] : memref<1000000x64xf32, #tpu.memory_space<hbm>> -> memref<1x64xf32, #tpu.memory_space<hbm>>
        tpu.enqueue_dma source(%dma_start3A_1300 : memref<1x64xf32, #tpu.memory_space<hbm>>) target(%dma_start3A_1298 : memref<1x64xf32, #tpu.memory_space<vmem>>) target_semaphore(%arg15 : memref<!tpu.dma_semaphore, #tpu.memory_space<semaphore_mem>>)
        %slice3A_1301 = vector.extract_strided_slice %get3A_76 {offsets = [15], sizes = [1], strides = [1]} : vector<16xi32> to vector<1xi32>
        %squeeze3A_1302 = vector.extract %slice3A_1301[0] : i32 from vector<1xi32>
        %add3A_1303 = arith.constant 2 : i32
        %add3A_1304 = arith.addi %mul3A_1236, %add3A_1303 : i32
        %add3A_1305 = arith.constant 3 : i32
        %add3A_1306 = arith.addi %add3A_1304, %add3A_1305 : i32
        %dma_start3A_1307 = arith.constant 0 : i32
        %dma_start3A_1308 = tpu.memref_slice %arg12[%add3A_1306, %dma_start3A_1307] : memref<448x64xf32, #tpu.memory_space<vmem>> -> memref<1x64xf32, #tpu.memory_space<vmem>>
        %dma_start3A_1309 = arith.constant 0 : i32
        %dma_start3A_1310 = tpu.memref_slice %arg6[%squeeze3A_1302, %dma_start3A_1309] : memref<1000000x64xf32, #tpu.memory_space<hbm>> -> memref<1x64xf32, #tpu.memory_space<hbm>>
        %dma_start3A_1311 = arith.constant 0 : i32
        %dma_start3A_1312 = tpu.memref_slice %arg12[%add3A_1306, %dma_start3A_1311] : memref<448x64xf32, #tpu.memory_space<vmem>> -> memref<1x64xf32, #tpu.memory_space<vmem>>
        %dma_start3A_1313 = arith.constant 0 : i32
        %dma_start3A_1314 = tpu.memref_slice %arg6[%squeeze3A_1302, %dma_start3A_1313] : memref<1000000x64xf32, #tpu.memory_space<hbm>> -> memref<1x64xf32, #tpu.memory_space<hbm>>
        tpu.enqueue_dma source(%dma_start3A_1314 : memref<1x64xf32, #tpu.memory_space<hbm>>) target(%dma_start3A_1312 : memref<1x64xf32, #tpu.memory_space<vmem>>) target_semaphore(%arg15 : memref<!tpu.dma_semaphore, #tpu.memory_space<semaphore_mem>>)
        %slice3A_1315 = vector.extract_strided_slice %get3A_83 {offsets = [0], sizes = [1], strides = [1]} : vector<16xi32> to vector<1xi32>
        %squeeze3A_1316 = vector.extract %slice3A_1315[0] : i32 from vector<1xi32>
        %add3A_1317 = arith.constant 2 : i32
        %add3A_1318 = arith.addi %mul3A_1236, %add3A_1317 : i32
        %add3A_1319 = arith.constant 4 : i32
        %add3A_1320 = arith.addi %add3A_1318, %add3A_1319 : i32
        %dma_start3A_1321 = arith.constant 0 : i32
        %dma_start3A_1322 = tpu.memref_slice %arg12[%add3A_1320, %dma_start3A_1321] : memref<448x64xf32, #tpu.memory_space<vmem>> -> memref<1x64xf32, #tpu.memory_space<vmem>>
        %dma_start3A_1323 = arith.constant 0 : i32
        %dma_start3A_1324 = tpu.memref_slice %arg6[%squeeze3A_1316, %dma_start3A_1323] : memref<1000000x64xf32, #tpu.memory_space<hbm>> -> memref<1x64xf32, #tpu.memory_space<hbm>>
        %dma_start3A_1325 = arith.constant 0 : i32
        %dma_start3A_1326 = tpu.memref_slice %arg12[%add3A_1320, %dma_start3A_1325] : memref<448x64xf32, #tpu.memory_space<vmem>> -> memref<1x64xf32, #tpu.memory_space<vmem>>
        %dma_start3A_1327 = arith.constant 0 : i32
        %dma_start3A_1328 = tpu.memref_slice %arg6[%squeeze3A_1316, %dma_start3A_1327] : memref<1000000x64xf32, #tpu.memory_space<hbm>> -> memref<1x64xf32, #tpu.memory_space<hbm>>
        tpu.enqueue_dma source(%dma_start3A_1328 : memref<1x64xf32, #tpu.memory_space<hbm>>) target(%dma_start3A_1326 : memref<1x64xf32, #tpu.memory_space<vmem>>) target_semaphore(%arg15 : memref<!tpu.dma_semaphore, #tpu.memory_space<semaphore_mem>>)
        %add3A_1329 = arith.constant 13 : i32
        %add3A_1330 = arith.addi %mul3A_43, %add3A_1329 : i32
        %mul3A_1331 = arith.constant 7 : i32
        %mul3A_1332 = arith.muli %add3A_1330, %mul3A_1331 : i32
        %slice3A_1333 = vector.extract_strided_slice %get3A_45 {offsets = [13], sizes = [1], strides = [1]} : vector<16xi32> to vector<1xi32>
        %squeeze3A_1334 = vector.extract %slice3A_1333[0] : i32 from vector<1xi32>
        %dma_start3A_1335 = arith.constant 0 : i32
        %dma_start3A_1336 = tpu.memref_slice %arg12[%mul3A_1332, %dma_start3A_1335] : memref<448x64xf32, #tpu.memory_space<vmem>> -> memref<1x64xf32, #tpu.memory_space<vmem>>
        %dma_start3A_1337 = arith.constant 0 : i32
        %dma_start3A_1338 = tpu.memref_slice %arg5[%squeeze3A_1334, %dma_start3A_1337] : memref<1000000x64xf32, #tpu.memory_space<hbm>> -> memref<1x64xf32, #tpu.memory_space<hbm>>
        %dma_start3A_1339 = arith.constant 0 : i32
        %dma_start3A_1340 = tpu.memref_slice %arg12[%mul3A_1332, %dma_start3A_1339] : memref<448x64xf32, #tpu.memory_space<vmem>> -> memref<1x64xf32, #tpu.memory_space<vmem>>
        %dma_start3A_1341 = arith.constant 0 : i32
        %dma_start3A_1342 = tpu.memref_slice %arg5[%squeeze3A_1334, %dma_start3A_1341] : memref<1000000x64xf32, #tpu.memory_space<hbm>> -> memref<1x64xf32, #tpu.memory_space<hbm>>
        tpu.enqueue_dma source(%dma_start3A_1342 : memref<1x64xf32, #tpu.memory_space<hbm>>) target(%dma_start3A_1340 : memref<1x64xf32, #tpu.memory_space<vmem>>) target_semaphore(%arg15 : memref<!tpu.dma_semaphore, #tpu.memory_space<semaphore_mem>>)
        %slice3A_1343 = vector.extract_strided_slice %get3A_48 {offsets = [13], sizes = [1], strides = [1]} : vector<16xi32> to vector<1xi32>
        %squeeze3A_1344 = vector.extract %slice3A_1343[0] : i32 from vector<1xi32>
        %add3A_1345 = arith.constant 1 : i32
        %add3A_1346 = arith.addi %mul3A_1332, %add3A_1345 : i32
        %dma_start3A_1347 = arith.constant 0 : i32
        %dma_start3A_1348 = tpu.memref_slice %arg12[%add3A_1346, %dma_start3A_1347] : memref<448x64xf32, #tpu.memory_space<vmem>> -> memref<1x64xf32, #tpu.memory_space<vmem>>
        %dma_start3A_1349 = arith.constant 0 : i32
        %dma_start3A_1350 = tpu.memref_slice %arg6[%squeeze3A_1344, %dma_start3A_1349] : memref<1000000x64xf32, #tpu.memory_space<hbm>> -> memref<1x64xf32, #tpu.memory_space<hbm>>
        %dma_start3A_1351 = arith.constant 0 : i32
        %dma_start3A_1352 = tpu.memref_slice %arg12[%add3A_1346, %dma_start3A_1351] : memref<448x64xf32, #tpu.memory_space<vmem>> -> memref<1x64xf32, #tpu.memory_space<vmem>>
        %dma_start3A_1353 = arith.constant 0 : i32
        %dma_start3A_1354 = tpu.memref_slice %arg6[%squeeze3A_1344, %dma_start3A_1353] : memref<1000000x64xf32, #tpu.memory_space<hbm>> -> memref<1x64xf32, #tpu.memory_space<hbm>>
        tpu.enqueue_dma source(%dma_start3A_1354 : memref<1x64xf32, #tpu.memory_space<hbm>>) target(%dma_start3A_1352 : memref<1x64xf32, #tpu.memory_space<vmem>>) target_semaphore(%arg15 : memref<!tpu.dma_semaphore, #tpu.memory_space<semaphore_mem>>)
        %slice3A_1355 = vector.extract_strided_slice %get3A_83 {offsets = [1], sizes = [1], strides = [1]} : vector<16xi32> to vector<1xi32>
        %squeeze3A_1356 = vector.extract %slice3A_1355[0] : i32 from vector<1xi32>
        %add3A_1357 = arith.constant 2 : i32
        %add3A_1358 = arith.addi %mul3A_1332, %add3A_1357 : i32
        %add3A_1359 = arith.constant 0 : i32
        %add3A_1360 = arith.addi %add3A_1358, %add3A_1359 : i32
        %dma_start3A_1361 = arith.constant 0 : i32
        %dma_start3A_1362 = tpu.memref_slice %arg12[%add3A_1360, %dma_start3A_1361] : memref<448x64xf32, #tpu.memory_space<vmem>> -> memref<1x64xf32, #tpu.memory_space<vmem>>
        %dma_start3A_1363 = arith.constant 0 : i32
        %dma_start3A_1364 = tpu.memref_slice %arg6[%squeeze3A_1356, %dma_start3A_1363] : memref<1000000x64xf32, #tpu.memory_space<hbm>> -> memref<1x64xf32, #tpu.memory_space<hbm>>
        %dma_start3A_1365 = arith.constant 0 : i32
        %dma_start3A_1366 = tpu.memref_slice %arg12[%add3A_1360, %dma_start3A_1365] : memref<448x64xf32, #tpu.memory_space<vmem>> -> memref<1x64xf32, #tpu.memory_space<vmem>>
        %dma_start3A_1367 = arith.constant 0 : i32
        %dma_start3A_1368 = tpu.memref_slice %arg6[%squeeze3A_1356, %dma_start3A_1367] : memref<1000000x64xf32, #tpu.memory_space<hbm>> -> memref<1x64xf32, #tpu.memory_space<hbm>>
        tpu.enqueue_dma source(%dma_start3A_1368 : memref<1x64xf32, #tpu.memory_space<hbm>>) target(%dma_start3A_1366 : memref<1x64xf32, #tpu.memory_space<vmem>>) target_semaphore(%arg15 : memref<!tpu.dma_semaphore, #tpu.memory_space<semaphore_mem>>)
        %slice3A_1369 = vector.extract_strided_slice %get3A_83 {offsets = [2], sizes = [1], strides = [1]} : vector<16xi32> to vector<1xi32>
        %squeeze3A_1370 = vector.extract %slice3A_1369[0] : i32 from vector<1xi32>
        %add3A_1371 = arith.constant 2 : i32
        %add3A_1372 = arith.addi %mul3A_1332, %add3A_1371 : i32
        %add3A_1373 = arith.constant 1 : i32
        %add3A_1374 = arith.addi %add3A_1372, %add3A_1373 : i32
        %dma_start3A_1375 = arith.constant 0 : i32
        %dma_start3A_1376 = tpu.memref_slice %arg12[%add3A_1374, %dma_start3A_1375] : memref<448x64xf32, #tpu.memory_space<vmem>> -> memref<1x64xf32, #tpu.memory_space<vmem>>
        %dma_start3A_1377 = arith.constant 0 : i32
        %dma_start3A_1378 = tpu.memref_slice %arg6[%squeeze3A_1370, %dma_start3A_1377] : memref<1000000x64xf32, #tpu.memory_space<hbm>> -> memref<1x64xf32, #tpu.memory_space<hbm>>
        %dma_start3A_1379 = arith.constant 0 : i32
        %dma_start3A_1380 = tpu.memref_slice %arg12[%add3A_1374, %dma_start3A_1379] : memref<448x64xf32, #tpu.memory_space<vmem>> -> memref<1x64xf32, #tpu.memory_space<vmem>>
        %dma_start3A_1381 = arith.constant 0 : i32
        %dma_start3A_1382 = tpu.memref_slice %arg6[%squeeze3A_1370, %dma_start3A_1381] : memref<1000000x64xf32, #tpu.memory_space<hbm>> -> memref<1x64xf32, #tpu.memory_space<hbm>>
        tpu.enqueue_dma source(%dma_start3A_1382 : memref<1x64xf32, #tpu.memory_space<hbm>>) target(%dma_start3A_1380 : memref<1x64xf32, #tpu.memory_space<vmem>>) target_semaphore(%arg15 : memref<!tpu.dma_semaphore, #tpu.memory_space<semaphore_mem>>)
        %slice3A_1383 = vector.extract_strided_slice %get3A_83 {offsets = [3], sizes = [1], strides = [1]} : vector<16xi32> to vector<1xi32>
        %squeeze3A_1384 = vector.extract %slice3A_1383[0] : i32 from vector<1xi32>
        %add3A_1385 = arith.constant 2 : i32
        %add3A_1386 = arith.addi %mul3A_1332, %add3A_1385 : i32
        %add3A_1387 = arith.constant 2 : i32
        %add3A_1388 = arith.addi %add3A_1386, %add3A_1387 : i32
        %dma_start3A_1389 = arith.constant 0 : i32
        %dma_start3A_1390 = tpu.memref_slice %arg12[%add3A_1388, %dma_start3A_1389] : memref<448x64xf32, #tpu.memory_space<vmem>> -> memref<1x64xf32, #tpu.memory_space<vmem>>
        %dma_start3A_1391 = arith.constant 0 : i32
        %dma_start3A_1392 = tpu.memref_slice %arg6[%squeeze3A_1384, %dma_start3A_1391] : memref<1000000x64xf32, #tpu.memory_space<hbm>> -> memref<1x64xf32, #tpu.memory_space<hbm>>
        %dma_start3A_1393 = arith.constant 0 : i32
        %dma_start3A_1394 = tpu.memref_slice %arg12[%add3A_1388, %dma_start3A_1393] : memref<448x64xf32, #tpu.memory_space<vmem>> -> memref<1x64xf32, #tpu.memory_space<vmem>>
        %dma_start3A_1395 = arith.constant 0 : i32
        %dma_start3A_1396 = tpu.memref_slice %arg6[%squeeze3A_1384, %dma_start3A_1395] : memref<1000000x64xf32, #tpu.memory_space<hbm>> -> memref<1x64xf32, #tpu.memory_space<hbm>>
        tpu.enqueue_dma source(%dma_start3A_1396 : memref<1x64xf32, #tpu.memory_space<hbm>>) target(%dma_start3A_1394 : memref<1x64xf32, #tpu.memory_space<vmem>>) target_semaphore(%arg15 : memref<!tpu.dma_semaphore, #tpu.memory_space<semaphore_mem>>)
        %slice3A_1397 = vector.extract_strided_slice %get3A_83 {offsets = [4], sizes = [1], strides = [1]} : vector<16xi32> to vector<1xi32>
        %squeeze3A_1398 = vector.extract %slice3A_1397[0] : i32 from vector<1xi32>
        %add3A_1399 = arith.constant 2 : i32
        %add3A_1400 = arith.addi %mul3A_1332, %add3A_1399 : i32
        %add3A_1401 = arith.constant 3 : i32
        %add3A_1402 = arith.addi %add3A_1400, %add3A_1401 : i32
        %dma_start3A_1403 = arith.constant 0 : i32
        %dma_start3A_1404 = tpu.memref_slice %arg12[%add3A_1402, %dma_start3A_1403] : memref<448x64xf32, #tpu.memory_space<vmem>> -> memref<1x64xf32, #tpu.memory_space<vmem>>
        %dma_start3A_1405 = arith.constant 0 : i32
        %dma_start3A_1406 = tpu.memref_slice %arg6[%squeeze3A_1398, %dma_start3A_1405] : memref<1000000x64xf32, #tpu.memory_space<hbm>> -> memref<1x64xf32, #tpu.memory_space<hbm>>
        %dma_start3A_1407 = arith.constant 0 : i32
        %dma_start3A_1408 = tpu.memref_slice %arg12[%add3A_1402, %dma_start3A_1407] : memref<448x64xf32, #tpu.memory_space<vmem>> -> memref<1x64xf32, #tpu.memory_space<vmem>>
        %dma_start3A_1409 = arith.constant 0 : i32
        %dma_start3A_1410 = tpu.memref_slice %arg6[%squeeze3A_1398, %dma_start3A_1409] : memref<1000000x64xf32, #tpu.memory_space<hbm>> -> memref<1x64xf32, #tpu.memory_space<hbm>>
        tpu.enqueue_dma source(%dma_start3A_1410 : memref<1x64xf32, #tpu.memory_space<hbm>>) target(%dma_start3A_1408 : memref<1x64xf32, #tpu.memory_space<vmem>>) target_semaphore(%arg15 : memref<!tpu.dma_semaphore, #tpu.memory_space<semaphore_mem>>)
        %slice3A_1411 = vector.extract_strided_slice %get3A_83 {offsets = [5], sizes = [1], strides = [1]} : vector<16xi32> to vector<1xi32>
        %squeeze3A_1412 = vector.extract %slice3A_1411[0] : i32 from vector<1xi32>
        %add3A_1413 = arith.constant 2 : i32
        %add3A_1414 = arith.addi %mul3A_1332, %add3A_1413 : i32
        %add3A_1415 = arith.constant 4 : i32
        %add3A_1416 = arith.addi %add3A_1414, %add3A_1415 : i32
        %dma_start3A_1417 = arith.constant 0 : i32
        %dma_start3A_1418 = tpu.memref_slice %arg12[%add3A_1416, %dma_start3A_1417] : memref<448x64xf32, #tpu.memory_space<vmem>> -> memref<1x64xf32, #tpu.memory_space<vmem>>
        %dma_start3A_1419 = arith.constant 0 : i32
        %dma_start3A_1420 = tpu.memref_slice %arg6[%squeeze3A_1412, %dma_start3A_1419] : memref<1000000x64xf32, #tpu.memory_space<hbm>> -> memref<1x64xf32, #tpu.memory_space<hbm>>
        %dma_start3A_1421 = arith.constant 0 : i32
        %dma_start3A_1422 = tpu.memref_slice %arg12[%add3A_1416, %dma_start3A_1421] : memref<448x64xf32, #tpu.memory_space<vmem>> -> memref<1x64xf32, #tpu.memory_space<vmem>>
        %dma_start3A_1423 = arith.constant 0 : i32
        %dma_start3A_1424 = tpu.memref_slice %arg6[%squeeze3A_1412, %dma_start3A_1423] : memref<1000000x64xf32, #tpu.memory_space<hbm>> -> memref<1x64xf32, #tpu.memory_space<hbm>>
        tpu.enqueue_dma source(%dma_start3A_1424 : memref<1x64xf32, #tpu.memory_space<hbm>>) target(%dma_start3A_1422 : memref<1x64xf32, #tpu.memory_space<vmem>>) target_semaphore(%arg15 : memref<!tpu.dma_semaphore, #tpu.memory_space<semaphore_mem>>)
        %add3A_1425 = arith.constant 14 : i32
        %add3A_1426 = arith.addi %mul3A_43, %add3A_1425 : i32
        %mul3A_1427 = arith.constant 7 : i32
        %mul3A_1428 = arith.muli %add3A_1426, %mul3A_1427 : i32
        %slice3A_1429 = vector.extract_strided_slice %get3A_45 {offsets = [14], sizes = [1], strides = [1]} : vector<16xi32> to vector<1xi32>
        %squeeze3A_1430 = vector.extract %slice3A_1429[0] : i32 from vector<1xi32>
        %dma_start3A_1431 = arith.constant 0 : i32
        %dma_start3A_1432 = tpu.memref_slice %arg12[%mul3A_1428, %dma_start3A_1431] : memref<448x64xf32, #tpu.memory_space<vmem>> -> memref<1x64xf32, #tpu.memory_space<vmem>>
        %dma_start3A_1433 = arith.constant 0 : i32
        %dma_start3A_1434 = tpu.memref_slice %arg5[%squeeze3A_1430, %dma_start3A_1433] : memref<1000000x64xf32, #tpu.memory_space<hbm>> -> memref<1x64xf32, #tpu.memory_space<hbm>>
        %dma_start3A_1435 = arith.constant 0 : i32
        %dma_start3A_1436 = tpu.memref_slice %arg12[%mul3A_1428, %dma_start3A_1435] : memref<448x64xf32, #tpu.memory_space<vmem>> -> memref<1x64xf32, #tpu.memory_space<vmem>>
        %dma_start3A_1437 = arith.constant 0 : i32
        %dma_start3A_1438 = tpu.memref_slice %arg5[%squeeze3A_1430, %dma_start3A_1437] : memref<1000000x64xf32, #tpu.memory_space<hbm>> -> memref<1x64xf32, #tpu.memory_space<hbm>>
        tpu.enqueue_dma source(%dma_start3A_1438 : memref<1x64xf32, #tpu.memory_space<hbm>>) target(%dma_start3A_1436 : memref<1x64xf32, #tpu.memory_space<vmem>>) target_semaphore(%arg15 : memref<!tpu.dma_semaphore, #tpu.memory_space<semaphore_mem>>)
        %slice3A_1439 = vector.extract_strided_slice %get3A_48 {offsets = [14], sizes = [1], strides = [1]} : vector<16xi32> to vector<1xi32>
        %squeeze3A_1440 = vector.extract %slice3A_1439[0] : i32 from vector<1xi32>
        %add3A_1441 = arith.constant 1 : i32
        %add3A_1442 = arith.addi %mul3A_1428, %add3A_1441 : i32
        %dma_start3A_1443 = arith.constant 0 : i32
        %dma_start3A_1444 = tpu.memref_slice %arg12[%add3A_1442, %dma_start3A_1443] : memref<448x64xf32, #tpu.memory_space<vmem>> -> memref<1x64xf32, #tpu.memory_space<vmem>>
        %dma_start3A_1445 = arith.constant 0 : i32
        %dma_start3A_1446 = tpu.memref_slice %arg6[%squeeze3A_1440, %dma_start3A_1445] : memref<1000000x64xf32, #tpu.memory_space<hbm>> -> memref<1x64xf32, #tpu.memory_space<hbm>>
        %dma_start3A_1447 = arith.constant 0 : i32
        %dma_start3A_1448 = tpu.memref_slice %arg12[%add3A_1442, %dma_start3A_1447] : memref<448x64xf32, #tpu.memory_space<vmem>> -> memref<1x64xf32, #tpu.memory_space<vmem>>
        %dma_start3A_1449 = arith.constant 0 : i32
        %dma_start3A_1450 = tpu.memref_slice %arg6[%squeeze3A_1440, %dma_start3A_1449] : memref<1000000x64xf32, #tpu.memory_space<hbm>> -> memref<1x64xf32, #tpu.memory_space<hbm>>
        tpu.enqueue_dma source(%dma_start3A_1450 : memref<1x64xf32, #tpu.memory_space<hbm>>) target(%dma_start3A_1448 : memref<1x64xf32, #tpu.memory_space<vmem>>) target_semaphore(%arg15 : memref<!tpu.dma_semaphore, #tpu.memory_space<semaphore_mem>>)
        %slice3A_1451 = vector.extract_strided_slice %get3A_83 {offsets = [6], sizes = [1], strides = [1]} : vector<16xi32> to vector<1xi32>
        %squeeze3A_1452 = vector.extract %slice3A_1451[0] : i32 from vector<1xi32>
        %add3A_1453 = arith.constant 2 : i32
        %add3A_1454 = arith.addi %mul3A_1428, %add3A_1453 : i32
        %add3A_1455 = arith.constant 0 : i32
        %add3A_1456 = arith.addi %add3A_1454, %add3A_1455 : i32
        %dma_start3A_1457 = arith.constant 0 : i32
        %dma_start3A_1458 = tpu.memref_slice %arg12[%add3A_1456, %dma_start3A_1457] : memref<448x64xf32, #tpu.memory_space<vmem>> -> memref<1x64xf32, #tpu.memory_space<vmem>>
        %dma_start3A_1459 = arith.constant 0 : i32
        %dma_start3A_1460 = tpu.memref_slice %arg6[%squeeze3A_1452, %dma_start3A_1459] : memref<1000000x64xf32, #tpu.memory_space<hbm>> -> memref<1x64xf32, #tpu.memory_space<hbm>>
        %dma_start3A_1461 = arith.constant 0 : i32
        %dma_start3A_1462 = tpu.memref_slice %arg12[%add3A_1456, %dma_start3A_1461] : memref<448x64xf32, #tpu.memory_space<vmem>> -> memref<1x64xf32, #tpu.memory_space<vmem>>
        %dma_start3A_1463 = arith.constant 0 : i32
        %dma_start3A_1464 = tpu.memref_slice %arg6[%squeeze3A_1452, %dma_start3A_1463] : memref<1000000x64xf32, #tpu.memory_space<hbm>> -> memref<1x64xf32, #tpu.memory_space<hbm>>
        tpu.enqueue_dma source(%dma_start3A_1464 : memref<1x64xf32, #tpu.memory_space<hbm>>) target(%dma_start3A_1462 : memref<1x64xf32, #tpu.memory_space<vmem>>) target_semaphore(%arg15 : memref<!tpu.dma_semaphore, #tpu.memory_space<semaphore_mem>>)
        %slice3A_1465 = vector.extract_strided_slice %get3A_83 {offsets = [7], sizes = [1], strides = [1]} : vector<16xi32> to vector<1xi32>
        %squeeze3A_1466 = vector.extract %slice3A_1465[0] : i32 from vector<1xi32>
        %add3A_1467 = arith.constant 2 : i32
        %add3A_1468 = arith.addi %mul3A_1428, %add3A_1467 : i32
        %add3A_1469 = arith.constant 1 : i32
        %add3A_1470 = arith.addi %add3A_1468, %add3A_1469 : i32
        %dma_start3A_1471 = arith.constant 0 : i32
        %dma_start3A_1472 = tpu.memref_slice %arg12[%add3A_1470, %dma_start3A_1471] : memref<448x64xf32, #tpu.memory_space<vmem>> -> memref<1x64xf32, #tpu.memory_space<vmem>>
        %dma_start3A_1473 = arith.constant 0 : i32
        %dma_start3A_1474 = tpu.memref_slice %arg6[%squeeze3A_1466, %dma_start3A_1473] : memref<1000000x64xf32, #tpu.memory_space<hbm>> -> memref<1x64xf32, #tpu.memory_space<hbm>>
        %dma_start3A_1475 = arith.constant 0 : i32
        %dma_start3A_1476 = tpu.memref_slice %arg12[%add3A_1470, %dma_start3A_1475] : memref<448x64xf32, #tpu.memory_space<vmem>> -> memref<1x64xf32, #tpu.memory_space<vmem>>
        %dma_start3A_1477 = arith.constant 0 : i32
        %dma_start3A_1478 = tpu.memref_slice %arg6[%squeeze3A_1466, %dma_start3A_1477] : memref<1000000x64xf32, #tpu.memory_space<hbm>> -> memref<1x64xf32, #tpu.memory_space<hbm>>
        tpu.enqueue_dma source(%dma_start3A_1478 : memref<1x64xf32, #tpu.memory_space<hbm>>) target(%dma_start3A_1476 : memref<1x64xf32, #tpu.memory_space<vmem>>) target_semaphore(%arg15 : memref<!tpu.dma_semaphore, #tpu.memory_space<semaphore_mem>>)
        %slice3A_1479 = vector.extract_strided_slice %get3A_83 {offsets = [8], sizes = [1], strides = [1]} : vector<16xi32> to vector<1xi32>
        %squeeze3A_1480 = vector.extract %slice3A_1479[0] : i32 from vector<1xi32>
        %add3A_1481 = arith.constant 2 : i32
        %add3A_1482 = arith.addi %mul3A_1428, %add3A_1481 : i32
        %add3A_1483 = arith.constant 2 : i32
        %add3A_1484 = arith.addi %add3A_1482, %add3A_1483 : i32
        %dma_start3A_1485 = arith.constant 0 : i32
        %dma_start3A_1486 = tpu.memref_slice %arg12[%add3A_1484, %dma_start3A_1485] : memref<448x64xf32, #tpu.memory_space<vmem>> -> memref<1x64xf32, #tpu.memory_space<vmem>>
        %dma_start3A_1487 = arith.constant 0 : i32
        %dma_start3A_1488 = tpu.memref_slice %arg6[%squeeze3A_1480, %dma_start3A_1487] : memref<1000000x64xf32, #tpu.memory_space<hbm>> -> memref<1x64xf32, #tpu.memory_space<hbm>>
        %dma_start3A_1489 = arith.constant 0 : i32
        %dma_start3A_1490 = tpu.memref_slice %arg12[%add3A_1484, %dma_start3A_1489] : memref<448x64xf32, #tpu.memory_space<vmem>> -> memref<1x64xf32, #tpu.memory_space<vmem>>
        %dma_start3A_1491 = arith.constant 0 : i32
        %dma_start3A_1492 = tpu.memref_slice %arg6[%squeeze3A_1480, %dma_start3A_1491] : memref<1000000x64xf32, #tpu.memory_space<hbm>> -> memref<1x64xf32, #tpu.memory_space<hbm>>
        tpu.enqueue_dma source(%dma_start3A_1492 : memref<1x64xf32, #tpu.memory_space<hbm>>) target(%dma_start3A_1490 : memref<1x64xf32, #tpu.memory_space<vmem>>) target_semaphore(%arg15 : memref<!tpu.dma_semaphore, #tpu.memory_space<semaphore_mem>>)
        %slice3A_1493 = vector.extract_strided_slice %get3A_83 {offsets = [9], sizes = [1], strides = [1]} : vector<16xi32> to vector<1xi32>
        %squeeze3A_1494 = vector.extract %slice3A_1493[0] : i32 from vector<1xi32>
        %add3A_1495 = arith.constant 2 : i32
        %add3A_1496 = arith.addi %mul3A_1428, %add3A_1495 : i32
        %add3A_1497 = arith.constant 3 : i32
        %add3A_1498 = arith.addi %add3A_1496, %add3A_1497 : i32
        %dma_start3A_1499 = arith.constant 0 : i32
        %dma_start3A_1500 = tpu.memref_slice %arg12[%add3A_1498, %dma_start3A_1499] : memref<448x64xf32, #tpu.memory_space<vmem>> -> memref<1x64xf32, #tpu.memory_space<vmem>>
        %dma_start3A_1501 = arith.constant 0 : i32
        %dma_start3A_1502 = tpu.memref_slice %arg6[%squeeze3A_1494, %dma_start3A_1501] : memref<1000000x64xf32, #tpu.memory_space<hbm>> -> memref<1x64xf32, #tpu.memory_space<hbm>>
        %dma_start3A_1503 = arith.constant 0 : i32
        %dma_start3A_1504 = tpu.memref_slice %arg12[%add3A_1498, %dma_start3A_1503] : memref<448x64xf32, #tpu.memory_space<vmem>> -> memref<1x64xf32, #tpu.memory_space<vmem>>
        %dma_start3A_1505 = arith.constant 0 : i32
        %dma_start3A_1506 = tpu.memref_slice %arg6[%squeeze3A_1494, %dma_start3A_1505] : memref<1000000x64xf32, #tpu.memory_space<hbm>> -> memref<1x64xf32, #tpu.memory_space<hbm>>
        tpu.enqueue_dma source(%dma_start3A_1506 : memref<1x64xf32, #tpu.memory_space<hbm>>) target(%dma_start3A_1504 : memref<1x64xf32, #tpu.memory_space<vmem>>) target_semaphore(%arg15 : memref<!tpu.dma_semaphore, #tpu.memory_space<semaphore_mem>>)
        %slice3A_1507 = vector.extract_strided_slice %get3A_83 {offsets = [10], sizes = [1], strides = [1]} : vector<16xi32> to vector<1xi32>
        %squeeze3A_1508 = vector.extract %slice3A_1507[0] : i32 from vector<1xi32>
        %add3A_1509 = arith.constant 2 : i32
        %add3A_1510 = arith.addi %mul3A_1428, %add3A_1509 : i32
        %add3A_1511 = arith.constant 4 : i32
        %add3A_1512 = arith.addi %add3A_1510, %add3A_1511 : i32
        %dma_start3A_1513 = arith.constant 0 : i32
        %dma_start3A_1514 = tpu.memref_slice %arg12[%add3A_1512, %dma_start3A_1513] : memref<448x64xf32, #tpu.memory_space<vmem>> -> memref<1x64xf32, #tpu.memory_space<vmem>>
        %dma_start3A_1515 = arith.constant 0 : i32
        %dma_start3A_1516 = tpu.memref_slice %arg6[%squeeze3A_1508, %dma_start3A_1515] : memref<1000000x64xf32, #tpu.memory_space<hbm>> -> memref<1x64xf32, #tpu.memory_space<hbm>>
        %dma_start3A_1517 = arith.constant 0 : i32
        %dma_start3A_1518 = tpu.memref_slice %arg12[%add3A_1512, %dma_start3A_1517] : memref<448x64xf32, #tpu.memory_space<vmem>> -> memref<1x64xf32, #tpu.memory_space<vmem>>
        %dma_start3A_1519 = arith.constant 0 : i32
        %dma_start3A_1520 = tpu.memref_slice %arg6[%squeeze3A_1508, %dma_start3A_1519] : memref<1000000x64xf32, #tpu.memory_space<hbm>> -> memref<1x64xf32, #tpu.memory_space<hbm>>
        tpu.enqueue_dma source(%dma_start3A_1520 : memref<1x64xf32, #tpu.memory_space<hbm>>) target(%dma_start3A_1518 : memref<1x64xf32, #tpu.memory_space<vmem>>) target_semaphore(%arg15 : memref<!tpu.dma_semaphore, #tpu.memory_space<semaphore_mem>>)
        %add3A_1521 = arith.constant 15 : i32
        %add3A_1522 = arith.addi %mul3A_43, %add3A_1521 : i32
        %mul3A_1523 = arith.constant 7 : i32
        %mul3A_1524 = arith.muli %add3A_1522, %mul3A_1523 : i32
        %slice3A_1525 = vector.extract_strided_slice %get3A_45 {offsets = [15], sizes = [1], strides = [1]} : vector<16xi32> to vector<1xi32>
        %squeeze3A_1526 = vector.extract %slice3A_1525[0] : i32 from vector<1xi32>
        %dma_start3A_1527 = arith.constant 0 : i32
        %dma_start3A_1528 = tpu.memref_slice %arg12[%mul3A_1524, %dma_start3A_1527] : memref<448x64xf32, #tpu.memory_space<vmem>> -> memref<1x64xf32, #tpu.memory_space<vmem>>
        %dma_start3A_1529 = arith.constant 0 : i32
        %dma_start3A_1530 = tpu.memref_slice %arg5[%squeeze3A_1526, %dma_start3A_1529] : memref<1000000x64xf32, #tpu.memory_space<hbm>> -> memref<1x64xf32, #tpu.memory_space<hbm>>
        %dma_start3A_1531 = arith.constant 0 : i32
        %dma_start3A_1532 = tpu.memref_slice %arg12[%mul3A_1524, %dma_start3A_1531] : memref<448x64xf32, #tpu.memory_space<vmem>> -> memref<1x64xf32, #tpu.memory_space<vmem>>
        %dma_start3A_1533 = arith.constant 0 : i32
        %dma_start3A_1534 = tpu.memref_slice %arg5[%squeeze3A_1526, %dma_start3A_1533] : memref<1000000x64xf32, #tpu.memory_space<hbm>> -> memref<1x64xf32, #tpu.memory_space<hbm>>
        tpu.enqueue_dma source(%dma_start3A_1534 : memref<1x64xf32, #tpu.memory_space<hbm>>) target(%dma_start3A_1532 : memref<1x64xf32, #tpu.memory_space<vmem>>) target_semaphore(%arg15 : memref<!tpu.dma_semaphore, #tpu.memory_space<semaphore_mem>>)
        %slice3A_1535 = vector.extract_strided_slice %get3A_48 {offsets = [15], sizes = [1], strides = [1]} : vector<16xi32> to vector<1xi32>
        %squeeze3A_1536 = vector.extract %slice3A_1535[0] : i32 from vector<1xi32>
        %add3A_1537 = arith.constant 1 : i32
        %add3A_1538 = arith.addi %mul3A_1524, %add3A_1537 : i32
        %dma_start3A_1539 = arith.constant 0 : i32
        %dma_start3A_1540 = tpu.memref_slice %arg12[%add3A_1538, %dma_start3A_1539] : memref<448x64xf32, #tpu.memory_space<vmem>> -> memref<1x64xf32, #tpu.memory_space<vmem>>
        %dma_start3A_1541 = arith.constant 0 : i32
        %dma_start3A_1542 = tpu.memref_slice %arg6[%squeeze3A_1536, %dma_start3A_1541] : memref<1000000x64xf32, #tpu.memory_space<hbm>> -> memref<1x64xf32, #tpu.memory_space<hbm>>
        %dma_start3A_1543 = arith.constant 0 : i32
        %dma_start3A_1544 = tpu.memref_slice %arg12[%add3A_1538, %dma_start3A_1543] : memref<448x64xf32, #tpu.memory_space<vmem>> -> memref<1x64xf32, #tpu.memory_space<vmem>>
        %dma_start3A_1545 = arith.constant 0 : i32
        %dma_start3A_1546 = tpu.memref_slice %arg6[%squeeze3A_1536, %dma_start3A_1545] : memref<1000000x64xf32, #tpu.memory_space<hbm>> -> memref<1x64xf32, #tpu.memory_space<hbm>>
        tpu.enqueue_dma source(%dma_start3A_1546 : memref<1x64xf32, #tpu.memory_space<hbm>>) target(%dma_start3A_1544 : memref<1x64xf32, #tpu.memory_space<vmem>>) target_semaphore(%arg15 : memref<!tpu.dma_semaphore, #tpu.memory_space<semaphore_mem>>)
        %slice3A_1547 = vector.extract_strided_slice %get3A_83 {offsets = [11], sizes = [1], strides = [1]} : vector<16xi32> to vector<1xi32>
        %squeeze3A_1548 = vector.extract %slice3A_1547[0] : i32 from vector<1xi32>
        %add3A_1549 = arith.constant 2 : i32
        %add3A_1550 = arith.addi %mul3A_1524, %add3A_1549 : i32
        %add3A_1551 = arith.constant 0 : i32
        %add3A_1552 = arith.addi %add3A_1550, %add3A_1551 : i32
        %dma_start3A_1553 = arith.constant 0 : i32
        %dma_start3A_1554 = tpu.memref_slice %arg12[%add3A_1552, %dma_start3A_1553] : memref<448x64xf32, #tpu.memory_space<vmem>> -> memref<1x64xf32, #tpu.memory_space<vmem>>
        %dma_start3A_1555 = arith.constant 0 : i32
        %dma_start3A_1556 = tpu.memref_slice %arg6[%squeeze3A_1548, %dma_start3A_1555] : memref<1000000x64xf32, #tpu.memory_space<hbm>> -> memref<1x64xf32, #tpu.memory_space<hbm>>
        %dma_start3A_1557 = arith.constant 0 : i32
        %dma_start3A_1558 = tpu.memref_slice %arg12[%add3A_1552, %dma_start3A_1557] : memref<448x64xf32, #tpu.memory_space<vmem>> -> memref<1x64xf32, #tpu.memory_space<vmem>>
        %dma_start3A_1559 = arith.constant 0 : i32
        %dma_start3A_1560 = tpu.memref_slice %arg6[%squeeze3A_1548, %dma_start3A_1559] : memref<1000000x64xf32, #tpu.memory_space<hbm>> -> memref<1x64xf32, #tpu.memory_space<hbm>>
        tpu.enqueue_dma source(%dma_start3A_1560 : memref<1x64xf32, #tpu.memory_space<hbm>>) target(%dma_start3A_1558 : memref<1x64xf32, #tpu.memory_space<vmem>>) target_semaphore(%arg15 : memref<!tpu.dma_semaphore, #tpu.memory_space<semaphore_mem>>)
        %slice3A_1561 = vector.extract_strided_slice %get3A_83 {offsets = [12], sizes = [1], strides = [1]} : vector<16xi32> to vector<1xi32>
        %squeeze3A_1562 = vector.extract %slice3A_1561[0] : i32 from vector<1xi32>
        %add3A_1563 = arith.constant 2 : i32
        %add3A_1564 = arith.addi %mul3A_1524, %add3A_1563 : i32
        %add3A_1565 = arith.constant 1 : i32
        %add3A_1566 = arith.addi %add3A_1564, %add3A_1565 : i32
        %dma_start3A_1567 = arith.constant 0 : i32
        %dma_start3A_1568 = tpu.memref_slice %arg12[%add3A_1566, %dma_start3A_1567] : memref<448x64xf32, #tpu.memory_space<vmem>> -> memref<1x64xf32, #tpu.memory_space<vmem>>
        %dma_start3A_1569 = arith.constant 0 : i32
        %dma_start3A_1570 = tpu.memref_slice %arg6[%squeeze3A_1562, %dma_start3A_1569] : memref<1000000x64xf32, #tpu.memory_space<hbm>> -> memref<1x64xf32, #tpu.memory_space<hbm>>
        %dma_start3A_1571 = arith.constant 0 : i32
        %dma_start3A_1572 = tpu.memref_slice %arg12[%add3A_1566, %dma_start3A_1571] : memref<448x64xf32, #tpu.memory_space<vmem>> -> memref<1x64xf32, #tpu.memory_space<vmem>>
        %dma_start3A_1573 = arith.constant 0 : i32
        %dma_start3A_1574 = tpu.memref_slice %arg6[%squeeze3A_1562, %dma_start3A_1573] : memref<1000000x64xf32, #tpu.memory_space<hbm>> -> memref<1x64xf32, #tpu.memory_space<hbm>>
        tpu.enqueue_dma source(%dma_start3A_1574 : memref<1x64xf32, #tpu.memory_space<hbm>>) target(%dma_start3A_1572 : memref<1x64xf32, #tpu.memory_space<vmem>>) target_semaphore(%arg15 : memref<!tpu.dma_semaphore, #tpu.memory_space<semaphore_mem>>)
        %slice3A_1575 = vector.extract_strided_slice %get3A_83 {offsets = [13], sizes = [1], strides = [1]} : vector<16xi32> to vector<1xi32>
        %squeeze3A_1576 = vector.extract %slice3A_1575[0] : i32 from vector<1xi32>
        %add3A_1577 = arith.constant 2 : i32
        %add3A_1578 = arith.addi %mul3A_1524, %add3A_1577 : i32
        %add3A_1579 = arith.constant 2 : i32
        %add3A_1580 = arith.addi %add3A_1578, %add3A_1579 : i32
        %dma_start3A_1581 = arith.constant 0 : i32
        %dma_start3A_1582 = tpu.memref_slice %arg12[%add3A_1580, %dma_start3A_1581] : memref<448x64xf32, #tpu.memory_space<vmem>> -> memref<1x64xf32, #tpu.memory_space<vmem>>
        %dma_start3A_1583 = arith.constant 0 : i32
        %dma_start3A_1584 = tpu.memref_slice %arg6[%squeeze3A_1576, %dma_start3A_1583] : memref<1000000x64xf32, #tpu.memory_space<hbm>> -> memref<1x64xf32, #tpu.memory_space<hbm>>
        %dma_start3A_1585 = arith.constant 0 : i32
        %dma_start3A_1586 = tpu.memref_slice %arg12[%add3A_1580, %dma_start3A_1585] : memref<448x64xf32, #tpu.memory_space<vmem>> -> memref<1x64xf32, #tpu.memory_space<vmem>>
        %dma_start3A_1587 = arith.constant 0 : i32
        %dma_start3A_1588 = tpu.memref_slice %arg6[%squeeze3A_1576, %dma_start3A_1587] : memref<1000000x64xf32, #tpu.memory_space<hbm>> -> memref<1x64xf32, #tpu.memory_space<hbm>>
        tpu.enqueue_dma source(%dma_start3A_1588 : memref<1x64xf32, #tpu.memory_space<hbm>>) target(%dma_start3A_1586 : memref<1x64xf32, #tpu.memory_space<vmem>>) target_semaphore(%arg15 : memref<!tpu.dma_semaphore, #tpu.memory_space<semaphore_mem>>)
        %slice3A_1589 = vector.extract_strided_slice %get3A_83 {offsets = [14], sizes = [1], strides = [1]} : vector<16xi32> to vector<1xi32>
        %squeeze3A_1590 = vector.extract %slice3A_1589[0] : i32 from vector<1xi32>
        %add3A_1591 = arith.constant 2 : i32
        %add3A_1592 = arith.addi %mul3A_1524, %add3A_1591 : i32
        %add3A_1593 = arith.constant 3 : i32
        %add3A_1594 = arith.addi %add3A_1592, %add3A_1593 : i32
        %dma_start3A_1595 = arith.constant 0 : i32
        %dma_start3A_1596 = tpu.memref_slice %arg12[%add3A_1594, %dma_start3A_1595] : memref<448x64xf32, #tpu.memory_space<vmem>> -> memref<1x64xf32, #tpu.memory_space<vmem>>
        %dma_start3A_1597 = arith.constant 0 : i32
        %dma_start3A_1598 = tpu.memref_slice %arg6[%squeeze3A_1590, %dma_start3A_1597] : memref<1000000x64xf32, #tpu.memory_space<hbm>> -> memref<1x64xf32, #tpu.memory_space<hbm>>
        %dma_start3A_1599 = arith.constant 0 : i32
        %dma_start3A_1600 = tpu.memref_slice %arg12[%add3A_1594, %dma_start3A_1599] : memref<448x64xf32, #tpu.memory_space<vmem>> -> memref<1x64xf32, #tpu.memory_space<vmem>>
        %dma_start3A_1601 = arith.constant 0 : i32
        %dma_start3A_1602 = tpu.memref_slice %arg6[%squeeze3A_1590, %dma_start3A_1601] : memref<1000000x64xf32, #tpu.memory_space<hbm>> -> memref<1x64xf32, #tpu.memory_space<hbm>>
        tpu.enqueue_dma source(%dma_start3A_1602 : memref<1x64xf32, #tpu.memory_space<hbm>>) target(%dma_start3A_1600 : memref<1x64xf32, #tpu.memory_space<vmem>>) target_semaphore(%arg15 : memref<!tpu.dma_semaphore, #tpu.memory_space<semaphore_mem>>)
        %slice3A_1603 = vector.extract_strided_slice %get3A_83 {offsets = [15], sizes = [1], strides = [1]} : vector<16xi32> to vector<1xi32>
        %squeeze3A_1604 = vector.extract %slice3A_1603[0] : i32 from vector<1xi32>
        %add3A_1605 = arith.constant 2 : i32
        %add3A_1606 = arith.addi %mul3A_1524, %add3A_1605 : i32
        %add3A_1607 = arith.constant 4 : i32
        %add3A_1608 = arith.addi %add3A_1606, %add3A_1607 : i32
        %dma_start3A_1609 = arith.constant 0 : i32
        %dma_start3A_1610 = tpu.memref_slice %arg12[%add3A_1608, %dma_start3A_1609] : memref<448x64xf32, #tpu.memory_space<vmem>> -> memref<1x64xf32, #tpu.memory_space<vmem>>
        %dma_start3A_1611 = arith.constant 0 : i32
        %dma_start3A_1612 = tpu.memref_slice %arg6[%squeeze3A_1604, %dma_start3A_1611] : memref<1000000x64xf32, #tpu.memory_space<hbm>> -> memref<1x64xf32, #tpu.memory_space<hbm>>
        %dma_start3A_1613 = arith.constant 0 : i32
        %dma_start3A_1614 = tpu.memref_slice %arg12[%add3A_1608, %dma_start3A_1613] : memref<448x64xf32, #tpu.memory_space<vmem>> -> memref<1x64xf32, #tpu.memory_space<vmem>>
        %dma_start3A_1615 = arith.constant 0 : i32
        %dma_start3A_1616 = tpu.memref_slice %arg6[%squeeze3A_1604, %dma_start3A_1615] : memref<1000000x64xf32, #tpu.memory_space<hbm>> -> memref<1x64xf32, #tpu.memory_space<hbm>>
        tpu.enqueue_dma source(%dma_start3A_1616 : memref<1x64xf32, #tpu.memory_space<hbm>>) target(%dma_start3A_1614 : memref<1x64xf32, #tpu.memory_space<vmem>>) target_semaphore(%arg15 : memref<!tpu.dma_semaphore, #tpu.memory_space<semaphore_mem>>)
        %scan3A_1617 = arith.constant 0 : i32
        scf.yield %scan3A_1617 : i32
      }
      %scan3A_26 = arith.constant 4 : i32
      %dma_wait3A = arith.constant 0 : i32
      %dma_wait3A_27 = arith.constant 0 : i32
      %dma_wait3A_28 = tpu.memref_slice %arg5[%dma_wait3A, %dma_wait3A_27] : memref<1000000x64xf32, #tpu.memory_space<hbm>> -> memref<448x64xf32, #tpu.memory_space<hbm>>
      %dma_wait3A_29 = arith.constant 0 : i32
      %dma_wait3A_30 = arith.constant 0 : i32
      %dma_wait3A_31 = tpu.memref_slice %arg5[%dma_wait3A_29, %dma_wait3A_30] : memref<1000000x64xf32, #tpu.memory_space<hbm>> -> memref<448x64xf32, #tpu.memory_space<hbm>>
      tpu.wait_dma2 semaphore(%arg15 : memref<!tpu.dma_semaphore, #tpu.memory_space<semaphore_mem>>) src(%dma_wait3A_31 : memref<448x64xf32, #tpu.memory_space<hbm>>) dst(%arg12 : memref<448x64xf32, #tpu.memory_space<vmem>>)
      %scan3A_32 = arith.constant 0 : i32
      %scan3A_33 = arith.constant 0 : i32
      %scan3A_34 = arith.constant 64 : i32
      %scan3A_35 = arith.addi %scan3A_33, %scan3A_34 : i32
      %scan3A_36 = arith.constant 1 : i32
      %scan3A_37 = scf.for %scan3A_40 = %scan3A_33 to %scan3A_35 step %scan3A_36 iter_args(%scan3A_41 = %scan3A_32) -> (i32)  : i32 {
        %mul3A_42 = arith.constant 7 : i32
        %mul3A_43 = arith.muli %scan3A_40, %mul3A_42 : i32
        %broadcast_in_dim3A = arith.constant 0.000000e+00 : f32
        %broadcast_in_dim3A_44 = vector.broadcast %broadcast_in_dim3A : f32 to vector<16xf32>
        %broadcast_in_dim3A_45 = arith.constant 0.000000e+00 : f32
        %broadcast_in_dim3A_46 = vector.broadcast %broadcast_in_dim3A_45 : f32 to vector<16xf32>
        %get3A = arith.index_cast %mul3A_43 : i32 to index
        %get3A_47 = arith.constant 0 : index
        %get3A_48 = tpu.vector_load %arg12[%get3A, %get3A_47] {strides = array<i32>} : memref<448x64xf32, #tpu.memory_space<vmem>>, vector<1x16xf32>,
        %get3A_49 = vector.shape_cast %get3A_48 : vector<1x16xf32> to vector<16xf32>
        %add3A_50 = arith.constant 1 : i32
        %add3A_51 = arith.addi %mul3A_43, %add3A_50 : i32
        %get3A_52 = arith.index_cast %add3A_51 : i32 to index
        %get3A_53 = arith.constant 0 : index
        %get3A_54 = tpu.vector_load %arg12[%get3A_52, %get3A_53] {strides = array<i32>} : memref<448x64xf32, #tpu.memory_space<vmem>>, vector<1x16xf32>,
        %get3A_55 = vector.shape_cast %get3A_54 : vector<1x16xf32> to vector<16xf32>
        %mul3A_56 = arith.mulf %get3A_49, %get3A_55 : vector<16xf32>
        %add3A_57 = arith.addf %broadcast_in_dim3A_44, %mul3A_56 : vector<16xf32>
        %add3A_58 = arith.constant 2 : i32
        %add3A_59 = arith.addi %mul3A_43, %add3A_58 : i32
        %get3A_60 = arith.index_cast %add3A_59 : i32 to index
        %get3A_61 = arith.constant 0 : index
        %get3A_62 = tpu.vector_load %arg12[%get3A_60, %get3A_61] {strides = array<i32>} : memref<448x64xf32, #tpu.memory_space<vmem>>, vector<1x16xf32>,
        %get3A_63 = vector.shape_cast %get3A_62 : vector<1x16xf32> to vector<16xf32>
        %add3A_64 = arith.constant 2 : i32
        %add3A_65 = arith.addi %mul3A_43, %add3A_64 : i32
        %add3A_66 = arith.constant 1 : i32
        %add3A_67 = arith.addi %add3A_65, %add3A_66 : i32
        %get3A_68 = arith.index_cast %add3A_67 : i32 to index
        %get3A_69 = arith.constant 0 : index
        %get3A_70 = tpu.vector_load %arg12[%get3A_68, %get3A_69] {strides = array<i32>} : memref<448x64xf32, #tpu.memory_space<vmem>>, vector<1x16xf32>,
        %get3A_71 = vector.shape_cast %get3A_70 : vector<1x16xf32> to vector<16xf32>
        %add3A_72 = arith.addf %get3A_63, %get3A_71 : vector<16xf32>
        %add3A_73 = arith.constant 2 : i32
        %add3A_74 = arith.addi %mul3A_43, %add3A_73 : i32
        %add3A_75 = arith.constant 2 : i32
        %add3A_76 = arith.addi %add3A_74, %add3A_75 : i32
        %get3A_77 = arith.index_cast %add3A_76 : i32 to index
        %get3A_78 = arith.constant 0 : index
        %get3A_79 = tpu.vector_load %arg12[%get3A_77, %get3A_78] {strides = array<i32>} : memref<448x64xf32, #tpu.memory_space<vmem>>, vector<1x16xf32>,
        %get3A_80 = vector.shape_cast %get3A_79 : vector<1x16xf32> to vector<16xf32>
        %add3A_81 = arith.addf %add3A_72, %get3A_80 : vector<16xf32>
        %add3A_82 = arith.constant 2 : i32
        %add3A_83 = arith.addi %mul3A_43, %add3A_82 : i32
        %add3A_84 = arith.constant 3 : i32
        %add3A_85 = arith.addi %add3A_83, %add3A_84 : i32
        %get3A_86 = arith.index_cast %add3A_85 : i32 to index
        %get3A_87 = arith.constant 0 : index
        %get3A_88 = tpu.vector_load %arg12[%get3A_86, %get3A_87] {strides = array<i32>} : memref<448x64xf32, #tpu.memory_space<vmem>>, vector<1x16xf32>,
        %get3A_89 = vector.shape_cast %get3A_88 : vector<1x16xf32> to vector<16xf32>
        %add3A_90 = arith.addf %add3A_81, %get3A_89 : vector<16xf32>
        %add3A_91 = arith.constant 2 : i32
        %add3A_92 = arith.addi %mul3A_43, %add3A_91 : i32
        %add3A_93 = arith.constant 4 : i32
        %add3A_94 = arith.addi %add3A_92, %add3A_93 : i32
        %get3A_95 = arith.index_cast %add3A_94 : i32 to index
        %get3A_96 = arith.constant 0 : index
        %get3A_97 = tpu.vector_load %arg12[%get3A_95, %get3A_96] {strides = array<i32>} : memref<448x64xf32, #tpu.memory_space<vmem>>, vector<1x16xf32>,
        %get3A_98 = vector.shape_cast %get3A_97 : vector<1x16xf32> to vector<16xf32>
        %add3A_99 = arith.addf %add3A_90, %get3A_98 : vector<16xf32>
        %mul3A_100 = arith.mulf %get3A_49, %add3A_99 : vector<16xf32>
        %add3A_101 = arith.addf %broadcast_in_dim3A_46, %mul3A_100 : vector<16xf32>
        %get3A_102 = arith.index_cast %mul3A_43 : i32 to index
        %get3A_103 = arith.constant 16 : index
        %get3A_104 = tpu.vector_load %arg12[%get3A_102, %get3A_103] {strides = array<i32>} : memref<448x64xf32, #tpu.memory_space<vmem>>, vector<1x16xf32>,
        %get3A_105 = vector.shape_cast %get3A_104 : vector<1x16xf32> to vector<16xf32>
        %add3A_106 = arith.constant 1 : i32
        %add3A_107 = arith.addi %mul3A_43, %add3A_106 : i32
        %get3A_108 = arith.index_cast %add3A_107 : i32 to index
        %get3A_109 = arith.constant 16 : index
        %get3A_110 = tpu.vector_load %arg12[%get3A_108, %get3A_109] {strides = array<i32>} : memref<448x64xf32, #tpu.memory_space<vmem>>, vector<1x16xf32>,
        %get3A_111 = vector.shape_cast %get3A_110 : vector<1x16xf32> to vector<16xf32>
        %mul3A_112 = arith.mulf %get3A_105, %get3A_111 : vector<16xf32>
        %add3A_113 = arith.addf %add3A_57, %mul3A_112 : vector<16xf32>
        %add3A_114 = arith.constant 2 : i32
        %add3A_115 = arith.addi %mul3A_43, %add3A_114 : i32
        %get3A_116 = arith.index_cast %add3A_115 : i32 to index
        %get3A_117 = arith.constant 16 : index
        %get3A_118 = tpu.vector_load %arg12[%get3A_116, %get3A_117] {strides = array<i32>} : memref<448x64xf32, #tpu.memory_space<vmem>>, vector<1x16xf32>,
        %get3A_119 = vector.shape_cast %get3A_118 : vector<1x16xf32> to vector<16xf32>
        %add3A_120 = arith.constant 2 : i32
        %add3A_121 = arith.addi %mul3A_43, %add3A_120 : i32
        %add3A_122 = arith.constant 1 : i32
        %add3A_123 = arith.addi %add3A_121, %add3A_122 : i32
        %get3A_124 = arith.index_cast %add3A_123 : i32 to index
        %get3A_125 = arith.constant 16 : index
        %get3A_126 = tpu.vector_load %arg12[%get3A_124, %get3A_125] {strides = array<i32>} : memref<448x64xf32, #tpu.memory_space<vmem>>, vector<1x16xf32>,
        %get3A_127 = vector.shape_cast %get3A_126 : vector<1x16xf32> to vector<16xf32>
        %add3A_128 = arith.addf %get3A_119, %get3A_127 : vector<16xf32>
        %add3A_129 = arith.constant 2 : i32
        %add3A_130 = arith.addi %mul3A_43, %add3A_129 : i32
        %add3A_131 = arith.constant 2 : i32
        %add3A_132 = arith.addi %add3A_130, %add3A_131 : i32
        %get3A_133 = arith.index_cast %add3A_132 : i32 to index
        %get3A_134 = arith.constant 16 : index
        %get3A_135 = tpu.vector_load %arg12[%get3A_133, %get3A_134] {strides = array<i32>} : memref<448x64xf32, #tpu.memory_space<vmem>>, vector<1x16xf32>,
        %get3A_136 = vector.shape_cast %get3A_135 : vector<1x16xf32> to vector<16xf32>
        %add3A_137 = arith.addf %add3A_128, %get3A_136 : vector<16xf32>
        %add3A_138 = arith.constant 2 : i32
        %add3A_139 = arith.addi %mul3A_43, %add3A_138 : i32
        %add3A_140 = arith.constant 3 : i32
        %add3A_141 = arith.addi %add3A_139, %add3A_140 : i32
        %get3A_142 = arith.index_cast %add3A_141 : i32 to index
        %get3A_143 = arith.constant 16 : index
        %get3A_144 = tpu.vector_load %arg12[%get3A_142, %get3A_143] {strides = array<i32>} : memref<448x64xf32, #tpu.memory_space<vmem>>, vector<1x16xf32>,
        %get3A_145 = vector.shape_cast %get3A_144 : vector<1x16xf32> to vector<16xf32>
        %add3A_146 = arith.addf %add3A_137, %get3A_145 : vector<16xf32>
        %add3A_147 = arith.constant 2 : i32
        %add3A_148 = arith.addi %mul3A_43, %add3A_147 : i32
        %add3A_149 = arith.constant 4 : i32
        %add3A_150 = arith.addi %add3A_148, %add3A_149 : i32
        %get3A_151 = arith.index_cast %add3A_150 : i32 to index
        %get3A_152 = arith.constant 16 : index
        %get3A_153 = tpu.vector_load %arg12[%get3A_151, %get3A_152] {strides = array<i32>} : memref<448x64xf32, #tpu.memory_space<vmem>>, vector<1x16xf32>,
        %get3A_154 = vector.shape_cast %get3A_153 : vector<1x16xf32> to vector<16xf32>
        %add3A_155 = arith.addf %add3A_146, %get3A_154 : vector<16xf32>
        %mul3A_156 = arith.mulf %get3A_105, %add3A_155 : vector<16xf32>
        %add3A_157 = arith.addf %add3A_101, %mul3A_156 : vector<16xf32>
        %get3A_158 = arith.index_cast %mul3A_43 : i32 to index
        %get3A_159 = arith.constant 32 : index
        %get3A_160 = tpu.vector_load %arg12[%get3A_158, %get3A_159] {strides = array<i32>} : memref<448x64xf32, #tpu.memory_space<vmem>>, vector<1x16xf32>,
        %get3A_161 = vector.shape_cast %get3A_160 : vector<1x16xf32> to vector<16xf32>
        %add3A_162 = arith.constant 1 : i32
        %add3A_163 = arith.addi %mul3A_43, %add3A_162 : i32
        %get3A_164 = arith.index_cast %add3A_163 : i32 to index
        %get3A_165 = arith.constant 32 : index
        %get3A_166 = tpu.vector_load %arg12[%get3A_164, %get3A_165] {strides = array<i32>} : memref<448x64xf32, #tpu.memory_space<vmem>>, vector<1x16xf32>,
        %get3A_167 = vector.shape_cast %get3A_166 : vector<1x16xf32> to vector<16xf32>
        %mul3A_168 = arith.mulf %get3A_161, %get3A_167 : vector<16xf32>
        %add3A_169 = arith.addf %add3A_113, %mul3A_168 : vector<16xf32>
        %add3A_170 = arith.constant 2 : i32
        %add3A_171 = arith.addi %mul3A_43, %add3A_170 : i32
        %get3A_172 = arith.index_cast %add3A_171 : i32 to index
        %get3A_173 = arith.constant 32 : index
        %get3A_174 = tpu.vector_load %arg12[%get3A_172, %get3A_173] {strides = array<i32>} : memref<448x64xf32, #tpu.memory_space<vmem>>, vector<1x16xf32>,
        %get3A_175 = vector.shape_cast %get3A_174 : vector<1x16xf32> to vector<16xf32>
        %add3A_176 = arith.constant 2 : i32
        %add3A_177 = arith.addi %mul3A_43, %add3A_176 : i32
        %add3A_178 = arith.constant 1 : i32
        %add3A_179 = arith.addi %add3A_177, %add3A_178 : i32
        %get3A_180 = arith.index_cast %add3A_179 : i32 to index
        %get3A_181 = arith.constant 32 : index
        %get3A_182 = tpu.vector_load %arg12[%get3A_180, %get3A_181] {strides = array<i32>} : memref<448x64xf32, #tpu.memory_space<vmem>>, vector<1x16xf32>,
        %get3A_183 = vector.shape_cast %get3A_182 : vector<1x16xf32> to vector<16xf32>
        %add3A_184 = arith.addf %get3A_175, %get3A_183 : vector<16xf32>
        %add3A_185 = arith.constant 2 : i32
        %add3A_186 = arith.addi %mul3A_43, %add3A_185 : i32
        %add3A_187 = arith.constant 2 : i32
        %add3A_188 = arith.addi %add3A_186, %add3A_187 : i32
        %get3A_189 = arith.index_cast %add3A_188 : i32 to index
        %get3A_190 = arith.constant 32 : index
        %get3A_191 = tpu.vector_load %arg12[%get3A_189, %get3A_190] {strides = array<i32>} : memref<448x64xf32, #tpu.memory_space<vmem>>, vector<1x16xf32>,
        %get3A_192 = vector.shape_cast %get3A_191 : vector<1x16xf32> to vector<16xf32>
        %add3A_193 = arith.addf %add3A_184, %get3A_192 : vector<16xf32>
        %add3A_194 = arith.constant 2 : i32
        %add3A_195 = arith.addi %mul3A_43, %add3A_194 : i32
        %add3A_196 = arith.constant 3 : i32
        %add3A_197 = arith.addi %add3A_195, %add3A_196 : i32
        %get3A_198 = arith.index_cast %add3A_197 : i32 to index
        %get3A_199 = arith.constant 32 : index
        %get3A_200 = tpu.vector_load %arg12[%get3A_198, %get3A_199] {strides = array<i32>} : memref<448x64xf32, #tpu.memory_space<vmem>>, vector<1x16xf32>,
        %get3A_201 = vector.shape_cast %get3A_200 : vector<1x16xf32> to vector<16xf32>
        %add3A_202 = arith.addf %add3A_193, %get3A_201 : vector<16xf32>
        %add3A_203 = arith.constant 2 : i32
        %add3A_204 = arith.addi %mul3A_43, %add3A_203 : i32
        %add3A_205 = arith.constant 4 : i32
        %add3A_206 = arith.addi %add3A_204, %add3A_205 : i32
        %get3A_207 = arith.index_cast %add3A_206 : i32 to index
        %get3A_208 = arith.constant 32 : index
        %get3A_209 = tpu.vector_load %arg12[%get3A_207, %get3A_208] {strides = array<i32>} : memref<448x64xf32, #tpu.memory_space<vmem>>, vector<1x16xf32>,
        %get3A_210 = vector.shape_cast %get3A_209 : vector<1x16xf32> to vector<16xf32>
        %add3A_211 = arith.addf %add3A_202, %get3A_210 : vector<16xf32>
        %mul3A_212 = arith.mulf %get3A_161, %add3A_211 : vector<16xf32>
        %add3A_213 = arith.addf %add3A_157, %mul3A_212 : vector<16xf32>
        %get3A_214 = arith.index_cast %mul3A_43 : i32 to index
        %get3A_215 = arith.constant 48 : index
        %get3A_216 = tpu.vector_load %arg12[%get3A_214, %get3A_215] {strides = array<i32>} : memref<448x64xf32, #tpu.memory_space<vmem>>, vector<1x16xf32>,
        %get3A_217 = vector.shape_cast %get3A_216 : vector<1x16xf32> to vector<16xf32>
        %add3A_218 = arith.constant 1 : i32
        %add3A_219 = arith.addi %mul3A_43, %add3A_218 : i32
        %get3A_220 = arith.index_cast %add3A_219 : i32 to index
        %get3A_221 = arith.constant 48 : index
        %get3A_222 = tpu.vector_load %arg12[%get3A_220, %get3A_221] {strides = array<i32>} : memref<448x64xf32, #tpu.memory_space<vmem>>, vector<1x16xf32>,
        %get3A_223 = vector.shape_cast %get3A_222 : vector<1x16xf32> to vector<16xf32>
        %mul3A_224 = arith.mulf %get3A_217, %get3A_223 : vector<16xf32>
        %add3A_225 = arith.addf %add3A_169, %mul3A_224 : vector<16xf32>
        %add3A_226 = arith.constant 2 : i32
        %add3A_227 = arith.addi %mul3A_43, %add3A_226 : i32
        %get3A_228 = arith.index_cast %add3A_227 : i32 to index
        %get3A_229 = arith.constant 48 : index
        %get3A_230 = tpu.vector_load %arg12[%get3A_228, %get3A_229] {strides = array<i32>} : memref<448x64xf32, #tpu.memory_space<vmem>>, vector<1x16xf32>,
        %get3A_231 = vector.shape_cast %get3A_230 : vector<1x16xf32> to vector<16xf32>
        %add3A_232 = arith.constant 2 : i32
        %add3A_233 = arith.addi %mul3A_43, %add3A_232 : i32
        %add3A_234 = arith.constant 1 : i32
        %add3A_235 = arith.addi %add3A_233, %add3A_234 : i32
        %get3A_236 = arith.index_cast %add3A_235 : i32 to index
        %get3A_237 = arith.constant 48 : index
        %get3A_238 = tpu.vector_load %arg12[%get3A_236, %get3A_237] {strides = array<i32>} : memref<448x64xf32, #tpu.memory_space<vmem>>, vector<1x16xf32>,
        %get3A_239 = vector.shape_cast %get3A_238 : vector<1x16xf32> to vector<16xf32>
        %add3A_240 = arith.addf %get3A_231, %get3A_239 : vector<16xf32>
        %add3A_241 = arith.constant 2 : i32
        %add3A_242 = arith.addi %mul3A_43, %add3A_241 : i32
        %add3A_243 = arith.constant 2 : i32
        %add3A_244 = arith.addi %add3A_242, %add3A_243 : i32
        %get3A_245 = arith.index_cast %add3A_244 : i32 to index
        %get3A_246 = arith.constant 48 : index
        %get3A_247 = tpu.vector_load %arg12[%get3A_245, %get3A_246] {strides = array<i32>} : memref<448x64xf32, #tpu.memory_space<vmem>>, vector<1x16xf32>,
        %get3A_248 = vector.shape_cast %get3A_247 : vector<1x16xf32> to vector<16xf32>
        %add3A_249 = arith.addf %add3A_240, %get3A_248 : vector<16xf32>
        %add3A_250 = arith.constant 2 : i32
        %add3A_251 = arith.addi %mul3A_43, %add3A_250 : i32
        %add3A_252 = arith.constant 3 : i32
        %add3A_253 = arith.addi %add3A_251, %add3A_252 : i32
        %get3A_254 = arith.index_cast %add3A_253 : i32 to index
        %get3A_255 = arith.constant 48 : index
        %get3A_256 = tpu.vector_load %arg12[%get3A_254, %get3A_255] {strides = array<i32>} : memref<448x64xf32, #tpu.memory_space<vmem>>, vector<1x16xf32>,
        %get3A_257 = vector.shape_cast %get3A_256 : vector<1x16xf32> to vector<16xf32>
        %add3A_258 = arith.addf %add3A_249, %get3A_257 : vector<16xf32>
        %add3A_259 = arith.constant 2 : i32
        %add3A_260 = arith.addi %mul3A_43, %add3A_259 : i32
        %add3A_261 = arith.constant 4 : i32
        %add3A_262 = arith.addi %add3A_260, %add3A_261 : i32
        %get3A_263 = arith.index_cast %add3A_262 : i32 to index
        %get3A_264 = arith.constant 48 : index
        %get3A_265 = tpu.vector_load %arg12[%get3A_263, %get3A_264] {strides = array<i32>} : memref<448x64xf32, #tpu.memory_space<vmem>>, vector<1x16xf32>,
        %get3A_266 = vector.shape_cast %get3A_265 : vector<1x16xf32> to vector<16xf32>
        %add3A_267 = arith.addf %add3A_258, %get3A_266 : vector<16xf32>
        %mul3A_268 = arith.mulf %get3A_217, %add3A_267 : vector<16xf32>
        %add3A_269 = arith.addf %add3A_213, %mul3A_268 : vector<16xf32>
        %mul3A_270 = arith.constant 64 : i32
        %mul3A_271 = arith.muli %scan3A_13, %mul3A_270 : i32
        %add3A_272 = arith.addi %mul3A_271, %scan3A_40 : i32
        %mul3A_273 = arith.constant 16 : i32
        %mul3A_274 = arith.muli %add3A_272, %mul3A_273 : i32
        %swap3A = arith.index_cast %mul3A_274 : i32 to index
        %swap3A_275 = tpu.vector_load %arg13[%swap3A] {strides = array<i32>} : memref<8192xf32, #tpu.memory_space<vmem>>, vector<16xf32>,
        %swap3A_276 = vector.shape_cast %swap3A_275 : vector<16xf32> to vector<16xf32>
        %swap3A_277 = vector.shape_cast %add3A_225 : vector<16xf32> to vector<16xf32>
        tpu.vector_store %arg13[%swap3A], %swap3A_277 {strides = array<i32>} : memref<8192xf32, #tpu.memory_space<vmem>>, vector<16xf32>,
        %mul3A_278 = arith.constant 64 : i32
        %mul3A_279 = arith.muli %scan3A_13, %mul3A_278 : i32
        %add3A_280 = arith.addi %mul3A_279, %scan3A_40 : i32
        %mul3A_281 = arith.constant 16 : i32
        %mul3A_282 = arith.muli %add3A_280, %mul3A_281 : i32
        %swap3A_283 = arith.index_cast %mul3A_282 : i32 to index
        %swap3A_284 = tpu.vector_load %arg14[%swap3A_283] {strides = array<i32>} : memref<8192xf32, #tpu.memory_space<vmem>>, vector<16xf32>,
        %swap3A_285 = vector.shape_cast %swap3A_284 : vector<16xf32> to vector<16xf32>
        %swap3A_286 = vector.shape_cast %add3A_269 : vector<16xf32> to vector<16xf32>
        tpu.vector_store %arg14[%swap3A_283], %swap3A_286 {strides = array<i32>} : memref<8192xf32, #tpu.memory_space<vmem>>, vector<16xf32>,
        %scan3A_287 = arith.constant 0 : i32
        scf.yield %scan3A_287 : i32
      }
      %scan3A_38 = arith.constant 64 : i32
      %scan3A_39 = arith.constant 0 : i32
      scf.yield %scan3A_39 : i32
    }
    %scan3A_8 = arith.constant 8 : i32
    %mul3A_9 = arith.constant 16 : i32
    %mul3A_10 = arith.muli %mul3A_2, %mul3A_9 : i32
    "tpu.region"() ({
      %run_scoped3A = tpu.sem_alloc : memref<!tpu.dma_semaphore, #tpu.memory_space<semaphore_mem>>
      %dma_start3A = tpu.memref_slice %arg7[%mul3A_10] : memref<262144xf32, #tpu.memory_space<hbm>> -> memref<8192xf32, #tpu.memory_space<hbm>>
      %dma_start3A_13 = tpu.memref_slice %arg7[%mul3A_10] : memref<262144xf32, #tpu.memory_space<hbm>> -> memref<8192xf32, #tpu.memory_space<hbm>>
      tpu.enqueue_dma source(%arg13 : memref<8192xf32, #tpu.memory_space<vmem>>) target(%dma_start3A_13 : memref<8192xf32, #tpu.memory_space<hbm>>) target_semaphore(%run_scoped3A : memref<!tpu.dma_semaphore, #tpu.memory_space<semaphore_mem>>)
      %dma_wait3A = tpu.memref_slice %arg7[%mul3A_10] : memref<262144xf32, #tpu.memory_space<hbm>> -> memref<8192xf32, #tpu.memory_space<hbm>>
      %dma_wait3A_14 = tpu.memref_slice %arg7[%mul3A_10] : memref<262144xf32, #tpu.memory_space<hbm>> -> memref<8192xf32, #tpu.memory_space<hbm>>
      tpu.wait_dma2 semaphore(%run_scoped3A : memref<!tpu.dma_semaphore, #tpu.memory_space<semaphore_mem>>) src(%arg13 : memref<8192xf32, #tpu.memory_space<vmem>>) dst(%dma_wait3A_14 : memref<8192xf32, #tpu.memory_space<hbm>>)
      tpu.yield
    }) : () -> ()
    %mul3A_11 = arith.constant 16 : i32
    %mul3A_12 = arith.muli %mul3A_2, %mul3A_11 : i32
    "tpu.region"() ({
      %run_scoped3A = tpu.sem_alloc : memref<!tpu.dma_semaphore, #tpu.memory_space<semaphore_mem>>
      %dma_start3A = tpu.memref_slice %arg8[%mul3A_12] : memref<262144xf32, #tpu.memory_space<hbm>> -> memref<8192xf32, #tpu.memory_space<hbm>>
      %dma_start3A_13 = tpu.memref_slice %arg8[%mul3A_12] : memref<262144xf32, #tpu.memory_space<hbm>> -> memref<8192xf32, #tpu.memory_space<hbm>>
      tpu.enqueue_dma source(%arg14 : memref<8192xf32, #tpu.memory_space<vmem>>) target(%dma_start3A_13 : memref<8192xf32, #tpu.memory_space<hbm>>) target_semaphore(%run_scoped3A : memref<!tpu.dma_semaphore, #tpu.memory_space<semaphore_mem>>)
      %dma_wait3A = tpu.memref_slice %arg8[%mul3A_12] : memref<262144xf32, #tpu.memory_space<hbm>> -> memref<8192xf32, #tpu.memory_space<hbm>>
      %dma_wait3A_14 = tpu.memref_slice %arg8[%mul3A_12] : memref<262144xf32, #tpu.memory_space<hbm>> -> memref<8192xf32, #tpu.memory_space<hbm>>
      tpu.wait_dma2 semaphore(%run_scoped3A : memref<!tpu.dma_semaphore, #tpu.memory_space<semaphore_mem>>) src(%arg14 : memref<8192xf32, #tpu.memory_space<vmem>>) dst(%dma_wait3A_14 : memref<8192xf32, #tpu.memory_space<hbm>>)
      tpu.yield
    }) : () -> ()
    return
  }
}

module attributes {stable_mosaic.version = 14 : i64} {
  func.func @_tc_loss_body(%arg0: memref<2048x128xf32, #tpu.memory_space<vmem>>, %arg1: memref<2048x128xf32, #tpu.memory_space<vmem>>, %arg2: memref<1x1xf32, #tpu.memory_space<smem>>) attributes {dimension_semantics = [], scalar_prefetch = 0 : i64, scratch_operands = 0 : i64, tpu.core_type = #tpu.core_type<tc>} {
    %get3A = arith.constant 0 : index
    %get3A_0 = arith.constant 0 : index
    %get3A_1 = vector.load %arg0[%get3A, %get3A_0] : memref<2048x128xf32, #tpu.memory_space<vmem>>, vector<2048x128xf32>
    %reshape3A = vector.shape_cast %get3A_1 : vector<2048x128xf32> to vector<2048x8x16xf32>
    %reduce_sum3A = arith.constant dense<0.000000e+00> : vector<2048x8xf32>
    %reduce_sum3A_2 = vector.multi_reduction <add>, %reshape3A, %reduce_sum3A [2] : vector<2048x8x16xf32> to vector<2048x8xf32>
    %get3A_3 = arith.constant 0 : index
    %get3A_4 = arith.constant 0 : index
    %get3A_5 = vector.load %arg1[%get3A_3, %get3A_4] : memref<2048x128xf32, #tpu.memory_space<vmem>>, vector<2048x128xf32>
    %reshape3A_6 = vector.shape_cast %get3A_5 : vector<2048x128xf32> to vector<2048x8x16xf32>
    %reduce_sum3A_7 = arith.constant dense<0.000000e+00> : vector<2048x8xf32>
    %reduce_sum3A_8 = vector.multi_reduction <add>, %reshape3A_6, %reduce_sum3A_7 [2] : vector<2048x8x16xf32> to vector<2048x8xf32>
    %min3A = arith.constant 0.000000e+00 : f32
    %min3A_9 = vector.broadcast %min3A : f32 to vector<2048x8xf32>
    %min3A_10 = arith.minimumf %reduce_sum3A_2, %min3A_9 : vector<2048x8xf32>
    %abs3A = math.absf %reduce_sum3A_2 : vector<2048x8xf32>
    %neg3A = arith.constant 0.000000e+00 : f32
    %neg3A_11 = vector.broadcast %neg3A : f32 to vector<2048x8xf32>
    %neg3A_12 = arith.subf %neg3A_11, %abs3A : vector<2048x8xf32>
    %exp3A = math.exp %neg3A_12 : vector<2048x8xf32>
    %log1p3A = math.log1p %exp3A : vector<2048x8xf32>
    %sub3A = arith.subf %min3A_10, %log1p3A : vector<2048x8xf32>
    %reduce_sum3A_13 = vector.shape_cast %sub3A : vector<2048x8xf32> to vector<1x2048x8xf32>
    %reduce_sum3A_14 = arith.constant dense<0.000000e+00> : vector<1xf32>
    %reduce_sum3A_15 = vector.multi_reduction <add>, %reduce_sum3A_13, %reduce_sum3A_14 [1, 2] : vector<1x2048x8xf32> to vector<1xf32>
    %reduce_sum3A_16 = vector.shape_cast %reduce_sum3A_15 : vector<1xf32> to vector<1x1x1xf32>
    %reduce_sum3A_17 = vector.extract %reduce_sum3A_16[0, 0, 0] : f32 from vector<1x1x1xf32>
    %neg3A_18 = arith.constant 0.000000e+00 : f32
    %neg3A_19 = vector.broadcast %neg3A_18 : f32 to vector<2048x8xf32>
    %neg3A_20 = arith.subf %neg3A_19, %reduce_sum3A_8 : vector<2048x8xf32>
    %min3A_21 = arith.constant 0.000000e+00 : f32
    %min3A_22 = vector.broadcast %min3A_21 : f32 to vector<2048x8xf32>
    %min3A_23 = arith.minimumf %neg3A_20, %min3A_22 : vector<2048x8xf32>
    %abs3A_24 = math.absf %neg3A_20 : vector<2048x8xf32>
    %neg3A_25 = arith.constant 0.000000e+00 : f32
    %neg3A_26 = vector.broadcast %neg3A_25 : f32 to vector<2048x8xf32>
    %neg3A_27 = arith.subf %neg3A_26, %abs3A_24 : vector<2048x8xf32>
    %exp3A_28 = math.exp %neg3A_27 : vector<2048x8xf32>
    %log1p3A_29 = math.log1p %exp3A_28 : vector<2048x8xf32>
    %sub3A_30 = arith.subf %min3A_23, %log1p3A_29 : vector<2048x8xf32>
    %reduce_sum3A_31 = vector.shape_cast %sub3A_30 : vector<2048x8xf32> to vector<1x2048x8xf32>
    %reduce_sum3A_32 = arith.constant dense<0.000000e+00> : vector<1xf32>
    %reduce_sum3A_33 = vector.multi_reduction <add>, %reduce_sum3A_31, %reduce_sum3A_32 [1, 2] : vector<1x2048x8xf32> to vector<1xf32>
    %reduce_sum3A_34 = vector.shape_cast %reduce_sum3A_33 : vector<1xf32> to vector<1x1x1xf32>
    %reduce_sum3A_35 = vector.extract %reduce_sum3A_34[0, 0, 0] : f32 from vector<1x1x1xf32>
    %add3A = arith.addf %reduce_sum3A_17, %reduce_sum3A_35 : f32
    %neg3A_36 = arith.constant 0.000000e+00 : f32
    %neg3A_37 = arith.subf %neg3A_36, %add3A : f32
    %swap3A = arith.constant 0 : index
    %swap3A_38 = arith.constant 0 : index
    %swap3A_39 = memref.load %arg2[%swap3A, %swap3A_38] : memref<1x1xf32, #tpu.memory_space<smem>>
    memref.store %neg3A_37, %arg2[%swap3A, %swap3A_38] : memref<1x1xf32, #tpu.memory_space<smem>>
    return
  }
}

</mosaic_0001>

<sc_bundles>
// kernel: kernel.4.cloned.1.call-start
scs
__scs_entry_jumppad:
0x0: {  	(pc) =	sbr.rel $0x88, $3  }
0x1: {  	(tag) =	ssettag $0x0;
	lr =	simm.s32 $0x1  }
0x2: {  	[smem:$0x3F9C] =	sst lr;
	_ =	strace $0xD0000000  }
0x3: {  	_ = 	snop  }
0x4: {  	_ = 	snop  }
0x5: {  	_ = 	snop  }
0x6: {  	_ = 	snop  }
0x7: {  	_ = 	snop  }
__scs_overlays_trampoline_lowered:
0x8: {  	[smem:$0x3FAB] =	sst s0  }
0x9: {  	[smem:$0x3FAC] =	sst s1  }
0xa: {  	[smem:$0x3FAD] =	sst s2  }
0xb: {  	[smem:$0x3FAE] =	sst s3  }
0xc: {  	[smem:$0x3FAF] =	sst s4  }
0xd: {  	[smem:$0x3FB0] =	sst s5  }
0xe: {  	[smem:$0x3FB1] =	sst s6  }
0xf: {  	[smem:$0x3FB2] =	sst s7  }
0x10: {  	[smem:$0x3FB3] =	sst s8  }
0x11: {  	[smem:$0x3FB4] =	sst s9;
	s0 =	simm.s32 @!p0 $0x0  }
0x12: {  	s1 =	sld [smem:$0x3F9A];
	s0 =	simm.s32 @p0 $0x1  }
0x13: {  	[smem:$0x3FB5] =	sst s0;
	s0 =	simm.s32 @!p1 $0x0  }
0x14: {  	s2 =	sld [smem:$0x3F99];
	s0 =	simm.s32 @p1 $0x1  }
0x15: {  	[smem:$0x3FB6] =	sst s0;
	s0 =	simm.s32 @!p2 $0x0  }
0x16: {  	s3 =	sld [smem:$0x3FDB];
	s0 =	simm.s32 @p2 $0x1  }
0x17: {  	s4 =	simm.s32 $0x1BF5;
	[smem:$0x3FB8] =	sst s0  }
0x18: {  	s0 =	sld [smem:$0x3F9B];
	_ =	swait.ge [sflag:s4], $0x0  }
0x19: {  	s7 =	sld [smem:$0x3F9C]  }
0x1a: {  	s8 =	sadd.s32 $0xFFFFE003, lr  }
0x1b: {  	s9 =	sadd.s32 $0xFFFFFEF7, lr;
	s5 =	simm.s32 $0xFFFFFFFF;
	p2 =	slt.u32 s8, $0xFFFFF086  }
0x1c: {  	p1 =	slt.u32 s9, $0xF7A;
	s5 =	simm.s32 @!p2 $0x0  }
0x1d: {  	s5 =	simm.s32 @p1 $0x1;
	p0 =	seq.s32 s7, s2  }
0x1e: {  	s7 =	smul.u32 @!p0 $0xF7A, s2;
	p2 =	seq.s32 @!p0 s5, $0x0  }
0x1f: {  	s9 =	smul.u32 $0xF7A, s1;
	s8 =	simm.s32 @!p0 $0x1BF5;
	p2 =	por !p2, p0  }
0x20: {  	[sflag:s8] =	ssyncset.s32 @!p0 $0xFFFFF086;
	s6 =	sadd.s32 @!p0 s3, s7;
	s7 =	simm.s32 @!p0 $0x108  }
0x21: {  	s3 =	sadd.s32 s3, s9;
	s6 =	sadd.s32 @!p0 $0x88, s6;
	s7 =	simm.s32 @p2 $0x1082  }
0x22: {  	[simem:s7], [sflag:s8] =	dma.local @!p0 [hbm:s6], $0xF7A  }
0x23: {  	s9 =	sor.u32 $0xD0000000, s2;
	s6 =	simm.s32 $0x108;
	_ =	swait.ge @!p0 [sflag:s8], $0x0  }
0x24: {  	s3 =	sadd.s32 $0x88, s3;
	s6 =	simm.s32 @!p1 $0x1082;
	[sflag:s4] =	ssyncset.s32 $0xFFFFF086  }
0x25: {  	[simem:s6], [sflag:s4] =	dma.local [hbm:s3], $0xF7A  }
0x26: {  	[smem:$0x3F9C] =	sst s1;
	(tag) =	ssettag s2;
	_ =	strace s9  }
0x27: {  	s1 =	sld [smem:$0x3FAC]  }
0x28: {  	s2 =	sld [smem:$0x3FAD]  }
0x29: {  	s4 =	sld [smem:$0x3FAF]  }
0x2a: {  	p0 =	seq.s32 s5, $0x0;
	s5 =	sld [smem:$0x3FB0]  }
0x2b: {  	s6 =	sld [smem:$0x3FB1]  }
0x2c: {  	s7 =	sld [smem:$0x3FB2]  }
0x2d: {  	s3 =	simm.s32 $0x108;
	s8 =	sld [smem:$0x3FB3]  }
0x2e: {  	s3 =	simm.s32 @!p0 $0x1082;
	s9 =	sld [smem:$0x3FB4]  }
0x2f: {  	lr =	sadd.s32 s0, s3;
	s0 =	sld [smem:$0x3FAB]  }
0x30: {  	s3 =	sld [smem:$0x3FAE]  }
0x31: {  	[smem:$0x3FB7] =	sst s10  }
0x32: {  	s10 =	sld [smem:$0x3FB5];
	_ =	sdelay $0x3  }
0x33: {  	p0 =	seq.s32 s10, $0x1;
	s10 =	sld [smem:$0x3FB7];
	_ =	sdelay $0x3  }
0x34: {  	[smem:$0x3FB7] =	sst s10  }
0x35: {  	s10 =	sld [smem:$0x3FB6];
	_ =	sdelay $0x3  }
0x36: {  	p1 =	seq.s32 s10, $0x1;
	s10 =	sld [smem:$0x3FB7];
	_ =	sdelay $0x3  }
0x37: {  	[smem:$0x3FB7] =	sst s10  }
0x38: {  	s10 =	sld [smem:$0x3FB8]  }
0x39: {  	_ = 	snop;
	(pc) =	sbr.ind lr, $3  }
0x3a: {  	_ = 	snop  }
0x3b: {  	_ = 	snop  }
0x3c: {  	p2 =	seq.s32 s10, $0x1;
	s10 =	sld [smem:$0x3FB7]  }
0x3d: {  	_ =	shalt  }
0x3e: {  	_ =	shalt  }
0x3f: {  	_ =	shalt  }
0x40: {  	_ =	shalt  }
0x41: {  	_ =	shalt  }
0x42: {  	_ =	shalt  }
0x43: {  	_ =	shalt  }
0x44: {  	_ =	shalt  }
0x45: {  	_ =	shalt  }
0x46: {  	_ =	shalt  }
0x47: {  	_ =	shalt  }
0x48: {  	_ =	shalt  }
0x49: {  	_ =	shalt  }
0x4a: {  	_ =	shalt  }
0x4b: {  	_ =	shalt  }
0x4c: {  	_ =	shalt  }
0x4d: {  	_ =	shalt  }
0x4e: {  	_ =	shalt  }
0x4f: {  	_ =	shalt  }
0x50: {  	_ =	shalt  }
0x51: {  	_ =	shalt  }
0x52: {  	_ =	shalt  }
0x53: {  	_ =	shalt  }
0x54: {  	_ =	shalt  }
0x55: {  	_ =	shalt  }
0x56: {  	_ =	shalt  }
0x57: {  	_ =	shalt  }
0x58: {  	_ =	shalt  }
0x59: {  	_ =	shalt  }
0x5a: {  	_ =	shalt  }
0x5b: {  	_ =	shalt  }
0x5c: {  	_ =	shalt  }
0x5d: {  	_ =	shalt  }
0x5e: {  	_ =	shalt  }
0x5f: {  	_ =	shalt  }
0x60: {  	_ =	shalt  }
0x61: {  	_ =	shalt  }
0x62: {  	_ =	shalt  }
0x63: {  	_ =	shalt  }
0x64: {  	_ =	shalt  }
0x65: {  	_ =	shalt  }
0x66: {  	_ =	shalt  }
0x67: {  	_ =	shalt  }
0x68: {  	_ =	shalt  }
0x69: {  	_ =	shalt  }
0x6a: {  	_ =	shalt  }
0x6b: {  	_ =	shalt  }
0x6c: {  	_ =	shalt  }
0x6d: {  	_ =	shalt  }
0x6e: {  	_ =	shalt  }
0x6f: {  	_ =	shalt  }
0x70: {  	_ =	shalt  }
0x71: {  	_ =	shalt  }
0x72: {  	_ =	shalt  }
0x73: {  	_ =	shalt  }
0x74: {  	_ =	shalt  }
0x75: {  	_ =	shalt  }
0x76: {  	_ =	shalt  }
0x77: {  	_ =	shalt  }
0x78: {  	_ =	shalt  }
0x79: {  	_ =	shalt  }
0x7a: {  	_ =	shalt  }
0x7b: {  	_ =	shalt  }
0x7c: {  	_ =	shalt  }
0x7d: {  	_ =	shalt  }
0x7e: {  	_ =	shalt  }
0x7f: {  	_ =	shalt  }
0x80: {  	_ =	shalt  }
0x81: {  	_ =	shalt  }
0x82: {  	_ =	shalt  }
0x83: {  	_ =	shalt  }
0x84: {  	_ =	shalt  }
0x85: {  	_ =	shalt  }
0x86: {  	_ =	shalt  }
0x87: {  	_ =	shalt  }
.Lfunc_end0:
.L_simem_size_0:
called_computation_lowered:
.L_overlay_start_0:
0x88: {  	s2 =	sld [smem:$0x3FD9]  }
0x89: {  	s3 =	sld [smem:$0x3FFE];
	_ =	sdelay $0x1  }
0x8a: {  	s1 =	srdreg.scid  }
0x8b: {  	s0 =	sand.u32 $0x1, s1  }
0x8c: {  	s17 =	sshll.u32 s0, $0xA;
	s2 =	sadd.s32 s3, s2  }
0x8d: {  	s2 =	sadd.s32 s2, s17  }
0x8e: {  	[smem:$0x3FC3] =	sst s2  }
0x8f: {  	_ = 	snop  }
0x90: {  	s2 =	sld [smem:$0x3FC9]  }
0x91: {  	s18 =	sld [smem:$0x3FC8];
	(tm) =	ssettm $0x1  }
0x92: {  	s4 =	sld [smem:$0x3FFB];
	_ =	sdelay $0x3  }
0x93: {  	_ =	strace s4  }
0x94: {  	s4 =	sld [smem:$0x3FFC];
	_ =	sdelay $0x3  }
0x95: {  	_ =	strace s4  }
0x96: {  	s4 =	sld [smem:$0x3FFD];
	_ =	sdelay $0x3  }
0x97: {  	_ =	strace s4  }
0x98: {  	_ =	strace $0x8FFFFFFF  }
0x99: {  	s19 =	sld [smem:$0x3FDB];
	_ =	sdelay $0x1  }
0x9a: {  	s5 =	simm.s32 $_scs_section_size  }
0x9b: {  	s6 =	simm.s32 $_size__tile_overlayer_lowered;
	s7 =	simm.s32 $_tile_overlayer_lowered  }
0x9c: {  	s22 =	simm.s32 $0x1BFF;
	s21 =	sshll.u32 s7, $0x1;
	s4 =	sadd.s32 s5, s19  }
0x9d: {  	s8 =	simm.s32 $0x0;
	s20 =	sshll.u32 s6, $0x1;
	s6 =	sadd.s32 s21, s4  }
0x9e: {  	[timem:s8], [sflag:s22] =	dma.local [hbm:s6], s20  }
0x9f: {  	_ =	swait.ge [sflag:s22], s20  }
0xa0: {  	s5 =	ssub.s32 $0x0, s20;
	[sflag:s22] =	ssyncset.done $0x0  }
0xa1: {  	[sflag:s22] =	ssyncadd.s32 s5;
	_ =	sdelay $0x1  }
0xa2: {  	s23 =	simm.s32 $0x1B8B  }
0xa3: {  	_ =	swait.ge [sflag:s23], $0x1  }
0xa4: {  	[sflag:s23] =	ssyncset.done $0x0  }
0xa5: {  	s25 =	simm.s32 $0x1B8E;
	s24 =	sld [smem:$0x3FFE];
	[sflag:s23] =	ssyncadd.s32 $0xFFFFFFFF  }
0xa6: {  	s26 =	simm.s32 $execute0_lowered;
	[smem:$0x3FD2] =	sst s25  }
0xa7: {  	s6 =	sshll.u32 s26, $0x1;
	_ =	strace $0x80000046;
	[dreg:$0x1] =	wrdreg $0xFFFFFFFF  }
0xa8: {  	s28 =	simm.s32 $_size_execute0_lowered;
	s4 =	sadd.s32 s4, s6;
	[dreg:$0x0] =	wrdreg $0x0  }
0xa9: {  	s6 =	sshll.u32 s28, $0x1;
	[dreg:$0x2] =	wrdreg s4  }
0xaa: {  	[dreg:$0x3] =	wrdreg s6  }
0xab: {  	[dreg:$0x4] =	wrdreg $0xC0  }
0xac: {  	_ =	task [dreg:s8], $0x5FFFF  }
0xad: {  	[dreg:$0x1] =	wrdreg $0xFFFFFFFF  }
0xae: {  	[dreg:$0x0] =	wrdreg $0x60  }
0xaf: {  	[dreg:$0x2] =	wrdreg s2  }
0xb0: {  	[dreg:$0x3] =	wrdreg s18  }
0xb1: {  	[dreg:$0x4] =	wrdreg s24  }
0xb2: {  	[dreg:$0x5] =	wrdreg $0x9  }
0xb3: {  	_ =	task.clear_ibuf [dreg:s8], $0x6FFFF;
	_ =	strace $0x90000046  }
0xb4: {  	s29 =	simm.s32 $0x9;
	_ =	strace $0x80000048  }
0xb5: {  	_ =	swait.ge [sflag:s29], $0x1  }
0xb6: {  	[sflag:s29] =	ssyncadd.s32 $0xFFFFFFFF  }
0xb7: {  	_ =	strace $0x90000048  }
0xb8: {  	_ =	sfence  }
0xb9: {  	s30 =	sld [smem:$0x0];
	_ =	sdelay $0x2  }
0xba: {  	s31 =	sshll.u32 s1, $0xD;
	s1 =	sshrl.u32 s1, $0x2  }
0xbb: {  	s3 =	sand.u32 $0x4000, s31;
	s1 =	sadd.s32 s1, s30  }
0xbc: {  	s0 =	sor.u32 s3, s0;
	s1 =	sshll.u32 s1, $0x11  }
0xbd: {  	s0 =	sor.u32 s1, s0  }
0xbe: {  	s0 =	sadd.s32 $0x8F2B, s0  }
0xbf: {  	[sflag:s0] =	ssyncadd.remote.s32 $0x1  }
0xc0: {  	_ =	sfence.sel $0xFFFF  }
0xc1: {  	[dreg:$0x0] =	wrdreg $0xFFFFFFFF;
	(pc) =	sbr.abs _section_cstart, $3  }
0xc2: {  	[dreg:$0x1] =	wrdreg $0xFFFFFFFF  }
0xc3: {  	_ =	task.clear_ibuf [dreg:s8], $0x2FFFF;
	_ =	strace $0x9FFFFFFF  }
0xc4: {  	(tm) =	ssettm $0x7FFFFFFF  }
0xc5: {  	_ =	shalt  }
tec
execute0_lowered:
.L_overlay_start_1:
0x0: {  	(tag) =	ssettag $0x1  }
0x1: {  	s1 =	rddreg [dreg:$0x0]  }
0x2: {  	s2 =	rddreg [dreg:$0x1]  }
0x3: {  	s8 =	rddreg [dreg:$0x2]  }
0x4: {  	s0 =	rddreg [dreg:$0x3];
	s4 =	simm.s32 $0x0;
	s6 =	srdreg.scid  }
0x5: {  	s3 =	stileid.u32;
	s13 =	simm.s32 $0x100;
	s14 =	simm.s32 $0x1  }
0x6: {  	s15 =	simm.s32 $0xE280;
	s16 =	simm.s32 $0x10280;
	s17 =	simm.s32 $0x0  }
0x7: {  	[smem:$0x7FF] =	sst s4;
	s7 =	sand.u32 $0x1, s6;
	s9 =	sshll.u32 s3, $0x1  }
0x8: {  	s5 =	sadd.s32 $0xC00, s8;
	s6 =	sadd.s32 $0x3400, s8;
	s9 =	sor.u32 s7, s9  }
0x9: {  	_ =	strace $0x80000047;
	s10 =	ssub.s32 $0x2, s7;
	s11 =	sshll.u32 s9, $0xA  }
0xa: {  	s7 =	sadd.s32 $0xF45800, s8;
	s12 =	sshrl.u32 s10, $0x1;
	s11 =	sadd.s32 s11, s8  }
0xb: {  	s12 =	ssub.s32 s10, s12;
	s8 =	sshll.u32 s9, $0x9;
	s9 =	sadd.s32 $0x1E87C00, s11  }
0xc: {  	s10 =	sadd.s32 $0x1E8FC00, s11;
	s11 =	smax.u32 s12, $0x1;
	s12 =	simm.s32 $0x2  }
.LBB2_1:
0xd: {  	s18 =	simm.s32 $0x10280;
	s19 =	simm.s32 $0xE280;
	s20 =	simm.s32 $0x0  }
.LBB2_2:
0xe: {  	s21 =	sshll.u32 s20, $0x6  }
0xf: {  	s23 =	sadd.s32 s8, s21  }
0x10: {  	s22 =	sshrl.u32 s23, $0x3  }
0x11: {  	s21 =	simm.s32 $0x0;
	s24 =	sadd.s32 s1, s22  }
0x12: {  	[tilespmem:s21], [sflag:$0x2] =	stream.linear.gather [hbm4b:s24+s21], $0x40, $0x38;
	[tilespmem:$0x12280] =	vst v63  }
0x13: {  	_ =	swait.ge [sflag:s12], $0x40  }
0x14: {  	s23 =	smul.u32 $0x5, s23;
	[sflag:s12] =	ssyncset.done $0x0  }
0x15: {  	s31 =	sadd.s32 s2, s22;
	s22 =	simm.s32 $0x80;
	[sflag:s12] =	ssyncadd.s32 $0xFFFFFFC0  }
0x16: {  	[tilespmem:s22], [sflag:$0x2] =	stream.linear.gather [hbm4b:s31+s21], $0x40, $0x38;
	[tilespmem:$0x12280] =	vst v63  }
0x17: {  	_ =	swait.ge [sflag:s12], $0x40  }
0x18: {  	s23 =	sshrl.u32 s23, $0x3;
	[sflag:s12] =	ssyncset.done $0x0  }
0x19: {  	s23 =	sadd.s32 s5, s23;
	[sflag:s12] =	ssyncadd.s32 $0xFFFFFFC0  }
0x1a: {  	[tilespmem:s13], [sflag:$0x2] =	stream.linear.gather [hbm4b:s23+s21], $0x140, $0x38;
	[tilespmem:$0x12280] =	vst v63  }
0x1b: {  	_ =	swait.ge [sflag:s12], $0x140  }
0x1c: {  	[sflag:s12] =	ssyncset.done $0x0  }
0x1d: {  	s24 =	simm.s32 $0x0;
	s23 =	simm.s32 $0x120;
	[sflag:s12] =	ssyncadd.s32 $0xFFFFFEC0  }
.LBB2_3:
0x1e: {  	v0 =	vld [tilespmem:s21+$0x0];
	_ =	sdelay $0x1  }
0x1f: {  	v2 =	vld [tilespmem:s22+$0x0];
	_ =	sdelay $0x2  }
0x20: {  	v3 =	vld [tilespmem:s23+$0xFFFFFFE0];
	v1 =	vshll.u32 v0, $0x4  }
0x21: {  	(v2sf) =	vpush v1, $0x0  }
0x22: {  	v60 =	vshll.u32 v2, $0x4  }
0x23: {  	(v2sf) =	vpush v60, $0x0;
	_ =	sdelay $0x1  }
0x24: {  	v5 =	vshll.u32 v3, $0x4  }
0x25: {  	(v2sf) =	vpush v5, $0x0;
	_ =	sdelay $0x1  }
0x26: {  	(v2sf) =	vpush v5, $0x1;
	_ =	sdelay $0x7  }
0x27: {  	s26 =	spop (v2sf);
	(v2sf) =	vpush v5, $0x2  }
0x28: {  	v6 =	vld [tilespmem:s23+$0xFFFFFFF0]  }
0x29: {  	v4 =	vld [tilespmem:s23+$0x0];
	s25 =	sshra.s32 s24, $0x2;
	s26 =	sand.u32 $0x1FFFFFF0, s26;
	s30 =	spop (v2sf);
	(v2sf) =	vpush v5, $0x3  }
0x2a: {  	v61 =	vld [tilespmem:s23+$0x10];
	s28 =	sadd.s32 $0x280, s25;
	s26 =	sadd.s32 s6, s26  }
0x2b: {  	v62 =	vld [tilespmem:s23+$0x20];
	[tilespmem:s28], [sflag:$0x1] =	stream.linear.gather [hbm4b:s26+s4], $0x80, $0x38  }
0x2c: {  	s28 =	spop (v2sf);
	(v2sf) =	vpush v5, $0x4;
	_ =	sdelay $0x1  }
0x2d: {  	s26 =	sand.u32 $0x1FFFFFF0, s30;
	s30 =	spop (v2sf);
	(v2sf) =	vpush v1, $0x1;
	_ =	sdelay $0x2  }
0x2e: {  	s31 =	sadd.s32 $0x300, s25;
	s26 =	sadd.s32 s7, s26  }
0x2f: {  	[tilespmem:s31], [sflag:$0x1] =	stream.linear.gather [hbm4b:s26+s4], $0x80, $0x38;
	[tilespmem:$0x12280] =	vst v63  }
0x30: {  	s26 =	sand.u32 $0x1FFFFFF0, s28  }
0x31: {  	s29 =	sadd.s32 $0x380, s25;
	s26 =	sadd.s32 s7, s26  }
0x32: {  	[tilespmem:s29], [sflag:$0x1] =	stream.linear.gather [hbm4b:s26+s4], $0x80, $0x38;
	[tilespmem:$0x12280] =	vst v63  }
0x33: {  	s28 =	spop (v2sf);
	(v2sf) =	vpush v60, $0x1  }
0x34: {  	s26 =	sand.u32 $0x1FFFFFF0, s30  }
0x35: {  	s31 =	sadd.s32 $0x400, s25;
	s26 =	sadd.s32 s7, s26;
	s30 =	spop (v2sf);
	(v2sf) =	vpush v5, $0x5  }
0x36: {  	[tilespmem:s31], [sflag:$0x1] =	stream.linear.gather [hbm4b:s26+s4], $0x80, $0x38;
	[tilespmem:$0x12280] =	vst v63  }
0x37: {  	s26 =	sand.u32 $0x1FFFFFF0, s28  }
0x38: {  	s29 =	sadd.s32 $0x480, s25;
	s26 =	sadd.s32 s7, s26;
	s28 =	spop (v2sf);
	(v2sf) =	vpush v5, $0x6  }
0x39: {  	[tilespmem:s29], [sflag:$0x1] =	stream.linear.gather [hbm4b:s26+s4], $0x80, $0x38;
	[tilespmem:$0x12280] =	vst v63  }
0x3a: {  	s26 =	sand.u32 $0x1FFFFFF0, s30;
	s30 =	spop (v2sf);
	(v2sf) =	vpush v5, $0x7;
	_ =	sdelay $0x2  }
0x3b: {  	s31 =	sadd.s32 $0x500, s25;
	s26 =	sadd.s32 s7, s26  }
0x3c: {  	[tilespmem:s31], [sflag:$0x1] =	stream.linear.gather [hbm4b:s26+s4], $0x80, $0x38;
	[tilespmem:$0x12280] =	vst v63  }
0x3d: {  	s26 =	sand.u32 $0x1FFFFFF0, s28  }
0x3e: {  	s29 =	sadd.s32 $0x580, s25;
	s26 =	sadd.s32 s7, s26  }
0x3f: {  	[tilespmem:s29], [sflag:$0x1] =	stream.linear.gather [hbm4b:s26+s4], $0x80, $0x38;
	[tilespmem:$0x12280] =	vst v63  }
0x40: {  	s28 =	spop (v2sf);
	(v2sf) =	vpush v5, $0x8  }
0x41: {  	s26 =	sand.u32 $0x1FFFFFF0, s30  }
0x42: {  	s31 =	sadd.s32 $0x600, s25;
	s26 =	sadd.s32 s6, s26;
	s30 =	spop (v2sf);
	(v2sf) =	vpush v5, $0x9  }
0x43: {  	[tilespmem:s31], [sflag:$0x1] =	stream.linear.gather [hbm4b:s26+s4], $0x80, $0x38;
	[tilespmem:$0x12280] =	vst v63  }
0x44: {  	s26 =	sand.u32 $0x1FFFFFF0, s28  }
0x45: {  	s29 =	sadd.s32 $0x680, s25;
	s26 =	sadd.s32 s7, s26;
	s28 =	spop (v2sf);
	(v2sf) =	vpush v1, $0x2  }
0x46: {  	[tilespmem:s29], [sflag:$0x1] =	stream.linear.gather [hbm4b:s26+s4], $0x80, $0x38;
	[tilespmem:$0x12280] =	vst v63  }
0x47: {  	s26 =	sand.u32 $0x1FFFFFF0, s30;
	s30 =	spop (v2sf);
	(v2sf) =	vpush v60, $0x2;
	_ =	sdelay $0x2  }
0x48: {  	s31 =	sadd.s32 $0x700, s25;
	s26 =	sadd.s32 s7, s26  }
0x49: {  	[tilespmem:s31], [sflag:$0x1] =	stream.linear.gather [hbm4b:s26+s4], $0x80, $0x38;
	[tilespmem:$0x12280] =	vst v63  }
0x4a: {  	s26 =	sand.u32 $0x1FFFFFF0, s28  }
0x4b: {  	s29 =	sadd.s32 $0x780, s25;
	s26 =	sadd.s32 s7, s26  }
0x4c: {  	[tilespmem:s29], [sflag:$0x1] =	stream.linear.gather [hbm4b:s26+s4], $0x80, $0x38;
	[tilespmem:$0x12280] =	vst v63  }
0x4d: {  	s28 =	spop (v2sf);
	(v2sf) =	vpush v5, $0xA  }
0x4e: {  	s26 =	sand.u32 $0x1FFFFFF0, s30  }
0x4f: {  	s31 =	sadd.s32 $0x800, s25;
	s26 =	sadd.s32 s7, s26;
	s30 =	spop (v2sf);
	(v2sf) =	vpush v5, $0xB  }
0x50: {  	[tilespmem:s31], [sflag:$0x1] =	stream.linear.gather [hbm4b:s26+s4], $0x80, $0x38;
	[tilespmem:$0x12280] =	vst v63  }
0x51: {  	s26 =	sand.u32 $0x1FFFFFF0, s28  }
0x52: {  	s29 =	sadd.s32 $0x880, s25;
	s26 =	sadd.s32 s7, s26;
	s28 =	spop (v2sf);
	(v2sf) =	vpush v5, $0xC  }
0x53: {  	[tilespmem:s29], [sflag:$0x1] =	stream.linear.gather [hbm4b:s26+s4], $0x80, $0x38;
	[tilespmem:$0x12280] =	vst v63  }
0x54: {  	s26 =	sand.u32 $0x1FFFFFF0, s30;
	s30 =	spop (v2sf);
	(v2sf) =	vpush v5, $0xD;
	_ =	sdelay $0x2  }
0x55: {  	s31 =	sadd.s32 $0x900, s25;
	s26 =	sadd.s32 s7, s26  }
0x56: {  	[tilespmem:s31], [sflag:$0x1] =	stream.linear.gather [hbm4b:s26+s4], $0x80, $0x38;
	[tilespmem:$0x12280] =	vst v63  }
0x57: {  	s26 =	sand.u32 $0x1FFFFFF0, s28  }
0x58: {  	s29 =	sadd.s32 $0x980, s25;
	s26 =	sadd.s32 s6, s26  }
0x59: {  	[tilespmem:s29], [sflag:$0x1] =	stream.linear.gather [hbm4b:s26+s4], $0x80, $0x38;
	[tilespmem:$0x12280] =	vst v63  }
0x5a: {  	s28 =	spop (v2sf);
	(v2sf) =	vpush v5, $0xE  }
0x5b: {  	s26 =	sand.u32 $0x1FFFFFF0, s30  }
0x5c: {  	s31 =	sadd.s32 $0xA00, s25;
	s26 =	sadd.s32 s7, s26;
	s30 =	spop (v2sf);
	(v2sf) =	vpush v1, $0x3  }
0x5d: {  	[tilespmem:s31], [sflag:$0x1] =	stream.linear.gather [hbm4b:s26+s4], $0x80, $0x38;
	[tilespmem:$0x12280] =	vst v63  }
0x5e: {  	s26 =	sand.u32 $0x1FFFFFF0, s28  }
0x5f: {  	s29 =	sadd.s32 $0xA80, s25;
	s26 =	sadd.s32 s7, s26;
	s28 =	spop (v2sf);
	(v2sf) =	vpush v60, $0x3  }
0x60: {  	[tilespmem:s29], [sflag:$0x1] =	stream.linear.gather [hbm4b:s26+s4], $0x80, $0x38;
	[tilespmem:$0x12280] =	vst v63  }
0x61: {  	s26 =	sand.u32 $0x1FFFFFF0, s30;
	s30 =	spop (v2sf);
	(v2sf) =	vpush v5, $0xF;
	_ =	sdelay $0x2  }
0x62: {  	s31 =	sadd.s32 $0xB00, s25;
	s26 =	sadd.s32 s7, s26  }
0x63: {  	[tilespmem:s31], [sflag:$0x1] =	stream.linear.gather [hbm4b:s26+s4], $0x80, $0x38;
	[tilespmem:$0x12280] =	vst v63  }
0x64: {  	s26 =	sand.u32 $0x1FFFFFF0, s28  }
0x65: {  	s29 =	sadd.s32 $0xB80, s25;
	s26 =	sadd.s32 s7, s26  }
0x66: {  	v63 =	vshll.u32 v6, $0x4;
	[tilespmem:s29], [sflag:$0x1] =	stream.linear.gather [hbm4b:s26+s4], $0x80, $0x38;
	[tilespmem:$0x12280] =	vst v63  }
0x67: {  	s28 =	spop (v2sf);
	(v2sf) =	vpush v63, $0x0  }
0x68: {  	s26 =	sand.u32 $0x1FFFFFF0, s30  }
0x69: {  	s31 =	sadd.s32 $0xC00, s25;
	s26 =	sadd.s32 s7, s26;
	s30 =	spop (v2sf);
	(v2sf) =	vpush v63, $0x1  }
0x6a: {  	[tilespmem:s31], [sflag:$0x1] =	stream.linear.gather [hbm4b:s26+s4], $0x80, $0x38;
	[tilespmem:$0x12280] =	vst v63  }
0x6b: {  	s26 =	sand.u32 $0x1FFFFFF0, s28  }
0x6c: {  	s29 =	sadd.s32 $0xC80, s25;
	s26 =	sadd.s32 s7, s26;
	s28 =	spop (v2sf);
	(v2sf) =	vpush v63, $0x2  }
0x6d: {  	[tilespmem:s29], [sflag:$0x1] =	stream.linear.gather [hbm4b:s26+s4], $0x80, $0x38;
	[tilespmem:$0x12280] =	vst v63  }
0x6e: {  	s26 =	sand.u32 $0x1FFFFFF0, s30;
	s30 =	spop (v2sf);
	(v2sf) =	vpush v63, $0x3;
	_ =	sdelay $0x2  }
0x6f: {  	s31 =	sadd.s32 $0xD00, s25;
	s26 =	sadd.s32 s6, s26  }
0x70: {  	[tilespmem:s31], [sflag:$0x1] =	stream.linear.gather [hbm4b:s26+s4], $0x80, $0x38;
	[tilespmem:$0x12280] =	vst v63  }
0x71: {  	s26 =	sand.u32 $0x1FFFFFF0, s28  }
0x72: {  	s29 =	sadd.s32 $0xD80, s25;
	s26 =	sadd.s32 s7, s26  }
0x73: {  	[tilespmem:s29], [sflag:$0x1] =	stream.linear.gather [hbm4b:s26+s4], $0x80, $0x38;
	[tilespmem:$0x12280] =	vst v63  }
0x74: {  	s28 =	spop (v2sf);
	(v2sf) =	vpush v1, $0x4  }
0x75: {  	s26 =	sand.u32 $0x1FFFFFF0, s30  }
0x76: {  	s31 =	sadd.s32 $0xE00, s25;
	s26 =	sadd.s32 s7, s26;
	s30 =	spop (v2sf);
	(v2sf) =	vpush v60, $0x4  }
0x77: {  	[tilespmem:s31], [sflag:$0x1] =	stream.linear.gather [hbm4b:s26+s4], $0x80, $0x38;
	[tilespmem:$0x12280] =	vst v63  }
0x78: {  	s26 =	sand.u32 $0x1FFFFFF0, s28  }
0x79: {  	s29 =	sadd.s32 $0xE80, s25;
	s26 =	sadd.s32 s7, s26;
	s28 =	spop (v2sf);
	(v2sf) =	vpush v63, $0x4  }
0x7a: {  	[tilespmem:s29], [sflag:$0x1] =	stream.linear.gather [hbm4b:s26+s4], $0x80, $0x38;
	[tilespmem:$0x12280] =	vst v63  }
0x7b: {  	s26 =	sand.u32 $0x1FFFFFF0, s30;
	s30 =	spop (v2sf);
	(v2sf) =	vpush v63, $0x5;
	_ =	sdelay $0x2  }
0x7c: {  	s31 =	sadd.s32 $0xF00, s25;
	s26 =	sadd.s32 s7, s26  }
0x7d: {  	[tilespmem:s31], [sflag:$0x1] =	stream.linear.gather [hbm4b:s26+s4], $0x80, $0x38;
	[tilespmem:$0x12280] =	vst v63  }
0x7e: {  	s26 =	sand.u32 $0x1FFFFFF0, s28  }
0x7f: {  	s29 =	sadd.s32 $0xF80, s25;
	s26 =	sadd.s32 s7, s26  }
0x80: {  	[tilespmem:s29], [sflag:$0x1] =	stream.linear.gather [hbm4b:s26+s4], $0x80, $0x38;
	[tilespmem:$0x12280] =	vst v63  }
0x81: {  	s28 =	spop (v2sf);
	(v2sf) =	vpush v63, $0x6  }
0x82: {  	s26 =	sand.u32 $0x1FFFFFF0, s30  }
0x83: {  	s31 =	sadd.s32 $0x1000, s25;
	s26 =	sadd.s32 s7, s26;
	s30 =	spop (v2sf);
	(v2sf) =	vpush v63, $0x7  }
0x84: {  	[tilespmem:s31], [sflag:$0x1] =	stream.linear.gather [hbm4b:s26+s4], $0x80, $0x38;
	[tilespmem:$0x12280] =	vst v63  }
0x85: {  	s26 =	sand.u32 $0x1FFFFFF0, s28  }
0x86: {  	s29 =	sadd.s32 $0x1080, s25;
	s26 =	sadd.s32 s6, s26;
	s28 =	spop (v2sf);
	(v2sf) =	vpush v63, $0x8  }
0x87: {  	[tilespmem:s29], [sflag:$0x1] =	stream.linear.gather [hbm4b:s26+s4], $0x80, $0x38;
	[tilespmem:$0x12280] =	vst v63  }
0x88: {  	s26 =	sand.u32 $0x1FFFFFF0, s30;
	s30 =	spop (v2sf);
	(v2sf) =	vpush v1, $0x5;
	_ =	sdelay $0x2  }
0x89: {  	s31 =	sadd.s32 $0x1100, s25;
	s26 =	sadd.s32 s7, s26  }
0x8a: {  	[tilespmem:s31], [sflag:$0x1] =	stream.linear.gather [hbm4b:s26+s4], $0x80, $0x38;
	[tilespmem:$0x12280] =	vst v63  }
0x8b: {  	s26 =	sand.u32 $0x1FFFFFF0, s28  }
0x8c: {  	s29 =	sadd.s32 $0x1180, s25;
	s26 =	sadd.s32 s7, s26  }
0x8d: {  	[tilespmem:s29], [sflag:$0x1] =	stream.linear.gather [hbm4b:s26+s4], $0x80, $0x38;
	[tilespmem:$0x12280] =	vst v63  }
0x8e: {  	s28 =	spop (v2sf);
	(v2sf) =	vpush v60, $0x5  }
0x8f: {  	s26 =	sand.u32 $0x1FFFFFF0, s30  }
0x90: {  	s31 =	sadd.s32 $0x1200, s25;
	s26 =	sadd.s32 s7, s26;
	s30 =	spop (v2sf);
	(v2sf) =	vpush v63, $0x9  }
0x91: {  	[tilespmem:s31], [sflag:$0x1] =	stream.linear.gather [hbm4b:s26+s4], $0x80, $0x38;
	[tilespmem:$0x12280] =	vst v63  }
0x92: {  	s26 =	sand.u32 $0x1FFFFFF0, s28  }
0x93: {  	s29 =	sadd.s32 $0x1280, s25;
	s26 =	sadd.s32 s7, s26;
	s28 =	spop (v2sf);
	(v2sf) =	vpush v63, $0xA  }
0x94: {  	[tilespmem:s29], [sflag:$0x1] =	stream.linear.gather [hbm4b:s26+s4], $0x80, $0x38;
	[tilespmem:$0x12280] =	vst v63  }
0x95: {  	s26 =	sand.u32 $0x1FFFFFF0, s30;
	s30 =	spop (v2sf);
	(v2sf) =	vpush v63, $0xB;
	_ =	sdelay $0x2  }
0x96: {  	s31 =	sadd.s32 $0x1300, s25;
	s26 =	sadd.s32 s7, s26  }
0x97: {  	[tilespmem:s31], [sflag:$0x1] =	stream.linear.gather [hbm4b:s26+s4], $0x80, $0x38;
	[tilespmem:$0x12280] =	vst v63  }
0x98: {  	s26 =	sand.u32 $0x1FFFFFF0, s28  }
0x99: {  	s29 =	sadd.s32 $0x1380, s25;
	s26 =	sadd.s32 s7, s26  }
0x9a: {  	[tilespmem:s29], [sflag:$0x1] =	stream.linear.gather [hbm4b:s26+s4], $0x80, $0x38;
	[tilespmem:$0x12280] =	vst v63  }
0x9b: {  	s28 =	spop (v2sf);
	(v2sf) =	vpush v63, $0xC  }
0x9c: {  	s26 =	sand.u32 $0x1FFFFFF0, s30  }
0x9d: {  	s31 =	sadd.s32 $0x1400, s25;
	s26 =	sadd.s32 s6, s26;
	s30 =	spop (v2sf);
	(v2sf) =	vpush v63, $0xD  }
0x9e: {  	[tilespmem:s31], [sflag:$0x1] =	stream.linear.gather [hbm4b:s26+s4], $0x80, $0x38;
	[tilespmem:$0x12280] =	vst v63  }
0x9f: {  	s26 =	sand.u32 $0x1FFFFFF0, s28  }
0xa0: {  	s29 =	sadd.s32 $0x1480, s25;
	s26 =	sadd.s32 s7, s26;
	s28 =	spop (v2sf);
	(v2sf) =	vpush v1, $0x6  }
0xa1: {  	[tilespmem:s29], [sflag:$0x1] =	stream.linear.gather [hbm4b:s26+s4], $0x80, $0x38;
	[tilespmem:$0x12280] =	vst v63  }
0xa2: {  	s26 =	sand.u32 $0x1FFFFFF0, s30;
	s30 =	spop (v2sf);
	(v2sf) =	vpush v60, $0x6;
	_ =	sdelay $0x2  }
0xa3: {  	s31 =	sadd.s32 $0x1500, s25;
	s26 =	sadd.s32 s7, s26  }
0xa4: {  	[tilespmem:s31], [sflag:$0x1] =	stream.linear.gather [hbm4b:s26+s4], $0x80, $0x38;
	[tilespmem:$0x12280] =	vst v63  }
0xa5: {  	s26 =	sand.u32 $0x1FFFFFF0, s28  }
0xa6: {  	s29 =	sadd.s32 $0x1580, s25;
	s26 =	sadd.s32 s7, s26  }
0xa7: {  	[tilespmem:s29], [sflag:$0x1] =	stream.linear.gather [hbm4b:s26+s4], $0x80, $0x38;
	[tilespmem:$0x12280] =	vst v63  }
0xa8: {  	s28 =	spop (v2sf);
	(v2sf) =	vpush v63, $0xE  }
0xa9: {  	s26 =	sand.u32 $0x1FFFFFF0, s30  }
0xaa: {  	s31 =	sadd.s32 $0x1600, s25;
	s26 =	sadd.s32 s7, s26;
	s30 =	spop (v2sf);
	(v2sf) =	vpush v63, $0xF  }
0xab: {  	[tilespmem:s31], [sflag:$0x1] =	stream.linear.gather [hbm4b:s26+s4], $0x80, $0x38;
	[tilespmem:$0x12280] =	vst v63  }
0xac: {  	v4 =	vshll.u32 v4, $0x4;
	s26 =	sand.u32 $0x1FFFFFF0, s28  }
0xad: {  	s29 =	sadd.s32 $0x1680, s25;
	s26 =	sadd.s32 s7, s26;
	s28 =	spop (v2sf);
	(v2sf) =	vpush v4, $0x0  }
0xae: {  	[tilespmem:s29], [sflag:$0x1] =	stream.linear.gather [hbm4b:s26+s4], $0x80, $0x38;
	[tilespmem:$0x12280] =	vst v63  }
0xaf: {  	s26 =	sand.u32 $0x1FFFFFF0, s30;
	s30 =	spop (v2sf);
	(v2sf) =	vpush v4, $0x1;
	_ =	sdelay $0x2  }
0xb0: {  	s31 =	sadd.s32 $0x1700, s25;
	s26 =	sadd.s32 s7, s26  }
0xb1: {  	[tilespmem:s31], [sflag:$0x1] =	stream.linear.gather [hbm4b:s26+s4], $0x80, $0x38;
	[tilespmem:$0x12280] =	vst v63  }
0xb2: {  	s26 =	sand.u32 $0x1FFFFFF0, s28  }
0xb3: {  	s29 =	sadd.s32 $0x1780, s25;
	s26 =	sadd.s32 s6, s26  }
0xb4: {  	[tilespmem:s29], [sflag:$0x1] =	stream.linear.gather [hbm4b:s26+s4], $0x80, $0x38;
	[tilespmem:$0x12280] =	vst v63  }
0xb5: {  	s28 =	spop (v2sf);
	(v2sf) =	vpush v4, $0x2  }
0xb6: {  	s26 =	sand.u32 $0x1FFFFFF0, s30  }
0xb7: {  	s31 =	sadd.s32 $0x1800, s25;
	s26 =	sadd.s32 s7, s26;
	s30 =	spop (v2sf);
	(v2sf) =	vpush v1, $0x7  }
0xb8: {  	[tilespmem:s31], [sflag:$0x1] =	stream.linear.gather [hbm4b:s26+s4], $0x80, $0x38;
	[tilespmem:$0x12280] =	vst v63  }
0xb9: {  	s26 =	sand.u32 $0x1FFFFFF0, s28  }
0xba: {  	s29 =	sadd.s32 $0x1880, s25;
	s26 =	sadd.s32 s7, s26;
	s28 =	spop (v2sf);
	(v2sf) =	vpush v60, $0x7  }
0xbb: {  	[tilespmem:s29], [sflag:$0x1] =	stream.linear.gather [hbm4b:s26+s4], $0x80, $0x38;
	[tilespmem:$0x12280] =	vst v63  }
0xbc: {  	s26 =	sand.u32 $0x1FFFFFF0, s30;
	s30 =	spop (v2sf);
	(v2sf) =	vpush v4, $0x3;
	_ =	sdelay $0x2  }
0xbd: {  	s31 =	sadd.s32 $0x1900, s25;
	s26 =	sadd.s32 s7, s26  }
0xbe: {  	[tilespmem:s31], [sflag:$0x1] =	stream.linear.gather [hbm4b:s26+s4], $0x80, $0x38;
	[tilespmem:$0x12280] =	vst v63  }
0xbf: {  	s26 =	sand.u32 $0x1FFFFFF0, s28  }
0xc0: {  	s29 =	sadd.s32 $0x1980, s25;
	s26 =	sadd.s32 s7, s26  }
0xc1: {  	[tilespmem:s29], [sflag:$0x1] =	stream.linear.gather [hbm4b:s26+s4], $0x80, $0x38;
	[tilespmem:$0x12280] =	vst v63  }
0xc2: {  	s28 =	spop (v2sf);
	(v2sf) =	vpush v4, $0x4  }
0xc3: {  	s26 =	sand.u32 $0x1FFFFFF0, s30  }
0xc4: {  	s31 =	sadd.s32 $0x1A00, s25;
	s26 =	sadd.s32 s7, s26;
	s30 =	spop (v2sf);
	(v2sf) =	vpush v4, $0x5  }
0xc5: {  	[tilespmem:s31], [sflag:$0x1] =	stream.linear.gather [hbm4b:s26+s4], $0x80, $0x38;
	[tilespmem:$0x12280] =	vst v63  }
0xc6: {  	s26 =	sand.u32 $0x1FFFFFF0, s28  }
0xc7: {  	s29 =	sadd.s32 $0x1A80, s25;
	s26 =	sadd.s32 s7, s26;
	s28 =	spop (v2sf);
	(v2sf) =	vpush v4, $0x6  }
0xc8: {  	[tilespmem:s29], [sflag:$0x1] =	stream.linear.gather [hbm4b:s26+s4], $0x80, $0x38;
	[tilespmem:$0x12280] =	vst v63  }
0xc9: {  	s26 =	sand.u32 $0x1FFFFFF0, s30;
	s30 =	spop (v2sf);
	(v2sf) =	vpush v4, $0x7;
	_ =	sdelay $0x2  }
0xca: {  	s31 =	sadd.s32 $0x1B00, s25;
	s26 =	sadd.s32 s6, s26  }
0xcb: {  	[tilespmem:s31], [sflag:$0x1] =	stream.linear.gather [hbm4b:s26+s4], $0x80, $0x38;
	[tilespmem:$0x12280] =	vst v63  }
0xcc: {  	s26 =	sand.u32 $0x1FFFFFF0, s28  }
0xcd: {  	s29 =	sadd.s32 $0x1B80, s25;
	s26 =	sadd.s32 s7, s26  }
0xce: {  	[tilespmem:s29], [sflag:$0x1] =	stream.linear.gather [hbm4b:s26+s4], $0x80, $0x38;
	[tilespmem:$0x12280] =	vst v63  }
0xcf: {  	s28 =	spop (v2sf);
	(v2sf) =	vpush v1, $0x8  }
0xd0: {  	s26 =	sand.u32 $0x1FFFFFF0, s30  }
0xd1: {  	s31 =	sadd.s32 $0x1C00, s25;
	s26 =	sadd.s32 s7, s26;
	s30 =	spop (v2sf);
	(v2sf) =	vpush v60, $0x8  }
0xd2: {  	[tilespmem:s31], [sflag:$0x1] =	stream.linear.gather [hbm4b:s26+s4], $0x80, $0x38;
	[tilespmem:$0x12280] =	vst v63  }
0xd3: {  	s26 =	sand.u32 $0x1FFFFFF0, s28  }
0xd4: {  	s29 =	sadd.s32 $0x1C80, s25;
	s26 =	sadd.s32 s7, s26;
	s28 =	spop (v2sf);
	(v2sf) =	vpush v4, $0x8  }
0xd5: {  	[tilespmem:s29], [sflag:$0x1] =	stream.linear.gather [hbm4b:s26+s4], $0x80, $0x38;
	[tilespmem:$0x12280] =	vst v63  }
0xd6: {  	s26 =	sand.u32 $0x1FFFFFF0, s30;
	s30 =	spop (v2sf);
	(v2sf) =	vpush v4, $0x9;
	_ =	sdelay $0x2  }
0xd7: {  	s31 =	sadd.s32 $0x1D00, s25;
	s26 =	sadd.s32 s7, s26  }
0xd8: {  	[tilespmem:s31], [sflag:$0x1] =	stream.linear.gather [hbm4b:s26+s4], $0x80, $0x38;
	[tilespmem:$0x12280] =	vst v63  }
0xd9: {  	s26 =	sand.u32 $0x1FFFFFF0, s28  }
0xda: {  	s29 =	sadd.s32 $0x1D80, s25;
	s26 =	sadd.s32 s7, s26  }
0xdb: {  	[tilespmem:s29], [sflag:$0x1] =	stream.linear.gather [hbm4b:s26+s4], $0x80, $0x38;
	[tilespmem:$0x12280] =	vst v63  }
0xdc: {  	s28 =	spop (v2sf);
	(v2sf) =	vpush v4, $0xA  }
0xdd: {  	s26 =	sand.u32 $0x1FFFFFF0, s30  }
0xde: {  	s31 =	sadd.s32 $0x1E00, s25;
	s26 =	sadd.s32 s7, s26;
	s30 =	spop (v2sf);
	(v2sf) =	vpush v4, $0xB  }
0xdf: {  	[tilespmem:s31], [sflag:$0x1] =	stream.linear.gather [hbm4b:s26+s4], $0x80, $0x38;
	[tilespmem:$0x12280] =	vst v63  }
0xe0: {  	s26 =	sand.u32 $0x1FFFFFF0, s28  }
0xe1: {  	s29 =	sadd.s32 $0x1E80, s25;
	s26 =	sadd.s32 s6, s26;
	s28 =	spop (v2sf);
	(v2sf) =	vpush v4, $0xC  }
0xe2: {  	[tilespmem:s29], [sflag:$0x1] =	stream.linear.gather [hbm4b:s26+s4], $0x80, $0x38;
	[tilespmem:$0x12280] =	vst v63  }
0xe3: {  	s26 =	sand.u32 $0x1FFFFFF0, s30;
	s30 =	spop (v2sf);
	(v2sf) =	vpush v1, $0x9;
	_ =	sdelay $0x2  }
0xe4: {  	s31 =	sadd.s32 $0x1F00, s25;
	s26 =	sadd.s32 s7, s26  }
0xe5: {  	[tilespmem:s31], [sflag:$0x1] =	stream.linear.gather [hbm4b:s26+s4], $0x80, $0x38;
	[tilespmem:$0x12280] =	vst v63  }
0xe6: {  	s26 =	sand.u32 $0x1FFFFFF0, s28  }
0xe7: {  	s29 =	sadd.s32 $0x1F80, s25;
	s26 =	sadd.s32 s7, s26  }
0xe8: {  	[tilespmem:s29], [sflag:$0x1] =	stream.linear.gather [hbm4b:s26+s4], $0x80, $0x38;
	[tilespmem:$0x12280] =	vst v63  }
0xe9: {  	s28 =	spop (v2sf);
	(v2sf) =	vpush v60, $0x9  }
0xea: {  	s26 =	sand.u32 $0x1FFFFFF0, s30  }
0xeb: {  	s31 =	sadd.s32 $0x2000, s25;
	s26 =	sadd.s32 s7, s26;
	s30 =	spop (v2sf);
	(v2sf) =	vpush v4, $0xD  }
0xec: {  	[tilespmem:s31], [sflag:$0x1] =	stream.linear.gather [hbm4b:s26+s4], $0x80, $0x38;
	[tilespmem:$0x12280] =	vst v63  }
0xed: {  	s26 =	sand.u32 $0x1FFFFFF0, s28  }
0xee: {  	s29 =	sadd.s32 $0x2080, s25;
	s26 =	sadd.s32 s7, s26;
	s28 =	spop (v2sf);
	(v2sf) =	vpush v4, $0xE  }
0xef: {  	[tilespmem:s29], [sflag:$0x1] =	stream.linear.gather [hbm4b:s26+s4], $0x80, $0x38;
	[tilespmem:$0x12280] =	vst v63  }
0xf0: {  	s26 =	sand.u32 $0x1FFFFFF0, s30;
	s30 =	spop (v2sf);
	(v2sf) =	vpush v4, $0xF;
	_ =	sdelay $0x2  }
0xf1: {  	s31 =	sadd.s32 $0x2100, s25;
	s26 =	sadd.s32 s7, s26  }
0xf2: {  	[tilespmem:s31], [sflag:$0x1] =	stream.linear.gather [hbm4b:s26+s4], $0x80, $0x38;
	[tilespmem:$0x12280] =	vst v63  }
0xf3: {  	s26 =	sand.u32 $0x1FFFFFF0, s28  }
0xf4: {  	s29 =	sadd.s32 $0x2180, s25;
	s26 =	sadd.s32 s7, s26  }
0xf5: {  	v3 =	vshll.u32 v61, $0x4;
	[tilespmem:s29], [sflag:$0x1] =	stream.linear.gather [hbm4b:s26+s4], $0x80, $0x38;
	[tilespmem:$0x12280] =	vst v63  }
0xf6: {  	s28 =	spop (v2sf);
	(v2sf) =	vpush v3, $0x0  }
0xf7: {  	s26 =	sand.u32 $0x1FFFFFF0, s30  }
0xf8: {  	s31 =	sadd.s32 $0x2200, s25;
	s26 =	sadd.s32 s6, s26;
	s30 =	spop (v2sf);
	(v2sf) =	vpush v3, $0x1  }
0xf9: {  	[tilespmem:s31], [sflag:$0x1] =	stream.linear.gather [hbm4b:s26+s4], $0x80, $0x38;
	[tilespmem:$0x12280] =	vst v63  }
0xfa: {  	s26 =	sand.u32 $0x1FFFFFF0, s28  }
0xfb: {  	s29 =	sadd.s32 $0x2280, s25;
	s26 =	sadd.s32 s7, s26;
	s28 =	spop (v2sf);
	(v2sf) =	vpush v1, $0xA  }
0xfc: {  	[tilespmem:s29], [sflag:$0x1] =	stream.linear.gather [hbm4b:s26+s4], $0x80, $0x38;
	[tilespmem:$0x12280] =	vst v63  }
0xfd: {  	s26 =	sand.u32 $0x1FFFFFF0, s30;
	s30 =	spop (v2sf);
	(v2sf) =	vpush v60, $0xA;
	_ =	sdelay $0x2  }
0xfe: {  	s31 =	sadd.s32 $0x2300, s25;
	s26 =	sadd.s32 s7, s26  }
0xff: {  	[tilespmem:s31], [sflag:$0x1] =	stream.linear.gather [hbm4b:s26+s4], $0x80, $0x38;
	[tilespmem:$0x12280] =	vst v63  }
0x100: {  	s26 =	sand.u32 $0x1FFFFFF0, s28  }
0x101: {  	s29 =	sadd.s32 $0x2380, s25;
	s26 =	sadd.s32 s7, s26  }
0x102: {  	[tilespmem:s29], [sflag:$0x1] =	stream.linear.gather [hbm4b:s26+s4], $0x80, $0x38;
	[tilespmem:$0x12280] =	vst v63  }
0x103: {  	s28 =	spop (v2sf);
	(v2sf) =	vpush v3, $0x2  }
0x104: {  	s26 =	sand.u32 $0x1FFFFFF0, s30  }
0x105: {  	s31 =	sadd.s32 $0x2400, s25;
	s26 =	sadd.s32 s7, s26;
	s30 =	spop (v2sf);
	(v2sf) =	vpush v3, $0x3  }
0x106: {  	[tilespmem:s31], [sflag:$0x1] =	stream.linear.gather [hbm4b:s26+s4], $0x80, $0x38;
	[tilespmem:$0x12280] =	vst v63  }
0x107: {  	s26 =	sand.u32 $0x1FFFFFF0, s28  }
0x108: {  	s29 =	sadd.s32 $0x2480, s25;
	s26 =	sadd.s32 s7, s26;
	s28 =	spop (v2sf);
	(v2sf) =	vpush v3, $0x4  }
0x109: {  	[tilespmem:s29], [sflag:$0x1] =	stream.linear.gather [hbm4b:s26+s4], $0x80, $0x38;
	[tilespmem:$0x12280] =	vst v63  }
0x10a: {  	s26 =	sand.u32 $0x1FFFFFF0, s30;
	s30 =	spop (v2sf);
	(v2sf) =	vpush v3, $0x5;
	_ =	sdelay $0x2  }
0x10b: {  	s31 =	sadd.s32 $0x2500, s25;
	s26 =	sadd.s32 s7, s26  }
0x10c: {  	[tilespmem:s31], [sflag:$0x1] =	stream.linear.gather [hbm4b:s26+s4], $0x80, $0x38;
	[tilespmem:$0x12280] =	vst v63  }
0x10d: {  	s26 =	sand.u32 $0x1FFFFFF0, s28  }
0x10e: {  	s29 =	sadd.s32 $0x2580, s25;
	s26 =	sadd.s32 s6, s26  }
0x10f: {  	[tilespmem:s29], [sflag:$0x1] =	stream.linear.gather [hbm4b:s26+s4], $0x80, $0x38;
	[tilespmem:$0x12280] =	vst v63  }
0x110: {  	s28 =	spop (v2sf);
	(v2sf) =	vpush v3, $0x6  }
0x111: {  	s26 =	sand.u32 $0x1FFFFFF0, s30  }
0x112: {  	s31 =	sadd.s32 $0x2600, s25;
	s26 =	sadd.s32 s7, s26;
	s30 =	spop (v2sf);
	(v2sf) =	vpush v1, $0xB  }
0x113: {  	[tilespmem:s31], [sflag:$0x1] =	stream.linear.gather [hbm4b:s26+s4], $0x80, $0x38;
	[tilespmem:$0x12280] =	vst v63  }
0x114: {  	s26 =	sand.u32 $0x1FFFFFF0, s28  }
0x115: {  	s29 =	sadd.s32 $0x2680, s25;
	s26 =	sadd.s32 s7, s26;
	s28 =	spop (v2sf);
	(v2sf) =	vpush v60, $0xB  }
0x116: {  	[tilespmem:s29], [sflag:$0x1] =	stream.linear.gather [hbm4b:s26+s4], $0x80, $0x38;
	[tilespmem:$0x12280] =	vst v63  }
0x117: {  	s26 =	sand.u32 $0x1FFFFFF0, s30;
	s30 =	spop (v2sf);
	(v2sf) =	vpush v3, $0x7;
	_ =	sdelay $0x2  }
0x118: {  	s31 =	sadd.s32 $0x2700, s25;
	s26 =	sadd.s32 s7, s26  }
0x119: {  	[tilespmem:s31], [sflag:$0x1] =	stream.linear.gather [hbm4b:s26+s4], $0x80, $0x38;
	[tilespmem:$0x12280] =	vst v63  }
0x11a: {  	s26 =	sand.u32 $0x1FFFFFF0, s28  }
0x11b: {  	s29 =	sadd.s32 $0x2780, s25;
	s26 =	sadd.s32 s7, s26  }
0x11c: {  	[tilespmem:s29], [sflag:$0x1] =	stream.linear.gather [hbm4b:s26+s4], $0x80, $0x38;
	[tilespmem:$0x12280] =	vst v63  }
0x11d: {  	s28 =	spop (v2sf);
	(v2sf) =	vpush v3, $0x8  }
0x11e: {  	s26 =	sand.u32 $0x1FFFFFF0, s30  }
0x11f: {  	s31 =	sadd.s32 $0x2800, s25;
	s26 =	sadd.s32 s7, s26;
	s30 =	spop (v2sf);
	(v2sf) =	vpush v3, $0x9  }
0x120: {  	[tilespmem:s31], [sflag:$0x1] =	stream.linear.gather [hbm4b:s26+s4], $0x80, $0x38;
	[tilespmem:$0x12280] =	vst v63  }
0x121: {  	s26 =	sand.u32 $0x1FFFFFF0, s28  }
0x122: {  	s29 =	sadd.s32 $0x2880, s25;
	s26 =	sadd.s32 s7, s26;
	s28 =	spop (v2sf);
	(v2sf) =	vpush v3, $0xA  }
0x123: {  	[tilespmem:s29], [sflag:$0x1] =	stream.linear.gather [hbm4b:s26+s4], $0x80, $0x38;
	[tilespmem:$0x12280] =	vst v63  }
0x124: {  	s26 =	sand.u32 $0x1FFFFFF0, s30;
	s30 =	spop (v2sf);
	(v2sf) =	vpush v3, $0xB;
	_ =	sdelay $0x2  }
0x125: {  	s31 =	sadd.s32 $0x2900, s25;
	s26 =	sadd.s32 s6, s26  }
0x126: {  	[tilespmem:s31], [sflag:$0x1] =	stream.linear.gather [hbm4b:s26+s4], $0x80, $0x38;
	[tilespmem:$0x12280] =	vst v63  }
0x127: {  	s26 =	sand.u32 $0x1FFFFFF0, s28  }
0x128: {  	s29 =	sadd.s32 $0x2980, s25;
	s26 =	sadd.s32 s7, s26  }
0x129: {  	[tilespmem:s29], [sflag:$0x1] =	stream.linear.gather [hbm4b:s26+s4], $0x80, $0x38;
	[tilespmem:$0x12280] =	vst v63  }
0x12a: {  	s28 =	spop (v2sf);
	(v2sf) =	vpush v1, $0xC  }
0x12b: {  	s26 =	sand.u32 $0x1FFFFFF0, s30  }
0x12c: {  	s31 =	sadd.s32 $0x2A00, s25;
	s26 =	sadd.s32 s7, s26;
	s30 =	spop (v2sf);
	(v2sf) =	vpush v60, $0xC  }
0x12d: {  	[tilespmem:s31], [sflag:$0x1] =	stream.linear.gather [hbm4b:s26+s4], $0x80, $0x38;
	[tilespmem:$0x12280] =	vst v63  }
0x12e: {  	s26 =	sand.u32 $0x1FFFFFF0, s28  }
0x12f: {  	s29 =	sadd.s32 $0x2A80, s25;
	s26 =	sadd.s32 s7, s26;
	s28 =	spop (v2sf);
	(v2sf) =	vpush v3, $0xC  }
0x130: {  	[tilespmem:s29], [sflag:$0x1] =	stream.linear.gather [hbm4b:s26+s4], $0x80, $0x38;
	[tilespmem:$0x12280] =	vst v63  }
0x131: {  	s26 =	sand.u32 $0x1FFFFFF0, s30;
	s30 =	spop (v2sf);
	(v2sf) =	vpush v3, $0xD;
	_ =	sdelay $0x2  }
0x132: {  	s31 =	sadd.s32 $0x2B00, s25;
	s26 =	sadd.s32 s7, s26  }
0x133: {  	[tilespmem:s31], [sflag:$0x1] =	stream.linear.gather [hbm4b:s26+s4], $0x80, $0x38;
	[tilespmem:$0x12280] =	vst v63  }
0x134: {  	s26 =	sand.u32 $0x1FFFFFF0, s28  }
0x135: {  	s29 =	sadd.s32 $0x2B80, s25;
	s26 =	sadd.s32 s7, s26  }
0x136: {  	[tilespmem:s29], [sflag:$0x1] =	stream.linear.gather [hbm4b:s26+s4], $0x80, $0x38;
	[tilespmem:$0x12280] =	vst v63  }
0x137: {  	s28 =	spop (v2sf);
	(v2sf) =	vpush v3, $0xE  }
0x138: {  	s26 =	sand.u32 $0x1FFFFFF0, s30  }
0x139: {  	s31 =	sadd.s32 $0x2C00, s25;
	s26 =	sadd.s32 s7, s26;
	s30 =	spop (v2sf);
	(v2sf) =	vpush v3, $0xF  }
0x13a: {  	[tilespmem:s31], [sflag:$0x1] =	stream.linear.gather [hbm4b:s26+s4], $0x80, $0x38;
	[tilespmem:$0x12280] =	vst v63  }
0x13b: {  	v2 =	vshll.u32 v62, $0x4;
	s26 =	sand.u32 $0x1FFFFFF0, s28  }
0x13c: {  	s29 =	sadd.s32 $0x2C80, s25;
	s26 =	sadd.s32 s6, s26;
	s28 =	spop (v2sf);
	(v2sf) =	vpush v2, $0x0  }
0x13d: {  	[tilespmem:s29], [sflag:$0x1] =	stream.linear.gather [hbm4b:s26+s4], $0x80, $0x38;
	[tilespmem:$0x12280] =	vst v63  }
0x13e: {  	s26 =	sand.u32 $0x1FFFFFF0, s30;
	s30 =	spop (v2sf);
	(v2sf) =	vpush v1, $0xD;
	_ =	sdelay $0x2  }
0x13f: {  	s31 =	sadd.s32 $0x2D00, s25;
	s26 =	sadd.s32 s7, s26  }
0x140: {  	[tilespmem:s31], [sflag:$0x1] =	stream.linear.gather [hbm4b:s26+s4], $0x80, $0x38;
	[tilespmem:$0x12280] =	vst v63  }
0x141: {  	s26 =	sand.u32 $0x1FFFFFF0, s28  }
0x142: {  	s29 =	sadd.s32 $0x2D80, s25;
	s26 =	sadd.s32 s7, s26  }
0x143: {  	[tilespmem:s29], [sflag:$0x1] =	stream.linear.gather [hbm4b:s26+s4], $0x80, $0x38;
	[tilespmem:$0x12280] =	vst v63  }
0x144: {  	s28 =	spop (v2sf);
	(v2sf) =	vpush v60, $0xD  }
0x145: {  	s26 =	sand.u32 $0x1FFFFFF0, s30  }
0x146: {  	s31 =	sadd.s32 $0x2E00, s25;
	s26 =	sadd.s32 s7, s26;
	s30 =	spop (v2sf);
	(v2sf) =	vpush v2, $0x1  }
0x147: {  	[tilespmem:s31], [sflag:$0x1] =	stream.linear.gather [hbm4b:s26+s4], $0x80, $0x38;
	[tilespmem:$0x12280] =	vst v63  }
0x148: {  	s26 =	sand.u32 $0x1FFFFFF0, s28  }
0x149: {  	s29 =	sadd.s32 $0x2E80, s25;
	s26 =	sadd.s32 s7, s26;
	s28 =	spop (v2sf);
	(v2sf) =	vpush v2, $0x2  }
0x14a: {  	[tilespmem:s29], [sflag:$0x1] =	stream.linear.gather [hbm4b:s26+s4], $0x80, $0x38;
	[tilespmem:$0x12280] =	vst v63  }
0x14b: {  	s26 =	sand.u32 $0x1FFFFFF0, s30;
	s30 =	spop (v2sf);
	(v2sf) =	vpush v2, $0x3;
	_ =	sdelay $0x2  }
0x14c: {  	s31 =	sadd.s32 $0x2F00, s25;
	s26 =	sadd.s32 s7, s26  }
0x14d: {  	[tilespmem:s31], [sflag:$0x1] =	stream.linear.gather [hbm4b:s26+s4], $0x80, $0x38;
	[tilespmem:$0x12280] =	vst v63  }
0x14e: {  	s26 =	sand.u32 $0x1FFFFFF0, s28  }
0x14f: {  	s29 =	sadd.s32 $0x2F80, s25;
	s26 =	sadd.s32 s7, s26  }
0x150: {  	[tilespmem:s29], [sflag:$0x1] =	stream.linear.gather [hbm4b:s26+s4], $0x80, $0x38;
	[tilespmem:$0x12280] =	vst v63  }
0x151: {  	s28 =	spop (v2sf);
	(v2sf) =	vpush v2, $0x4  }
0x152: {  	s26 =	sand.u32 $0x1FFFFFF0, s30  }
0x153: {  	s31 =	sadd.s32 $0x3000, s25;
	s26 =	sadd.s32 s6, s26;
	s30 =	spop (v2sf);
	(v2sf) =	vpush v2, $0x5  }
0x154: {  	[tilespmem:s31], [sflag:$0x1] =	stream.linear.gather [hbm4b:s26+s4], $0x80, $0x38;
	[tilespmem:$0x12280] =	vst v63  }
0x155: {  	s26 =	sand.u32 $0x1FFFFFF0, s28  }
0x156: {  	s29 =	sadd.s32 $0x3080, s25;
	s26 =	sadd.s32 s7, s26;
	s28 =	spop (v2sf);
	(v2sf) =	vpush v1, $0xE  }
0x157: {  	[tilespmem:s29], [sflag:$0x1] =	stream.linear.gather [hbm4b:s26+s4], $0x80, $0x38;
	[tilespmem:$0x12280] =	vst v63  }
0x158: {  	s26 =	sand.u32 $0x1FFFFFF0, s30;
	s30 =	spop (v2sf);
	(v2sf) =	vpush v60, $0xE;
	_ =	sdelay $0x2  }
0x159: {  	s31 =	sadd.s32 $0x3100, s25;
	s26 =	sadd.s32 s7, s26  }
0x15a: {  	[tilespmem:s31], [sflag:$0x1] =	stream.linear.gather [hbm4b:s26+s4], $0x80, $0x38;
	[tilespmem:$0x12280] =	vst v63  }
0x15b: {  	s26 =	sand.u32 $0x1FFFFFF0, s28  }
0x15c: {  	s29 =	sadd.s32 $0x3180, s25;
	s26 =	sadd.s32 s7, s26  }
0x15d: {  	[tilespmem:s29], [sflag:$0x1] =	stream.linear.gather [hbm4b:s26+s4], $0x80, $0x38;
	[tilespmem:$0x12280] =	vst v63  }
0x15e: {  	s28 =	spop (v2sf);
	(v2sf) =	vpush v2, $0x6  }
0x15f: {  	s26 =	sand.u32 $0x1FFFFFF0, s30  }
0x160: {  	s31 =	sadd.s32 $0x3200, s25;
	s26 =	sadd.s32 s7, s26;
	s30 =	spop (v2sf);
	(v2sf) =	vpush v2, $0x7  }
0x161: {  	[tilespmem:s31], [sflag:$0x1] =	stream.linear.gather [hbm4b:s26+s4], $0x80, $0x38;
	[tilespmem:$0x12280] =	vst v63  }
0x162: {  	s26 =	sand.u32 $0x1FFFFFF0, s28  }
0x163: {  	s29 =	sadd.s32 $0x3280, s25;
	s26 =	sadd.s32 s7, s26;
	s28 =	spop (v2sf);
	(v2sf) =	vpush v2, $0x8  }
0x164: {  	[tilespmem:s29], [sflag:$0x1] =	stream.linear.gather [hbm4b:s26+s4], $0x80, $0x38;
	[tilespmem:$0x12280] =	vst v63  }
0x165: {  	s26 =	sand.u32 $0x1FFFFFF0, s30;
	s30 =	spop (v2sf);
	(v2sf) =	vpush v2, $0x9;
	_ =	sdelay $0x2  }
0x166: {  	s31 =	sadd.s32 $0x3300, s25;
	s26 =	sadd.s32 s7, s26  }
0x167: {  	[tilespmem:s31], [sflag:$0x1] =	stream.linear.gather [hbm4b:s26+s4], $0x80, $0x38;
	[tilespmem:$0x12280] =	vst v63  }
0x168: {  	s26 =	sand.u32 $0x1FFFFFF0, s28  }
0x169: {  	s29 =	sadd.s32 $0x3380, s25;
	s26 =	sadd.s32 s6, s26  }
0x16a: {  	[tilespmem:s29], [sflag:$0x1] =	stream.linear.gather [hbm4b:s26+s4], $0x80, $0x38;
	[tilespmem:$0x12280] =	vst v63  }
0x16b: {  	s28 =	spop (v2sf);
	(v2sf) =	vpush v2, $0xA  }
0x16c: {  	s26 =	sand.u32 $0x1FFFFFF0, s30  }
0x16d: {  	s31 =	sadd.s32 $0x3400, s25;
	s26 =	sadd.s32 s7, s26;
	s30 =	spop (v2sf);
	(v2sf) =	vpush v1, $0xF  }
0x16e: {  	[tilespmem:s31], [sflag:$0x1] =	stream.linear.gather [hbm4b:s26+s4], $0x80, $0x38;
	[tilespmem:$0x12280] =	vst v63  }
0x16f: {  	s26 =	sand.u32 $0x1FFFFFF0, s28  }
0x170: {  	s29 =	sadd.s32 $0x3480, s25;
	s26 =	sadd.s32 s7, s26;
	s28 =	spop (v2sf);
	(v2sf) =	vpush v60, $0xF  }
0x171: {  	[tilespmem:s29], [sflag:$0x1] =	stream.linear.gather [hbm4b:s26+s4], $0x80, $0x38;
	[tilespmem:$0x12280] =	vst v63  }
0x172: {  	s26 =	sand.u32 $0x1FFFFFF0, s30;
	s30 =	spop (v2sf);
	(v2sf) =	vpush v2, $0xB;
	_ =	sdelay $0x1  }
0x173: {  	s31 =	sadd.s32 $0x3500, s25;
	s26 =	sadd.s32 s7, s26  }
0x174: {  	[tilespmem:s31], [sflag:$0x1] =	stream.linear.gather [hbm4b:s26+s4], $0x80, $0x38;
	[tilespmem:$0x12280] =	vst v63  }
0x175: {  	s26 =	sand.u32 $0x1FFFFFF0, s28  }
0x176: {  	s29 =	sadd.s32 $0x3580, s25;
	s26 =	sadd.s32 s7, s26  }
0x177: {  	[tilespmem:s29], [sflag:$0x1] =	stream.linear.gather [hbm4b:s26+s4], $0x80, $0x38;
	[tilespmem:$0x12280] =	vst v63  }
0x178: {  	s26 =	sand.u32 $0x1FFFFFF0, s30  }
0x179: {  	s31 =	sadd.s32 $0x3600, s25;
	s26 =	sadd.s32 s7, s26;
	s28 =	spop (v2sf);
	(v2sf) =	vpush v2, $0xC  }
0x17a: {  	[tilespmem:s31], [sflag:$0x1] =	stream.linear.gather [hbm4b:s26+s4], $0x80, $0x38;
	[tilespmem:$0x12280] =	vst v63  }
0x17b: {  	s26 =	sand.u32 $0x1FFFFFF0, s28;
	s30 =	spop (v2sf);
	(v2sf) =	vpush v2, $0xD  }
0x17c: {  	s29 =	sadd.s32 $0x3680, s25;
	s26 =	sadd.s32 s7, s26  }
0x17d: {  	[tilespmem:s29], [sflag:$0x1] =	stream.linear.gather [hbm4b:s26+s4], $0x80, $0x38;
	[tilespmem:$0x12280] =	vst v63  }
0x17e: {  	s28 =	spop (v2sf);
	(v2sf) =	vpush v2, $0xE  }
0x17f: {  	s26 =	sand.u32 $0x1FFFFFF0, s30  }
0x180: {  	s31 =	sadd.s32 $0x3700, s25;
	s26 =	sadd.s32 s6, s26;
	s30 =	spop (v2sf)  }
0x181: {  	(v2sf) =	vpush v2, $0xF;
	[tilespmem:s31], [sflag:$0x1] =	stream.linear.gather [hbm4b:s26+s4], $0x80, $0x38;
	[tilespmem:$0x12280] =	vst v63  }
0x182: {  	s26 =	sand.u32 $0x1FFFFFF0, s28  }
0x183: {  	s29 =	sadd.s32 $0x3780, s25;
	s26 =	sadd.s32 s7, s26  }
0x184: {  	[tilespmem:s29], [sflag:$0x1] =	stream.linear.gather [hbm4b:s26+s4], $0x80, $0x38;
	[tilespmem:$0x12280] =	vst v63  }
0x185: {  	s26 =	sand.u32 $0x1FFFFFF0, s30  }
0x186: {  	s31 =	sadd.s32 $0x3800, s25;
	s26 =	sadd.s32 s7, s26  }
0x187: {  	[tilespmem:s31], [sflag:$0x1] =	stream.linear.gather [hbm4b:s26+s4], $0x80, $0x38;
	[tilespmem:$0x12280] =	vst v63  }
0x188: {  	s28 =	spop (v2sf)  }
0x189: {  	s26 =	sand.u32 $0x1FFFFFF0, s28  }
0x18a: {  	s29 =	sadd.s32 $0x3880, s25;
	s30 =	spop (v2sf);
	s26 =	sadd.s32 s7, s26  }
0x18b: {  	[tilespmem:s29], [sflag:$0x1] =	stream.linear.gather [hbm4b:s26+s4], $0x80, $0x38;
	[tilespmem:$0x12280] =	vst v63  }
0x18c: {  	s21 =	sadd.s32 $0x10, s21;
	s26 =	sand.u32 $0x1FFFFFF0, s30  }
0x18d: {  	s31 =	sadd.s32 $0x3900, s25;
	s29 =	spop (v2sf);
	s26 =	sadd.s32 s7, s26  }
0x18e: {  	[tilespmem:s31], [sflag:$0x1] =	stream.linear.gather [hbm4b:s26+s4], $0x80, $0x38;
	[tilespmem:$0x12280] =	vst v63  }
0x18f: {  	p0 =	sne.s32 s24, $0x2A000;
	s30 =	sadd.s32 $0x3980, s25;
	s26 =	sand.u32 $0x1FFFFFF0, s29  }
.Ltmp0:
0x190: {  	s31 =	spop (v2sf);
	s26 =	sadd.s32 s7, s26;
	(pc) =	sbr.rel @p0 .LBB2_3-.Ltmp0, $4  }
0x191: {  	[tilespmem:s30], [sflag:$0x1] =	stream.linear.gather [hbm4b:s26+s4], $0x80, $0x38;
	[tilespmem:$0x12280] =	vst v63  }
0x192: {  	s22 =	sadd.s32 $0x10, s22;
	s23 =	sadd.s32 $0x50, s23;
	s26 =	sand.u32 $0x1FFFFFF0, s31  }
0x193: {  	s24 =	sadd.s32 $0xE000, s24;
	s25 =	sadd.s32 $0x3A00, s25;
	s26 =	sadd.s32 s7, s26  }
0x194: {  	[tilespmem:s25], [sflag:$0x1] =	stream.linear.gather [hbm4b:s26+s4], $0x80, $0x38;
	[tilespmem:$0x12280] =	vst v63  }
0x195: {  	_ =	swait.ge [sflag:s14], $0xE000  }
0x196: {  	[sflag:s14] =	ssyncset.done $0x0  }
0x197: {  	s22 =	simm.s32 $0x420;
	[sflag:s14] =	ssyncadd.s32 $0xFFFF2000  }
0x198: {  	v2 =	vld [tilespmem:s22+$0xFFFFFF10]  }
0x199: {  	v3 =	vld [tilespmem:s22+$0xFFFFFF00]  }
0x19a: {  	v4 =	vld [tilespmem:s22+$0x110]  }
0x19b: {  	v5 =	vld [tilespmem:s22+$0xFFFFFEF0]  }
0x19c: {  	v6 =	vld [tilespmem:s22+$0x170]  }
0x19d: {  	v7 =	vld [tilespmem:s22+$0x90]  }
0x19e: {  	v8 =	vld [tilespmem:s22+$0xFFFFFEE0]  }
0x19f: {  	v9 =	vld [tilespmem:s22+$0x160]  }
0x1a0: {  	v11 =	vld [tilespmem:s22+$0x80]  }
0x1a1: {  	v10 =	vld [tilespmem:s22+$0x10]  }
0x1a2: {  	v12 =	vld [tilespmem:s22+$0xE0]  }
0x1a3: {  	v13 =	vld [tilespmem:s22+$0x0]  }
0x1a4: {  	v14 =	vld [tilespmem:s22+$0x60]  }
0x1a5: {  	v15 =	vld [tilespmem:s22+$0xFFFFFFE0]  }
0x1a6: {  	s21 =	simm.s32 $0x0;
	v1 =	vmov s19;
	v0 =	vmov s18;
	s23 =	simm.s32 $0x40;
	v16 =	vld [tilespmem:s22+$0xFFFFFF60]  }
.LBB2_5:
0x1a7: {  	p0 =	sne.s32 s23, $0xFC0;
	v17 =	vld [tilespmem:s22+$0xFFFFFFF0]  }
0x1a8: {  	v18 =	vld [tilespmem:s22+$0xFFFFFF70]  }
0x1a9: {  	v19 =	vld [tilespmem:s22+$0xFFFFFF80]  }
0x1aa: {  	v20 =	vld [tilespmem:s22+$0x70]  }
0x1ab: {  	v15 =	vadd.f32 v15, v16;
	v16 =	vld [tilespmem:s22+$0xFFFFFF90]  }
0x1ac: {  	v21 =	vld [tilespmem:s22+$0xF0]  }
0x1ad: {  	v22 =	vld [tilespmem:s22+$0xFFFFFE60];
	v14 =	vadd.f32 v14, v15;
	v15 =	vadd.f32 v17, v18  }
0x1ae: {  	v13 =	vadd.f32 v13, v19;
	v17 =	vld [tilespmem:s22+$0x100]  }
0x1af: {  	v12 =	vadd.f32 v12, v14;
	v14 =	vld [tilespmem:s22+$0xFFFFFE70];
	v15 =	vadd.f32 v20, v15  }
0x1b0: {  	v11 =	vadd.f32 v11, v13;
	v13 =	vld [tilespmem:s22+$0x180];
	v10 =	vadd.f32 v10, v16  }
0x1b1: {  	v9 =	vadd.f32 v9, v12;
	v12 =	vadd.f32 v21, v15;
	v15 =	vld [tilespmem:s22+$0xFFFFFE80]  }
0x1b2: {  	v8 =	vmul.f32 v8, v22;
	v7 =	vadd.f32 v7, v10;
	v10 =	vld [tilespmem:s22+$0x190]  }
0x1b3: {  	v9 =	vmul.f32 v9, v22;
	v6 =	vadd.f32 v6, v12;
	v11 =	vadd.f32 v17, v11;
	v12 =	vld [tilespmem:s22+$0xFFFFFE90]  }
0x1b4: {  	v8 =	vadd.f32 $0.0e+00, v8;
	v5 =	vmul.f32 v5, v14;
	v4 =	vadd.f32 v4, v7  }
0x1b5: {  	v7 =	vadd.f32 $0.0e+00, v9;
	v6 =	vmul.f32 v6, v14;
	v9 =	vadd.f32 v13, v11  }
0x1b6: {  	v5 =	vadd.f32 v5, v8;
	v3 =	vmul.f32 v3, v15  }
0x1b7: {  	v6 =	vadd.f32 v6, v7;
	v7 =	vmul.f32 v9, v15;
	v4 =	vadd.f32 v10, v4  }
0x1b8: {  	v3 =	vadd.f32 v3, v5;
	v2 =	vmul.f32 v2, v12  }
0x1b9: {  	v5 =	vadd.f32 v7, v6;
	v4 =	vmul.f32 v4, v12  }
0x1ba: {  	v2 =	vadd.f32 v2, v3  }
0x1bb: {  	s24 =	sshra.s32 s21, $0x2;
	s21 =	smov.u32 s23;
	v3 =	vadd.f32 v4, v5  }
0x1bc: {  	[tilespmem:v1+s24+$0x0 ss:$0x1] =	vst.idx.msk $0xffff, v2  }
0x1bd: {  	s22 =	sadd.s32 $0x380, s22;
	[tilespmem:v0+s24+$0x0 ss:$0x1] =	vst.idx.msk $0xffff, v3  }
0x1be: {  	v2 =	vld [tilespmem:s22+$0xFFFFFF10]  }
0x1bf: {  	v3 =	vld [tilespmem:s22+$0xFFFFFF00]  }
0x1c0: {  	v4 =	vld [tilespmem:s22+$0x110]  }
0x1c1: {  	v5 =	vld [tilespmem:s22+$0xFFFFFEF0]  }
0x1c2: {  	v6 =	vld [tilespmem:s22+$0x170]  }
0x1c3: {  	v7 =	vld [tilespmem:s22+$0x90]  }
0x1c4: {  	v8 =	vld [tilespmem:s22+$0xFFFFFEE0]  }
0x1c5: {  	v9 =	vld [tilespmem:s22+$0x160]  }
0x1c6: {  	v11 =	vld [tilespmem:s22+$0x80]  }
0x1c7: {  	v10 =	vld [tilespmem:s22+$0x10]  }
.Ltmp1:
0x1c8: {  	v12 =	vld [tilespmem:s22+$0xE0];
	(pc) =	sbr.rel @p0 .LBB2_5-.Ltmp1, $4  }
0x1c9: {  	v13 =	vld [tilespmem:s22+$0x0]  }
0x1ca: {  	v14 =	vld [tilespmem:s22+$0x60]  }
0x1cb: {  	v15 =	vld [tilespmem:s22+$0xFFFFFFE0]  }
0x1cc: {  	s23 =	sadd.s32 $0x40, s23;
	v16 =	vld [tilespmem:s22+$0xFFFFFF60]  }
0x1cd: {  	v17 =	vld [tilespmem:s22+$0xFFFFFFF0]  }
0x1ce: {  	v18 =	vld [tilespmem:s22+$0xFFFFFF70]  }
0x1cf: {  	v19 =	vld [tilespmem:s22+$0xFFFFFF80]  }
0x1d0: {  	v20 =	vld [tilespmem:s22+$0x70]  }
0x1d1: {  	v50 =	vld [tilespmem:s22+$0xFFFFFF90];
	v15 =	vadd.f32 v15, v16  }
0x1d2: {  	v21 =	vld [tilespmem:s22+$0xF0]  }
0x1d3: {  	v22 =	vld [tilespmem:s22+$0xFFFFFE60];
	v51 =	vadd.f32 v17, v18;
	v14 =	vadd.f32 v14, v15  }
0x1d4: {  	v52 =	vld [tilespmem:s22+$0x100];
	v13 =	vadd.f32 v13, v19  }
0x1d5: {  	v53 =	vld [tilespmem:s22+$0xFFFFFE70];
	v15 =	vadd.f32 v20, v51;
	v12 =	vadd.f32 v12, v14  }
0x1d6: {  	v54 =	vld [tilespmem:s22+$0x180];
	v10 =	vadd.f32 v10, v50;
	v11 =	vadd.f32 v11, v13  }
0x1d7: {  	v56 =	vld [tilespmem:s22+$0xFFFFFE80];
	v55 =	vadd.f32 v21, v15;
	v9 =	vadd.f32 v9, v12  }
0x1d8: {  	v57 =	vld [tilespmem:s22+$0x190];
	v8 =	vmul.f32 v8, v22;
	v7 =	vadd.f32 v7, v10  }
0x1d9: {  	v58 =	vld [tilespmem:s22+$0xFFFFFE90];
	v11 =	vadd.f32 v52, v11;
	v6 =	vadd.f32 v6, v55;
	v9 =	vmul.f32 v9, v22  }
0x1da: {  	v5 =	vmul.f32 v5, v53;
	v8 =	vadd.f32 $0.0e+00, v8;
	v4 =	vadd.f32 v4, v7  }
0x1db: {  	v60 =	vadd.f32 v54, v11;
	v6 =	vmul.f32 v6, v53;
	v59 =	vadd.f32 $0.0e+00, v9  }
0x1dc: {  	v3 =	vmul.f32 v3, v56;
	v5 =	vadd.f32 v5, v8  }
0x1dd: {  	s20 =	sadd.s32 $0x1, s20;
	v4 =	vadd.f32 v57, v4;
	v61 =	vmul.f32 v60, v56;
	v6 =	vadd.f32 v6, v59  }
0x1de: {  	p0 =	sne.s32 s20, $0x8;
	v2 =	vmul.f32 v2, v58;
	v3 =	vadd.f32 v3, v5  }
.Ltmp2:
0x1df: {  	v4 =	vmul.f32 v4, v58;
	v62 =	vadd.f32 v61, v6;
	(pc) =	sbr.rel @p0 .LBB2_2-.Ltmp2, $4  }
0x1e0: {  	v2 =	vadd.f32 v2, v3  }
0x1e1: {  	s21 =	sshra.s32 s21, $0x2;
	v63 =	vadd.f32 v4, v62  }
0x1e2: {  	[tilespmem:v1+s21+$0x0 ss:$0x1] =	vst.idx.msk $0xffff, v2  }
0x1e3: {  	s19 =	sadd.s32 $0x400, s19;
	s18 =	sadd.s32 $0x400, s18;
	[tilespmem:v0+s21+$0x0 ss:$0x1] =	vst.idx.msk $0xffff, v63  }
0x1e4: {  	[hbm4b:s9+s4] =	stream.linear.scatter [tilespmem:s15], [sflag:$0x2], $0x2000, $0x38;
	[tilespmem:$0x12280] =	vst v63  }
0x1e5: {  	s17 =	sadd.s32 $0x1, s17;
	_ =	swait.ge [sflag:s12], $0x2000  }
0x1e6: {  	p0 =	sne.s32 s17, s11;
	[sflag:s12] =	ssyncset.done $0x0  }
.Ltmp3:
0x1e7: {  	[sflag:s12] =	ssyncadd.s32 $0xFFFFE000;
	(pc) =	sbr.rel @p0 .LBB2_1-.Ltmp3, $4  }
0x1e8: {  	[hbm4b:s10+s4] =	stream.linear.scatter [tilespmem:s16], [sflag:$0x2], $0x2000, $0x38;
	[tilespmem:$0x12280] =	vst v63  }
0x1e9: {  	_ =	swait.ge [sflag:s12], $0x2000  }
0x1ea: {  	[sflag:s12] =	ssyncset.done $0x0  }
0x1eb: {  	[sflag:s12] =	ssyncadd.s32 $0xFFFFE000  }
0x1ec: {  	_ =	sfence.sel $0x180000  }
0x1ed: {  	[bflag:$0x0] =	sbarrier.arrive $0xFFFF  }
0x1ee: {  	p0 =	sne.s32 s3, $0x0;
	_ =	strace $0x90000047  }
0x1ef: {  	s0 =	sadd.s32 @!p0 $0x100000, s0;
	[bflag:$0x2] =	sbarrier.arrive $0xFFFF  }
0x1f0: {  	[sflag:s0] =	ssyncadd.tile.s32 @!p0 $0x1;
	_ =	shalt  }
.Lfunc_end2:
_tile_overlayer_lowered:
.L_overlay_start_2:
0x1f1: {  	(tag) =	ssettag $0x2  }
0x1f2: {  	s0 =	rddreg [dreg:$0x0];
	s2 =	stileid.u32  }
0x1f3: {  	s1 =	rddreg [dreg:$0x1];
	p0 =	sne.s32 s2, $0x0  }
0x1f4: {  	s3 =	rddreg [dreg:$0x2];
	[bflag:$0x3] =	sbarrier.arrive $0xFFFF;
	s2 =	simm.s32 @!p0 $0x1C02  }
0x1f5: {  	[timem:s3], [sflag:s2] =	dma.local @!p0 [hbm:s0], s1  }
0x1f6: {  	s0 =	simm.s32 @!p0 $0x2  }
0x1f7: {  	_ =	swait.ge @!p0 [sflag:s0], s1  }
0x1f8: {  	s1 =	ssub.s32 @!p0 $0x0, s1;
	[sflag:s0] =	ssyncset.done @!p0 $0x0  }
0x1f9: {  	[sflag:s0] =	ssyncadd.s32 @!p0 s1  }
0x1fa: {  	[bflag:$0x3] =	sbarrier.arrive $0xFFFF  }
0x1fb: {  	_ =	shalt  }

</sc_bundles>
